<compile_context>
chip_gen: v7x
topology: tpu7x:2x2x1
jax: 0.10.2.dev20260603
libtpu: 0.0.44.dev20260713+nightly
codegen_flags: <defaults>
</compile_context>

<pallas_src>
import functools

import jax
import jax.numpy as jnp
from jax import lax
from jax.experimental import pallas as pl
from jax.experimental.pallas import tpu as pltpu
from jax.experimental.pallas import tpu_sc as plsc

KNN = 40
EPS = 1e-5
NEG = -3e38


def _pre_body(xt_ref, xf_ref, xxr_ref, wa_ref, wz_ref, p_ref, y_ref, z_ref):
    xt = xt_ref[0]
    xf = xf_ref[0]
    gram = lax.dot_general(xt, xf, (((1,), (1,)), ((), ())),
                           preferred_element_type=jnp.float32)
    inner = -2.0 * gram
    p_ref[0] = -inner - xxr_ref[0]
    y_ref[0] = jnp.dot(xt, wa_ref[...], precision=lax.Precision.HIGHEST,
                       preferred_element_type=jnp.float32)
    z_ref[0] = jnp.dot(xt, wz_ref[...], precision=lax.Precision.HIGHEST,
                       preferred_element_type=jnp.float32)


def _pre(xt_pad, xxr, wa, wz):
    bsz, n, cp = xt_pad.shape
    d = wa.shape[1]
    tn = 512
    grid = (bsz, n // tn)
    return pl.pallas_call(
        _pre_body,
        grid=grid,
        in_specs=[
            pl.BlockSpec((1, tn, cp), lambda b, i: (b, i, 0)),
            pl.BlockSpec((1, n, cp), lambda b, i: (b, 0, 0)),
            pl.BlockSpec((1, 1, n), lambda b, i: (b, 0, 0)),
            pl.BlockSpec((cp, d), lambda b, i: (0, 0)),
            pl.BlockSpec((cp, d), lambda b, i: (0, 0)),
        ],
        out_specs=[
            pl.BlockSpec((1, tn, n), lambda b, i: (b, i, 0)),
            pl.BlockSpec((1, tn, d), lambda b, i: (b, i, 0)),
            pl.BlockSpec((1, tn, d), lambda b, i: (b, i, 0)),
        ],
        out_shape=[
            jax.ShapeDtypeStruct((bsz, n, n), jnp.float32),
            jax.ShapeDtypeStruct((bsz, n, d), jnp.float32),
            jax.ShapeDtypeStruct((bsz, n, d), jnp.float32),
        ],
    )(xt_pad, xt_pad, xxr, wa, wz)


def _dist_body(xt_ref, xf_ref, xxr_ref, p_ref):
    gram = lax.dot_general(xt_ref[0], xf_ref[0], (((1,), (1,)), ((), ())),
                           preferred_element_type=jnp.float32)
    inner = -2.0 * gram
    p_ref[0] = -inner - xxr_ref[0]


def _dist(xt_pad, xxr):
    bsz, n, cp = xt_pad.shape
    tn = 512
    return pl.pallas_call(
        _dist_body,
        grid=(bsz, n // tn),
        in_specs=[
            pl.BlockSpec((1, tn, cp), lambda b, i: (b, i, 0)),
            pl.BlockSpec((1, n, cp), lambda b, i: (b, 0, 0)),
            pl.BlockSpec((1, 1, n), lambda b, i: (b, 0, 0)),
        ],
        out_specs=pl.BlockSpec((1, tn, n), lambda b, i: (b, i, 0)),
        out_shape=jax.ShapeDtypeStruct((bsz, n, n), jnp.float32),
    )(xt_pad, xt_pad, xxr)


def _topk_body(n, p_ref, o_ref):
    bidx = pl.program_id(0)
    p0 = p_ref[0]
    tr = p0.shape[0]
    iota = lax.broadcasted_iota(jnp.int32, (tr, n), 1)
    lane64 = lax.broadcasted_iota(jnp.int32, (tr, 64), 1)

    def body(k, carry):
        p, acc, t = carry
        m = jnp.max(p, axis=1, keepdims=True)
        am = jnp.min(jnp.where(p >= m, iota, n), axis=1,
                     keepdims=True)
        acc = jnp.where(lane64 == k, am + bidx * n, acc)
        p = jnp.where(iota == am, NEG, p)
        return p, acc, m

    init = (p0, jnp.zeros((tr, 64), jnp.int32), jnp.zeros((tr, 1), jnp.float32))
    _, acc, t = lax.fori_loop(0, KNN, body, init)
    tbits = lax.bitcast_convert_type(t, jnp.int32)
    o_ref[0] = jnp.where(lane64 >= KNN, tbits, acc)


def _topk(p):
    bsz, n, _ = p.shape
    tr = 256
    grid = (bsz, n // tr)
    return pl.pallas_call(
        functools.partial(_topk_body, n),
        grid=grid,
        in_specs=[pl.BlockSpec((1, tr, n), lambda b, i: (b, i, 0))],
        out_specs=pl.BlockSpec((1, tr, 64), lambda b, i: (b, i, 0)),
        out_shape=jax.ShapeDtypeStruct((bsz, n, 64), jnp.int32),
    )(p)


def _edge_body(p_ref, tk_ref, y_ref, z_ref, o_ref):
    p = p_ref[0]
    t = lax.bitcast_convert_type(tk_ref[0][:, KNN:KNN + 1], jnp.float32)
    mask = (p >= t).astype(jnp.float32)
    y = y_ref[0]
    z = z_ref[0]
    s = jnp.dot(mask, y, precision=lax.Precision.HIGHEST,
                preferred_element_type=jnp.float32)
    s2 = jnp.dot(mask, y * y, precision=lax.Precision.HIGHEST,
                 preferred_element_type=jnp.float32)
    p1 = jnp.sum(s + KNN * z, axis=0, keepdims=True)
    p2 = jnp.sum(s2 + 2.0 * z * s + KNN * (z * z), axis=0, keepdims=True)
    o_ref[0, 0] = jnp.concatenate([p1, p2], axis=0)


def _edge(p, tk, y, z):
    bsz, n, d = y.shape
    te = 512
    grid = (bsz, n // te)
    return pl.pallas_call(
        _edge_body,
        grid=grid,
        in_specs=[
            pl.BlockSpec((1, te, n), lambda b, i: (b, i, 0)),
            pl.BlockSpec((1, te, 64), lambda b, i: (b, i, 0)),
            pl.BlockSpec((1, n, d), lambda b, i: (b, 0, 0)),
            pl.BlockSpec((1, te, d), lambda b, i: (b, i, 0)),
        ],
        out_specs=pl.BlockSpec((1, 1, 2, d), lambda b, i: (b, i, 0, 0)),
        out_shape=jax.ShapeDtypeStruct((bsz, n // te, 2, d), jnp.float32),
    )(p, tk, y, z)


def _neighbor_max(y_flat, idx):
    r, d = y_flat.shape
    info = plsc.get_sparse_core_info()
    nc, ns = info.num_cores, info.num_subcores
    nw = nc * ns
    rpw = r // nw
    mesh = plsc.VectorSubcoreMesh(core_axis_name="c", subcore_axis_name="s")

    nb = 2
    k2 = nb * KNN
    nchunk = rpw // nb
    idx2 = idx.reshape(r // nb, k2)

    @functools.partial(
        pl.kernel,
        mesh=mesh,
        out_type=jax.ShapeDtypeStruct((r, d), jnp.float32),
        scratch_types=[
            pltpu.VMEM((nchunk, k2), jnp.int32),
            pltpu.VMEM((2, k2, d), jnp.float32),
            pltpu.VMEM((rpw, d), jnp.float32),
            pltpu.SemaphoreType.DMA,
            pltpu.SemaphoreType.DMA,
        ],
    )
    def scmax(y_hbm, idx_hbm, out_hbm, idx_v, rows_v, mblk_v, sem0, sem1):
        wid = lax.axis_index("s") * nc + lax.axis_index("c")
        base = wid * nchunk
        sems = (sem0, sem1)
        pltpu.sync_copy(idx_hbm.at[pl.ds(base, nchunk)], idx_v)
        pltpu.async_copy(y_hbm.at[idx_v.at[0]], rows_v.at[0], sems[0])

        def chunk(i, carry):
            def one(b, j):
                pltpu.make_async_copy(y_hbm.at[idx_v.at[j]],
                                      rows_v.at[b], sems[b]).wait()

                @pl.when(j + 1 < nchunk)
                def _():
                    pltpu.async_copy(y_hbm.at[idx_v.at[j + 1]],
                                     rows_v.at[1 - b], sems[1 - b])

                for node in range(nb):
                    for ds in range(d // 16):
                        sl = pl.ds(ds * 16, 16)
                        m = rows_v[b, node * KNN, sl]
                        for k in range(1, KNN):
                            m = jnp.maximum(m, rows_v[b, node * KNN + k, sl])
                        mblk_v[nb * j + node, sl] = m

            one(0, 2 * i)
            one(1, 2 * i + 1)
            return carry

        lax.fori_loop(0, nchunk // 2, chunk, 0)
        pltpu.sync_copy(mblk_v, out_hbm.at[pl.ds(base * nb, rpw)])

    return scmax(y_flat, idx2)


def _gather_rows(table2, idxp):
    r2, wdt = table2.shape
    r, k = idxp.shape
    info = plsc.get_sparse_core_info()
    nc, ns = info.num_cores, info.num_subcores
    nw = nc * ns
    rpw = r // nw
    mesh = plsc.VectorSubcoreMesh(core_axis_name="c", subcore_axis_name="s")

    nb = 2
    k2 = nb * k
    nchunk = rpw // nb
    idx2 = idxp.reshape(r // nb, k2)

    @functools.partial(
        pl.kernel,
        mesh=mesh,
        out_type=jax.ShapeDtypeStruct((r // nb, k2, wdt), jnp.float32),
        scratch_types=[
            pltpu.VMEM((nchunk, k2), jnp.int32),
            pltpu.VMEM((2, k2, wdt), jnp.float32),
            pltpu.SemaphoreType.DMA,
            pltpu.SemaphoreType.DMA,
        ],
    )
    def gk(tab_hbm, idx_hbm, out_hbm, idx_v, rows_v, sem0, sem1):
        wid = lax.axis_index("s") * nc + lax.axis_index("c")
        base = wid * nchunk
        sems = (sem0, sem1)
        pltpu.sync_copy(idx_hbm.at[pl.ds(base, nchunk)], idx_v)
        pltpu.async_copy(tab_hbm.at[idx_v.at[0]], rows_v.at[0], sems[0])

        def chunk(i, carry):
            def one(b, j):
                pltpu.make_async_copy(tab_hbm.at[idx_v.at[j]],
                                      rows_v.at[b], sems[b]).wait()

                @pl.when(j + 1 < nchunk)
                def _():
                    pltpu.async_copy(tab_hbm.at[idx_v.at[j + 1]],
                                     rows_v.at[1 - b], sems[1 - b])

                pltpu.sync_copy(rows_v.at[b], out_hbm.at[base + j])

            one(0, 2 * i)
            one(1, 2 * i + 1)
            return carry

        lax.fori_loop(0, nchunk // 2, chunk, 0)

    return gk(table2, idx2).reshape(r, k, wdt)


def _faithful_body(c, g_ref, xt_ref, par_ref, w_ref, hmax_ref, o_ref):
    g = g_ref[0]
    tn = g.shape[0]
    hw = g.shape[2] // 2
    par = par_ref[0][:, :, None]
    gh = jnp.where(par == 1, g[:, :, hw:], g[:, :, :hw])
    gc = gh[:, :, :c]
    xc = xt_ref[0][:, :c]
    xcb = jnp.broadcast_to(xc[:, None, :], gc.shape)
    f = jnp.concatenate([gc - xcb, xcb], axis=2)
    f2 = f.reshape(tn * KNN, 2 * c)
    h = jnp.dot(f2, w_ref[...], preferred_element_type=jnp.float32)
    d = h.shape[1]
    hmax_ref[0] = jnp.max(h.reshape(tn, KNN, d), axis=1)
    o_ref[0, 0] = jnp.concatenate([
        jnp.sum(h, axis=0, keepdims=True),
        jnp.sum(h * h, axis=0, keepdims=True)], axis=0)


def _faithful(g_rows, xt_h, par, w, c):
    bsz, n, k, wdt = g_rows.shape
    hw = wdt // 2
    d = w.shape[1]
    tn = 128
    grid = (bsz, n // tn)
    return pl.pallas_call(
        functools.partial(_faithful_body, c),
        grid=grid,
        in_specs=[
            pl.BlockSpec((1, tn, k, wdt), lambda bb, i: (bb, i, 0, 0)),
            pl.BlockSpec((1, tn, hw), lambda bb, i: (bb, i, 0)),
            pl.BlockSpec((1, tn, k), lambda bb, i: (bb, i, 0)),
            pl.BlockSpec((2 * c, d), lambda bb, i: (0, 0)),
        ],
        out_specs=[
            pl.BlockSpec((1, tn, d), lambda bb, i: (bb, i, 0)),
            pl.BlockSpec((1, 1, 2, d), lambda bb, i: (bb, i, 0, 0)),
        ],
        out_shape=[
            jax.ShapeDtypeStruct((bsz, n, d), jnp.float32),
            jax.ShapeDtypeStruct((bsz, n // tn, 2, d), jnp.float32),
        ],
    )(g_rows, xt_h, par, w)


def _apply_body(count, m_ref, z_ref, p1_ref, p2_ref, g_ref, b_ref, o_ref):
    s1 = jnp.sum(p1_ref[...], axis=0, keepdims=True)
    s2 = jnp.sum(p2_ref[...], axis=0, keepdims=True)
    mean = s1 / count
    var = s2 / count - mean * mean
    v = (m_ref[0] + z_ref[0] - mean) / jnp.sqrt(var + EPS) * g_ref[...] \
        + b_ref[...]
    o_ref[0] = jnp.where(v >= 0.0, v, 0.2 * v)


def _apply(m, z, psums, g, b):
    bsz, n, d = m.shape
    nt = psums.shape[0] * psums.shape[1]
    p1s = psums[:, :, 0, :].reshape(nt, d)
    p2s = psums[:, :, 1, :].reshape(nt, d)
    count = float(bsz * n * KNN)
    ta = 1024
    grid = (bsz, n // ta)
    return pl.pallas_call(
        functools.partial(_apply_body, count),
        grid=grid,
        in_specs=[
            pl.BlockSpec((1, ta, d), lambda bb, i: (bb, i, 0)),
            pl.BlockSpec((1, ta, d), lambda bb, i: (bb, i, 0)),
            pl.BlockSpec((nt, d), lambda bb, i: (0, 0)),
            pl.BlockSpec((nt, d), lambda bb, i: (0, 0)),
            pl.BlockSpec((1, d), lambda bb, i: (0, 0)),
            pl.BlockSpec((1, d), lambda bb, i: (0, 0)),
        ],
        out_specs=pl.BlockSpec((1, ta, d), lambda bb, i: (bb, i, 0)),
        out_shape=jax.ShapeDtypeStruct((bsz, n, d), jnp.float32),
    )(m, z, p1s, p2s, g.reshape(1, d), b.reshape(1, d))


def _final_body(wm_ref, bm_ref, xf_ref, o_ref):
    ym = jnp.dot(xf_ref[0], wm_ref[...], precision=lax.Precision.HIGHEST,
                 preferred_element_type=jnp.float32) + bm_ref[...]
    p1 = jnp.sum(ym, axis=0, keepdims=True)
    p2 = jnp.sum(ym * ym, axis=0, keepdims=True)
    pm = jnp.max(ym, axis=0, keepdims=True)
    o_ref[0, 0] = jnp.concatenate([p1, p2, pm], axis=0)


def _final_partials(xf_pad, wm_pad, bm):
    bsz, n, cp = xf_pad.shape
    f = wm_pad.shape[1]
    tf = 512
    grid = (bsz, n // tf)
    return pl.pallas_call(
        _final_body,
        grid=grid,
        in_specs=[
            pl.BlockSpec((cp, f), lambda b, i: (0, 0)),
            pl.BlockSpec((1, f), lambda b, i: (0, 0)),
            pl.BlockSpec((1, tf, cp), lambda b, i: (b, i, 0)),
        ],
        out_specs=pl.BlockSpec((1, 1, 3, f), lambda b, i: (b, i, 0, 0)),
        out_shape=jax.ShapeDtypeStruct((bsz, n // tf, 3, f), jnp.float32),
    )(wm_pad, bm.reshape(1, f), xf_pad)


def _fin2_body(count, p1_ref, p2_ref, pm_ref, g_ref, b_ref, o_ref):
    s1 = jnp.sum(p1_ref[...], axis=0, keepdims=True)
    s2 = jnp.sum(p2_ref[...], axis=0, keepdims=True)
    mean = s1 / count
    var = s2 / count - mean * mean
    pmax = jnp.max(pm_ref[...], axis=1)
    v = (pmax - mean) / jnp.sqrt(var + EPS) * g_ref[...] + b_ref[...]
    o_ref[...] = jnp.maximum(v, 0.0)


def _fin2(parts, gm, bg, bsz, n):
    _, nt, _, f = parts.shape
    p1s = parts[:, :, 0, :].reshape(bsz * nt, f)
    p2s = parts[:, :, 1, :].reshape(bsz * nt, f)
    pms = parts[:, :, 2, :]
    count = float(bsz * n)
    return pl.pallas_call(
        functools.partial(_fin2_body, count),
        in_specs=[
            pl.BlockSpec(p1s.shape, lambda: (0, 0)),
            pl.BlockSpec(p2s.shape, lambda: (0, 0)),
            pl.BlockSpec(pms.shape, lambda: (0, 0, 0)),
            pl.BlockSpec((1, f), lambda: (0, 0)),
            pl.BlockSpec((1, f), lambda: (0, 0)),
        ],
        out_specs=pl.BlockSpec((bsz, f), lambda: (0, 0)),
        out_shape=jax.ShapeDtypeStruct((bsz, f), jnp.float32),
    )(p1s, p2s, pms, gm.reshape(1, f), bg.reshape(1, f))


def _faithful_layer(xt, w, g, b, c):
    bsz, n, _ = xt.shape
    r = bsz * n
    cp = 128
    xt_pad = jnp.pad(xt, ((0, 0), (0, 0), (0, cp - c)))
    xcm = jnp.transpose(xt, (0, 2, 1))
    xxr = jnp.sum(xcm * xcm, axis=1)[:, None, :]
    p = _dist(xt_pad, xxr)
    tk = _topk(p)
    idx = tk[:, :, :KNN].reshape(r, KNN)
    idxp = idx >> 1
    par = (idx & 1).reshape(bsz, n, KNN)
    hw = max(64, c)
    xt_h = jnp.pad(xt, ((0, 0), (0, 0), (0, hw - c)))
    table = xt_h.reshape(r // 2, 2 * hw)
    g_rows = _gather_rows(table, idxp).reshape(bsz, n, KNN, 2 * hw)
    hmax, psums = _faithful(g_rows, xt_h, par, w, c)
    return _apply(hmax, jnp.zeros_like(hmax), psums, g, b)


def _edge_layer(xt, w, g, b, c, cp):
    bsz, n, _ = xt.shape
    d = w.shape[1]
    dp = -(-d // 128) * 128
    xt_pad = jnp.pad(xt, ((0, 0), (0, 0), (0, cp - c)))
    wa = jnp.pad(w[:c], ((0, cp - c), (0, dp - d)))
    wz = jnp.pad(w[c:] - w[:c], ((0, cp - c), (0, dp - d)))
    xcm = jnp.transpose(xt, (0, 2, 1))
    xxr = jnp.sum(xcm * xcm, axis=1)[:, None, :]
    p, y, z = _pre(xt_pad, xxr, wa, wz)
    tk = _topk(p)
    idx = tk[:, :, :KNN].reshape(bsz * n, KNN)
    m = _neighbor_max(y.reshape(bsz * n, dp), idx).reshape(bsz, n, dp)
    psums = _edge(p, tk, y, z)
    out = _apply(m, z, psums, jnp.pad(g, (0, dp - d)), jnp.pad(b, (0, dp - d)))
    return out[:, :, :d]


def kernel(x, W1, g1, b1, W2, g2, b2, W3, g3, b3, Wm, bm, gm, bg):
    bsz, _, n = x.shape
    xt = jnp.transpose(x, (0, 2, 1))
    x1 = _faithful_layer(xt, W1, g1, b1, 3)
    x2 = _faithful_layer(x1, W2, g2, b2, 64)
    x3 = _faithful_layer(x2, W3, g3, b3, 128)
    xf = jnp.concatenate([x1, x2, x3], axis=2)
    cf = xf.shape[2]
    cp = 512
    xf_pad = jnp.pad(xf, ((0, 0), (0, 0), (0, cp - cf)))
    wm_pad = jnp.pad(Wm, ((0, cp - cf), (0, 0)))
    parts = _final_partials(xf_pad, wm_pad, bm)
    x4 = _fin2(parts, gm, bg, bsz, n)
    x_features = jnp.transpose(xf, (0, 2, 1))
    return (x4, x_features)

# --- scband reference (transcript-rebuilt; emitter-appended) ---
"""Pipeline reference for scband-dgcnnencoder-gn-39075612459158 (READ-ONLY COPY).

The authoritative reference and input builder live on the scoring server;
editing this copy changes nothing except your own understanding.
"""

import jax, jax.numpy as jnp
import numpy as np

K_NN = 40


def knn(x, k):
    # x: [B, C, N] -> idx [B, N, k]
    inner = -2.0 * jnp.einsum('bcn,bcm->bnm', x, x)
    xx = jnp.sum(x * x, axis=1)  # [B, N]
    pairwise = -xx[:, :, None] - inner - xx[:, None, :]
    idx = jax.lax.top_k(pairwise, k)[1]
    return idx


def get_graph_feature(x, k):
    # x: [B, C, N] -> [B, 2C, N, k]
    idx = jax.lax.stop_gradient(knn(x, k))  # [B, N, k]
    xt = jnp.transpose(x, (0, 2, 1))  # [B, N, C]
    gathered = jax.vmap(lambda xb, ib: xb[ib])(xt, idx)  # [B, N, k, C]
    xc = xt[:, :, None, :]  # [B, N, 1, C]
    feat = jnp.concatenate([gathered - xc, jnp.broadcast_to(xc, gathered.shape)], axis=3)
    return jnp.transpose(feat, (0, 3, 1, 2))


def bn2d(x, g, b, eps=1e-5):
    m = jnp.mean(x, axis=(0, 2, 3), keepdims=True)
    v = jnp.var(x, axis=(0, 2, 3), keepdims=True)
    return (x - m) / jnp.sqrt(v + eps) * g[None, :, None, None] + b[None, :, None, None]


def bn1d(x, g, b, eps=1e-5):
    m = jnp.mean(x, axis=(0, 2), keepdims=True)
    v = jnp.var(x, axis=(0, 2), keepdims=True)
    return (x - m) / jnp.sqrt(v + eps) * g[None, :, None] + b[None, :, None]


def setup_inputs(seed: int = 0) -> dict:
    key = jax.random.key(seed)
    ks = jax.random.split(key, 16)
    B, N = 2, 2048
    x = jax.random.normal(ks[0], (B, 3, N), dtype=jnp.float32)
    W1 = jax.random.normal(ks[1], (6, 64), dtype=jnp.float32) * 0.1
    g1 = jnp.ones((64,), jnp.float32)
    b1 = jnp.zeros((64,), jnp.float32)
    W2 = jax.random.normal(ks[2], (128, 128), dtype=jnp.float32) * 0.05
    g2 = jnp.ones((128,), jnp.float32)
    b2 = jnp.zeros((128,), jnp.float32)
    W3 = jax.random.normal(ks[3], (256, 256), dtype=jnp.float32) * 0.05
    g3 = jnp.ones((256,), jnp.float32)
    b3 = jnp.zeros((256,), jnp.float32)
    Wm = jax.random.normal(ks[4], (448, 1024), dtype=jnp.float32) * 0.05
    bm = jnp.zeros((1024,), jnp.float32)
    gm = jnp.ones((1024,), jnp.float32)
    bg = jnp.zeros((1024,), jnp.float32)
    return {"x": x, "W1": W1, "g1": g1, "b1": b1, "W2": W2, "g2": g2, "b2": b2,
            "W3": W3, "g3": g3, "b3": b3, "Wm": Wm, "bm": bm, "gm": gm, "bg": bg}


def reference(x, W1, g1, b1, W2, g2, b2, W3, g3, b3, Wm, bm, gm, bg):
    k = K_NN
    f = get_graph_feature(x, k)  # [B, 6, N, k]
    h = jax.nn.leaky_relu(bn2d(jnp.einsum('bcnk,cd->bdnk', f, W1), g1, b1), 0.2)
    x1 = jnp.max(h, axis=-1)  # [B, 64, N]
    f = get_graph_feature(x1, k)  # [B, 128, N, k]
    h = jax.nn.leaky_relu(bn2d(jnp.einsum('bcnk,cd->bdnk', f, W2), g2, b2), 0.2)
    x2 = jnp.max(h, axis=-1)  # [B, 128, N]
    f = get_graph_feature(x2, k)  # [B, 256, N, k]
    h = jax.nn.leaky_relu(bn2d(jnp.einsum('bcnk,cd->bdnk', f, W3), g3, b3), 0.2)
    x3 = jnp.max(h, axis=-1)  # [B, 256, N]
    x_features = jnp.concatenate([x1, x2, x3], axis=1)  # [B, 448, N]
    y = jnp.einsum('bcn,cd->bdn', x_features, Wm) + bm[None, :, None]
    y = jax.nn.relu(bn1d(y, gm, bg))
    x4 = jnp.max(y, axis=2)  # [B, 1024]
    return (x4, x_features)

if __name__ == "__main__":
    import jax
    _d = setup_inputs()
    print(jax.jit(kernel)(*tuple(_d.values())))

</pallas_src>

<mosaic_0001>
#map = affine_map<(d0, d1) -> (0, 0)>
#map1 = affine_map<(d0, d1) -> (0, 0, 0)>
module attributes {stable_mosaic.version = 14 : i64} {
  func.func @gk(%arg0: i32, %arg1: i32, %arg2: memref<2048x128xf32, #tpu.memory_space<hbm>>, %arg3: memref<2048x80xi32, #tpu.memory_space<hbm>>, %arg4: memref<2048x80x128xf32, #tpu.memory_space<hbm>>, %arg5: memref<64x80xi32, #tpu.memory_space<vmem>>, %arg6: memref<2x80x128xf32, #tpu.memory_space<vmem>>, %arg7: memref<!tpu.dma_semaphore, #tpu.memory_space<semaphore_mem>>, %arg8: memref<!tpu.dma_semaphore, #tpu.memory_space<semaphore_mem>>) attributes {dimension_semantics = [#tpu.dimension_semantics<core_parallel>, #tpu.dimension_semantics<subcore_parallel>], iteration_bounds = array<i64: 2, 16>, scalar_prefetch = 0 : i64, scratch_operands = 4 : i64, tpu.core_type = #tpu.core_type<sc_vector_subcore>, window_params = [{transform_indices = #map}, {transform_indices = #map}, {transform_indices = #map1}]} {
    %mul3A = arith.constant 2 : i32
    %mul3A_0 = arith.muli %arg1, %mul3A : i32
    %add3A = arith.addi %mul3A_0, %arg0 : i32
    %mul3A_1 = arith.constant 64 : i32
    %mul3A_2 = arith.muli %add3A, %mul3A_1 : i32
    "tpu.region"() ({
      %run_scoped3A = tpu.sem_alloc : memref<!tpu.dma_semaphore, #tpu.memory_space<semaphore_mem>>
      %dma_start3A_19 = arith.constant 0 : i32
      %dma_start3A_20 = tpu.memref_slice %arg3[%mul3A_2, %dma_start3A_19] : memref<2048x80xi32, #tpu.memory_space<hbm>> -> memref<64x80xi32, #tpu.memory_space<hbm>>
      %dma_start3A_21 = arith.constant 0 : i32
      %dma_start3A_22 = tpu.memref_slice %arg3[%mul3A_2, %dma_start3A_21] : memref<2048x80xi32, #tpu.memory_space<hbm>> -> memref<64x80xi32, #tpu.memory_space<hbm>>
      tpu.enqueue_dma source(%dma_start3A_22 : memref<64x80xi32, #tpu.memory_space<hbm>>) target(%arg5 : memref<64x80xi32, #tpu.memory_space<vmem>>) target_semaphore(%run_scoped3A : memref<!tpu.dma_semaphore, #tpu.memory_space<semaphore_mem>>)
      %dma_wait3A = arith.constant 0 : i32
      %dma_wait3A_23 = tpu.memref_slice %arg3[%mul3A_2, %dma_wait3A] : memref<2048x80xi32, #tpu.memory_space<hbm>> -> memref<64x80xi32, #tpu.memory_space<hbm>>
      %dma_wait3A_24 = arith.constant 0 : i32
      %dma_wait3A_25 = tpu.memref_slice %arg3[%mul3A_2, %dma_wait3A_24] : memref<2048x80xi32, #tpu.memory_space<hbm>> -> memref<64x80xi32, #tpu.memory_space<hbm>>
      tpu.wait_dma2 semaphore(%run_scoped3A : memref<!tpu.dma_semaphore, #tpu.memory_space<semaphore_mem>>) src(%dma_wait3A_25 : memref<64x80xi32, #tpu.memory_space<hbm>>) dst(%arg5 : memref<64x80xi32, #tpu.memory_space<vmem>>)
      tpu.yield
    }) : () -> ()
    %dma_start3A = arith.constant 0 : i32
    %dma_start3A_3 = arith.constant 0 : i32
    %dma_start3A_4 = arith.constant 0 : i32
    %dma_start3A_5 = arith.constant 0 : i32
    %dma_start3A_6 = tpu.memref_slice %arg6[%dma_start3A_3, %dma_start3A_4, %dma_start3A_5] : memref<2x80x128xf32, #tpu.memory_space<vmem>> -> memref<1x80x128xf32, #tpu.memory_space<vmem>>
    %dma_start3A_7 = tpu.memref_squeeze %dma_start3A_6 : memref<1x80x128xf32, #tpu.memory_space<vmem>> -> memref<80x128xf32, #tpu.memory_space<vmem>>
    %dma_start3A_8 = arith.constant 0 : i32
    %dma_start3A_9 = tpu.memref_slice %arg5[%dma_start3A, %dma_start3A_8] : memref<64x80xi32, #tpu.memory_space<vmem>> -> memref<1x80xi32, #tpu.memory_space<vmem>>
    %dma_start3A_10 = tpu.memref_squeeze %dma_start3A_9 : memref<1x80xi32, #tpu.memory_space<vmem>> -> memref<80xi32, #tpu.memory_space<vmem>>
    %dma_start3A_11 = arith.constant 0 : i32
    %dma_start3A_12 = arith.constant 0 : i32
    %dma_start3A_13 = tpu.memref_slice %arg2[%dma_start3A_11, %dma_start3A_12] : memref<2048x128xf32, #tpu.memory_space<hbm>> -> memref<2048x128xf32, #tpu.memory_space<hbm>>
    tpu.enqueue_indirect_dma source(%dma_start3A_13 : memref<2048x128xf32, #tpu.memory_space<hbm>>) target(%dma_start3A_7 : memref<80x128xf32, #tpu.memory_space<vmem>>) offsets(%dma_start3A_10 : memref<80xi32, #tpu.memory_space<vmem>>) semaphore(%arg7 : memref<!tpu.dma_semaphore, #tpu.memory_space<semaphore_mem>>)
    %scan3A = arith.constant 0 : i32
    %scan3A_14 = arith.constant 0 : i32
    %scan3A_15 = arith.constant 32 : i32
    %scan3A_16 = arith.addi %scan3A_14, %scan3A_15 : i32
    %scan3A_17 = arith.constant 1 : i32
    scf.for %scan3A_19 = %scan3A_14 to %scan3A_16 step %scan3A_17  : i32 {
      %mul3A_20 = arith.constant 2 : i32
      %mul3A_21 = arith.muli %mul3A_20, %scan3A_19 : i32
      %dma_wait3A = arith.constant 0 : i32
      %dma_wait3A_22 = arith.constant 0 : i32
      %dma_wait3A_23 = arith.constant 0 : i32
      %dma_wait3A_24 = tpu.memref_slice %arg6[%dma_wait3A, %dma_wait3A_22, %dma_wait3A_23] : memref<2x80x128xf32, #tpu.memory_space<vmem>> -> memref<1x80x128xf32, #tpu.memory_space<vmem>>
      %dma_wait3A_25 = tpu.memref_squeeze %dma_wait3A_24 : memref<1x80x128xf32, #tpu.memory_space<vmem>> -> memref<80x128xf32, #tpu.memory_space<vmem>>
      %dma_wait3A_26 = arith.constant 0 : i32
      %dma_wait3A_27 = tpu.memref_slice %arg5[%mul3A_21, %dma_wait3A_26] : memref<64x80xi32, #tpu.memory_space<vmem>> -> memref<1x80xi32, #tpu.memory_space<vmem>>
      %dma_wait3A_28 = tpu.memref_squeeze %dma_wait3A_27 : memref<1x80xi32, #tpu.memory_space<vmem>> -> memref<80xi32, #tpu.memory_space<vmem>>
      %dma_wait3A_29 = arith.constant 0 : i32
      %dma_wait3A_30 = arith.constant 0 : i32
      %dma_wait3A_31 = tpu.memref_slice %arg2[%dma_wait3A_29, %dma_wait3A_30] : memref<2048x128xf32, #tpu.memory_space<hbm>> -> memref<2048x128xf32, #tpu.memory_space<hbm>>
      tpu.wait_indirect_dma semaphore(%arg7 : memref<!tpu.dma_semaphore, #tpu.memory_space<semaphore_mem>>) src(%dma_wait3A_31 : memref<2048x128xf32, #tpu.memory_space<hbm>>) dst(%dma_wait3A_25 : memref<80x128xf32, #tpu.memory_space<vmem>>)
      %add3A_32 = arith.constant 1 : i32
      %add3A_33 = arith.addi %mul3A_21, %add3A_32 : i32
      %lt3A = arith.constant 64 : i32
      %lt3A_34 = arith.cmpi slt, %add3A_33, %lt3A : i32
      %convert_element_type3A = arith.extui %lt3A_34 : i1 to i32
      %cond3A = arith.constant 0 : i32
      %cond3A_35 = arith.cmpi ne, %convert_element_type3A, %cond3A : i32
      scf.if %cond3A_35 {
        %add3A_61 = arith.constant 1 : i32
        %add3A_62 = arith.addi %mul3A_21, %add3A_61 : i32
        %dma_start3A_63 = arith.constant 1 : i32
        %dma_start3A_64 = arith.constant 0 : i32
        %dma_start3A_65 = arith.constant 0 : i32
        %dma_start3A_66 = tpu.memref_slice %arg6[%dma_start3A_63, %dma_start3A_64, %dma_start3A_65] : memref<2x80x128xf32, #tpu.memory_space<vmem>> -> memref<1x80x128xf32, #tpu.memory_space<vmem>>
        %dma_start3A_67 = tpu.memref_squeeze %dma_start3A_66 : memref<1x80x128xf32, #tpu.memory_space<vmem>> -> memref<80x128xf32, #tpu.memory_space<vmem>>
        %dma_start3A_68 = arith.constant 0 : i32
        %dma_start3A_69 = tpu.memref_slice %arg5[%add3A_62, %dma_start3A_68] : memref<64x80xi32, #tpu.memory_space<vmem>> -> memref<1x80xi32, #tpu.memory_space<vmem>>
        %dma_start3A_70 = tpu.memref_squeeze %dma_start3A_69 : memref<1x80xi32, #tpu.memory_space<vmem>> -> memref<80xi32, #tpu.memory_space<vmem>>
        %dma_start3A_71 = arith.constant 0 : i32
        %dma_start3A_72 = arith.constant 0 : i32
        %dma_start3A_73 = tpu.memref_slice %arg2[%dma_start3A_71, %dma_start3A_72] : memref<2048x128xf32, #tpu.memory_space<hbm>> -> memref<2048x128xf32, #tpu.memory_space<hbm>>
        tpu.enqueue_indirect_dma source(%dma_start3A_73 : memref<2048x128xf32, #tpu.memory_space<hbm>>) target(%dma_start3A_67 : memref<80x128xf32, #tpu.memory_space<vmem>>) offsets(%dma_start3A_70 : memref<80xi32, #tpu.memory_space<vmem>>) semaphore(%arg8 : memref<!tpu.dma_semaphore, #tpu.memory_space<semaphore_mem>>)
      } else {
      }
      %add3A_36 = arith.addi %mul3A_2, %mul3A_21 : i32
      %run_scoped3A = arith.constant 0 : i32
      "tpu.region"() ({
        %run_scoped3A_61 = tpu.sem_alloc : memref<!tpu.dma_semaphore, #tpu.memory_space<semaphore_mem>>
        %dma_start3A_62 = arith.constant 0 : i32
        %dma_start3A_63 = arith.constant 0 : i32
        %dma_start3A_64 = tpu.memref_slice %arg6[%run_scoped3A, %dma_start3A_62, %dma_start3A_63] : memref<2x80x128xf32, #tpu.memory_space<vmem>> -> memref<1x80x128xf32, #tpu.memory_space<vmem>>
        %dma_start3A_65 = tpu.memref_squeeze %dma_start3A_64 : memref<1x80x128xf32, #tpu.memory_space<vmem>> -> memref<80x128xf32, #tpu.memory_space<vmem>>
        %dma_start3A_66 = arith.constant 0 : i32
        %dma_start3A_67 = arith.constant 0 : i32
        %dma_start3A_68 = tpu.memref_slice %arg4[%add3A_36, %dma_start3A_66, %dma_start3A_67] : memref<2048x80x128xf32, #tpu.memory_space<hbm>> -> memref<1x80x128xf32, #tpu.memory_space<hbm>>
        %dma_start3A_69 = tpu.memref_squeeze %dma_start3A_68 : memref<1x80x128xf32, #tpu.memory_space<hbm>> -> memref<80x128xf32, #tpu.memory_space<hbm>>
        %dma_start3A_70 = arith.constant 0 : i32
        %dma_start3A_71 = arith.constant 0 : i32
        %dma_start3A_72 = tpu.memref_slice %arg4[%add3A_36, %dma_start3A_70, %dma_start3A_71] : memref<2048x80x128xf32, #tpu.memory_space<hbm>> -> memref<1x80x128xf32, #tpu.memory_space<hbm>>
        %dma_start3A_73 = tpu.memref_squeeze %dma_start3A_72 : memref<1x80x128xf32, #tpu.memory_space<hbm>> -> memref<80x128xf32, #tpu.memory_space<hbm>>
        %dma_start3A_74 = arith.constant 0 : i32
        %dma_start3A_75 = arith.constant 0 : i32
        %dma_start3A_76 = tpu.memref_slice %arg6[%run_scoped3A, %dma_start3A_74, %dma_start3A_75] : memref<2x80x128xf32, #tpu.memory_space<vmem>> -> memref<1x80x128xf32, #tpu.memory_space<vmem>>
        %dma_start3A_77 = tpu.memref_squeeze %dma_start3A_76 : memref<1x80x128xf32, #tpu.memory_space<vmem>> -> memref<80x128xf32, #tpu.memory_space<vmem>>
        tpu.enqueue_dma source(%dma_start3A_77 : memref<80x128xf32, #tpu.memory_space<vmem>>) target(%dma_start3A_73 : memref<80x128xf32, #tpu.memory_space<hbm>>) target_semaphore(%run_scoped3A_61 : memref<!tpu.dma_semaphore, #tpu.memory_space<semaphore_mem>>)
        %dma_wait3A_78 = arith.constant 0 : i32
        %dma_wait3A_79 = arith.constant 0 : i32
        %dma_wait3A_80 = tpu.memref_slice %arg6[%run_scoped3A, %dma_wait3A_78, %dma_wait3A_79] : memref<2x80x128xf32, #tpu.memory_space<vmem>> -> memref<1x80x128xf32, #tpu.memory_space<vmem>>
        %dma_wait3A_81 = tpu.memref_squeeze %dma_wait3A_80 : memref<1x80x128xf32, #tpu.memory_space<vmem>> -> memref<80x128xf32, #tpu.memory_space<vmem>>
        %dma_wait3A_82 = arith.constant 0 : i32
        %dma_wait3A_83 = arith.constant 0 : i32
        %dma_wait3A_84 = tpu.memref_slice %arg4[%add3A_36, %dma_wait3A_82, %dma_wait3A_83] : memref<2048x80x128xf32, #tpu.memory_space<hbm>> -> memref<1x80x128xf32, #tpu.memory_space<hbm>>
        %dma_wait3A_85 = tpu.memref_squeeze %dma_wait3A_84 : memref<1x80x128xf32, #tpu.memory_space<hbm>> -> memref<80x128xf32, #tpu.memory_space<hbm>>
        %dma_wait3A_86 = arith.constant 0 : i32
        %dma_wait3A_87 = arith.constant 0 : i32
        %dma_wait3A_88 = tpu.memref_slice %arg4[%add3A_36, %dma_wait3A_86, %dma_wait3A_87] : memref<2048x80x128xf32, #tpu.memory_space<hbm>> -> memref<1x80x128xf32, #tpu.memory_space<hbm>>
        %dma_wait3A_89 = tpu.memref_squeeze %dma_wait3A_88 : memref<1x80x128xf32, #tpu.memory_space<hbm>> -> memref<80x128xf32, #tpu.memory_space<hbm>>
        %dma_wait3A_90 = arith.constant 0 : i32
        %dma_wait3A_91 = arith.constant 0 : i32
        %dma_wait3A_92 = tpu.memref_slice %arg6[%run_scoped3A, %dma_wait3A_90, %dma_wait3A_91] : memref<2x80x128xf32, #tpu.memory_space<vmem>> -> memref<1x80x128xf32, #tpu.memory_space<vmem>>
        %dma_wait3A_93 = tpu.memref_squeeze %dma_wait3A_92 : memref<1x80x128xf32, #tpu.memory_space<vmem>> -> memref<80x128xf32, #tpu.memory_space<vmem>>
        tpu.wait_dma2 semaphore(%run_scoped3A_61 : memref<!tpu.dma_semaphore, #tpu.memory_space<semaphore_mem>>) src(%dma_wait3A_93 : memref<80x128xf32, #tpu.memory_space<vmem>>) dst(%dma_wait3A_89 : memref<80x128xf32, #tpu.memory_space<hbm>>)
        tpu.yield
      }) : () -> ()
      %mul3A_37 = arith.constant 2 : i32
      %mul3A_38 = arith.muli %mul3A_37, %scan3A_19 : i32
      %add3A_39 = arith.constant 1 : i32
      %add3A_40 = arith.addi %mul3A_38, %add3A_39 : i32
      %dma_wait3A_41 = arith.constant 1 : i32
      %dma_wait3A_42 = arith.constant 0 : i32
      %dma_wait3A_43 = arith.constant 0 : i32
      %dma_wait3A_44 = tpu.memref_slice %arg6[%dma_wait3A_41, %dma_wait3A_42, %dma_wait3A_43] : memref<2x80x128xf32, #tpu.memory_space<vmem>> -> memref<1x80x128xf32, #tpu.memory_space<vmem>>
      %dma_wait3A_45 = tpu.memref_squeeze %dma_wait3A_44 : memref<1x80x128xf32, #tpu.memory_space<vmem>> -> memref<80x128xf32, #tpu.memory_space<vmem>>
      %dma_wait3A_46 = arith.constant 0 : i32
      %dma_wait3A_47 = tpu.memref_slice %arg5[%add3A_40, %dma_wait3A_46] : memref<64x80xi32, #tpu.memory_space<vmem>> -> memref<1x80xi32, #tpu.memory_space<vmem>>
      %dma_wait3A_48 = tpu.memref_squeeze %dma_wait3A_47 : memref<1x80xi32, #tpu.memory_space<vmem>> -> memref<80xi32, #tpu.memory_space<vmem>>
      %dma_wait3A_49 = arith.constant 0 : i32
      %dma_wait3A_50 = arith.constant 0 : i32
      %dma_wait3A_51 = tpu.memref_slice %arg2[%dma_wait3A_49, %dma_wait3A_50] : memref<2048x128xf32, #tpu.memory_space<hbm>> -> memref<2048x128xf32, #tpu.memory_space<hbm>>
      tpu.wait_indirect_dma semaphore(%arg8 : memref<!tpu.dma_semaphore, #tpu.memory_space<semaphore_mem>>) src(%dma_wait3A_51 : memref<2048x128xf32, #tpu.memory_space<hbm>>) dst(%dma_wait3A_45 : memref<80x128xf32, #tpu.memory_space<vmem>>)
      %add3A_52 = arith.constant 1 : i32
      %add3A_53 = arith.addi %add3A_40, %add3A_52 : i32
      %lt3A_54 = arith.constant 64 : i32
      %lt3A_55 = arith.cmpi slt, %add3A_53, %lt3A_54 : i32
      %convert_element_type3A_56 = arith.extui %lt3A_55 : i1 to i32
      %cond3A_57 = arith.constant 0 : i32
      %cond3A_58 = arith.cmpi ne, %convert_element_type3A_56, %cond3A_57 : i32
      scf.if %cond3A_58 {
        %add3A_61 = arith.constant 1 : i32
        %add3A_62 = arith.addi %add3A_40, %add3A_61 : i32
        %dma_start3A_63 = arith.constant 0 : i32
        %dma_start3A_64 = arith.constant 0 : i32
        %dma_start3A_65 = arith.constant 0 : i32
        %dma_start3A_66 = tpu.memref_slice %arg6[%dma_start3A_63, %dma_start3A_64, %dma_start3A_65] : memref<2x80x128xf32, #tpu.memory_space<vmem>> -> memref<1x80x128xf32, #tpu.memory_space<vmem>>
        %dma_start3A_67 = tpu.memref_squeeze %dma_start3A_66 : memref<1x80x128xf32, #tpu.memory_space<vmem>> -> memref<80x128xf32, #tpu.memory_space<vmem>>
        %dma_start3A_68 = arith.constant 0 : i32
        %dma_start3A_69 = tpu.memref_slice %arg5[%add3A_62, %dma_start3A_68] : memref<64x80xi32, #tpu.memory_space<vmem>> -> memref<1x80xi32, #tpu.memory_space<vmem>>
        %dma_start3A_70 = tpu.memref_squeeze %dma_start3A_69 : memref<1x80xi32, #tpu.memory_space<vmem>> -> memref<80xi32, #tpu.memory_space<vmem>>
        %dma_start3A_71 = arith.constant 0 : i32
        %dma_start3A_72 = arith.constant 0 : i32
        %dma_start3A_73 = tpu.memref_slice %arg2[%dma_start3A_71, %dma_start3A_72] : memref<2048x128xf32, #tpu.memory_space<hbm>> -> memref<2048x128xf32, #tpu.memory_space<hbm>>
        tpu.enqueue_indirect_dma source(%dma_start3A_73 : memref<2048x128xf32, #tpu.memory_space<hbm>>) target(%dma_start3A_67 : memref<80x128xf32, #tpu.memory_space<vmem>>) offsets(%dma_start3A_70 : memref<80xi32, #tpu.memory_space<vmem>>) semaphore(%arg7 : memref<!tpu.dma_semaphore, #tpu.memory_space<semaphore_mem>>)
      } else {
      }
      %add3A_59 = arith.addi %mul3A_2, %add3A_40 : i32
      %run_scoped3A_60 = arith.constant 1 : i32
      "tpu.region"() ({
        %run_scoped3A_61 = tpu.sem_alloc : memref<!tpu.dma_semaphore, #tpu.memory_space<semaphore_mem>>
        %dma_start3A_62 = arith.constant 0 : i32
        %dma_start3A_63 = arith.constant 0 : i32
        %dma_start3A_64 = tpu.memref_slice %arg6[%run_scoped3A_60, %dma_start3A_62, %dma_start3A_63] : memref<2x80x128xf32, #tpu.memory_space<vmem>> -> memref<1x80x128xf32, #tpu.memory_space<vmem>>
        %dma_start3A_65 = tpu.memref_squeeze %dma_start3A_64 : memref<1x80x128xf32, #tpu.memory_space<vmem>> -> memref<80x128xf32, #tpu.memory_space<vmem>>
        %dma_start3A_66 = arith.constant 0 : i32
        %dma_start3A_67 = arith.constant 0 : i32
        %dma_start3A_68 = tpu.memref_slice %arg4[%add3A_59, %dma_start3A_66, %dma_start3A_67] : memref<2048x80x128xf32, #tpu.memory_space<hbm>> -> memref<1x80x128xf32, #tpu.memory_space<hbm>>
        %dma_start3A_69 = tpu.memref_squeeze %dma_start3A_68 : memref<1x80x128xf32, #tpu.memory_space<hbm>> -> memref<80x128xf32, #tpu.memory_space<hbm>>
        %dma_start3A_70 = arith.constant 0 : i32
        %dma_start3A_71 = arith.constant 0 : i32
        %dma_start3A_72 = tpu.memref_slice %arg4[%add3A_59, %dma_start3A_70, %dma_start3A_71] : memref<2048x80x128xf32, #tpu.memory_space<hbm>> -> memref<1x80x128xf32, #tpu.memory_space<hbm>>
        %dma_start3A_73 = tpu.memref_squeeze %dma_start3A_72 : memref<1x80x128xf32, #tpu.memory_space<hbm>> -> memref<80x128xf32, #tpu.memory_space<hbm>>
        %dma_start3A_74 = arith.constant 0 : i32
        %dma_start3A_75 = arith.constant 0 : i32
        %dma_start3A_76 = tpu.memref_slice %arg6[%run_scoped3A_60, %dma_start3A_74, %dma_start3A_75] : memref<2x80x128xf32, #tpu.memory_space<vmem>> -> memref<1x80x128xf32, #tpu.memory_space<vmem>>
        %dma_start3A_77 = tpu.memref_squeeze %dma_start3A_76 : memref<1x80x128xf32, #tpu.memory_space<vmem>> -> memref<80x128xf32, #tpu.memory_space<vmem>>
        tpu.enqueue_dma source(%dma_start3A_77 : memref<80x128xf32, #tpu.memory_space<vmem>>) target(%dma_start3A_73 : memref<80x128xf32, #tpu.memory_space<hbm>>) target_semaphore(%run_scoped3A_61 : memref<!tpu.dma_semaphore, #tpu.memory_space<semaphore_mem>>)
        %dma_wait3A_78 = arith.constant 0 : i32
        %dma_wait3A_79 = arith.constant 0 : i32
        %dma_wait3A_80 = tpu.memref_slice %arg6[%run_scoped3A_60, %dma_wait3A_78, %dma_wait3A_79] : memref<2x80x128xf32, #tpu.memory_space<vmem>> -> memref<1x80x128xf32, #tpu.memory_space<vmem>>
        %dma_wait3A_81 = tpu.memref_squeeze %dma_wait3A_80 : memref<1x80x128xf32, #tpu.memory_space<vmem>> -> memref<80x128xf32, #tpu.memory_space<vmem>>
        %dma_wait3A_82 = arith.constant 0 : i32
        %dma_wait3A_83 = arith.constant 0 : i32
        %dma_wait3A_84 = tpu.memref_slice %arg4[%add3A_59, %dma_wait3A_82, %dma_wait3A_83] : memref<2048x80x128xf32, #tpu.memory_space<hbm>> -> memref<1x80x128xf32, #tpu.memory_space<hbm>>
        %dma_wait3A_85 = tpu.memref_squeeze %dma_wait3A_84 : memref<1x80x128xf32, #tpu.memory_space<hbm>> -> memref<80x128xf32, #tpu.memory_space<hbm>>
        %dma_wait3A_86 = arith.constant 0 : i32
        %dma_wait3A_87 = arith.constant 0 : i32
        %dma_wait3A_88 = tpu.memref_slice %arg4[%add3A_59, %dma_wait3A_86, %dma_wait3A_87] : memref<2048x80x128xf32, #tpu.memory_space<hbm>> -> memref<1x80x128xf32, #tpu.memory_space<hbm>>
        %dma_wait3A_89 = tpu.memref_squeeze %dma_wait3A_88 : memref<1x80x128xf32, #tpu.memory_space<hbm>> -> memref<80x128xf32, #tpu.memory_space<hbm>>
        %dma_wait3A_90 = arith.constant 0 : i32
        %dma_wait3A_91 = arith.constant 0 : i32
        %dma_wait3A_92 = tpu.memref_slice %arg6[%run_scoped3A_60, %dma_wait3A_90, %dma_wait3A_91] : memref<2x80x128xf32, #tpu.memory_space<vmem>> -> memref<1x80x128xf32, #tpu.memory_space<vmem>>
        %dma_wait3A_93 = tpu.memref_squeeze %dma_wait3A_92 : memref<1x80x128xf32, #tpu.memory_space<vmem>> -> memref<80x128xf32, #tpu.memory_space<vmem>>
        tpu.wait_dma2 semaphore(%run_scoped3A_61 : memref<!tpu.dma_semaphore, #tpu.memory_space<semaphore_mem>>) src(%dma_wait3A_93 : memref<80x128xf32, #tpu.memory_space<vmem>>) dst(%dma_wait3A_89 : memref<80x128xf32, #tpu.memory_space<hbm>>)
        tpu.yield
      }) : () -> ()
    }
    %scan3A_18 = arith.constant 32 : i32
    return
  }
}

#map = affine_map<(d0, d1) -> (0, 0)>
#map1 = affine_map<(d0, d1) -> (0, 0, 0)>
module attributes {stable_mosaic.version = 14 : i64} {
  func.func @gk(%arg0: i32, %arg1: i32, %arg2: memref<2048x128xf32, #tpu.memory_space<hbm>>, %arg3: memref<2048x80xi32, #tpu.memory_space<hbm>>, %arg4: memref<2048x80x128xf32, #tpu.memory_space<hbm>>, %arg5: memref<64x80xi32, #tpu.memory_space<vmem>>, %arg6: memref<2x80x128xf32, #tpu.memory_space<vmem>>, %arg7: memref<!tpu.dma_semaphore, #tpu.memory_space<semaphore_mem>>, %arg8: memref<!tpu.dma_semaphore, #tpu.memory_space<semaphore_mem>>) attributes {dimension_semantics = [#tpu.dimension_semantics<core_parallel>, #tpu.dimension_semantics<subcore_parallel>], iteration_bounds = array<i64: 2, 16>, scalar_prefetch = 0 : i64, scratch_operands = 4 : i64, tpu.core_type = #tpu.core_type<sc_vector_subcore>, window_params = [{transform_indices = #map}, {transform_indices = #map}, {transform_indices = #map1}]} {
    %mul3A = arith.constant 2 : i32
    %mul3A_0 = arith.muli %arg1, %mul3A : i32
    %add3A = arith.addi %mul3A_0, %arg0 : i32
    %mul3A_1 = arith.constant 64 : i32
    %mul3A_2 = arith.muli %add3A, %mul3A_1 : i32
    "tpu.region"() ({
      %run_scoped3A = tpu.sem_alloc : memref<!tpu.dma_semaphore, #tpu.memory_space<semaphore_mem>>
      %dma_start3A_19 = arith.constant 0 : i32
      %dma_start3A_20 = tpu.memref_slice %arg3[%mul3A_2, %dma_start3A_19] : memref<2048x80xi32, #tpu.memory_space<hbm>> -> memref<64x80xi32, #tpu.memory_space<hbm>>
      %dma_start3A_21 = arith.constant 0 : i32
      %dma_start3A_22 = tpu.memref_slice %arg3[%mul3A_2, %dma_start3A_21] : memref<2048x80xi32, #tpu.memory_space<hbm>> -> memref<64x80xi32, #tpu.memory_space<hbm>>
      tpu.enqueue_dma source(%dma_start3A_22 : memref<64x80xi32, #tpu.memory_space<hbm>>) target(%arg5 : memref<64x80xi32, #tpu.memory_space<vmem>>) target_semaphore(%run_scoped3A : memref<!tpu.dma_semaphore, #tpu.memory_space<semaphore_mem>>)
      %dma_wait3A = arith.constant 0 : i32
      %dma_wait3A_23 = tpu.memref_slice %arg3[%mul3A_2, %dma_wait3A] : memref<2048x80xi32, #tpu.memory_space<hbm>> -> memref<64x80xi32, #tpu.memory_space<hbm>>
      %dma_wait3A_24 = arith.constant 0 : i32
      %dma_wait3A_25 = tpu.memref_slice %arg3[%mul3A_2, %dma_wait3A_24] : memref<2048x80xi32, #tpu.memory_space<hbm>> -> memref<64x80xi32, #tpu.memory_space<hbm>>
      tpu.wait_dma2 semaphore(%run_scoped3A : memref<!tpu.dma_semaphore, #tpu.memory_space<semaphore_mem>>) src(%dma_wait3A_25 : memref<64x80xi32, #tpu.memory_space<hbm>>) dst(%arg5 : memref<64x80xi32, #tpu.memory_space<vmem>>)
      tpu.yield
    }) : () -> ()
    %dma_start3A = arith.constant 0 : i32
    %dma_start3A_3 = arith.constant 0 : i32
    %dma_start3A_4 = arith.constant 0 : i32
    %dma_start3A_5 = arith.constant 0 : i32
    %dma_start3A_6 = tpu.memref_slice %arg6[%dma_start3A_3, %dma_start3A_4, %dma_start3A_5] : memref<2x80x128xf32, #tpu.memory_space<vmem>> -> memref<1x80x128xf32, #tpu.memory_space<vmem>>
    %dma_start3A_7 = tpu.memref_squeeze %dma_start3A_6 : memref<1x80x128xf32, #tpu.memory_space<vmem>> -> memref<80x128xf32, #tpu.memory_space<vmem>>
    %dma_start3A_8 = arith.constant 0 : i32
    %dma_start3A_9 = tpu.memref_slice %arg5[%dma_start3A, %dma_start3A_8] : memref<64x80xi32, #tpu.memory_space<vmem>> -> memref<1x80xi32, #tpu.memory_space<vmem>>
    %dma_start3A_10 = tpu.memref_squeeze %dma_start3A_9 : memref<1x80xi32, #tpu.memory_space<vmem>> -> memref<80xi32, #tpu.memory_space<vmem>>
    %dma_start3A_11 = arith.constant 0 : i32
    %dma_start3A_12 = arith.constant 0 : i32
    %dma_start3A_13 = tpu.memref_slice %arg2[%dma_start3A_11, %dma_start3A_12] : memref<2048x128xf32, #tpu.memory_space<hbm>> -> memref<2048x128xf32, #tpu.memory_space<hbm>>
    tpu.enqueue_indirect_dma source(%dma_start3A_13 : memref<2048x128xf32, #tpu.memory_space<hbm>>) target(%dma_start3A_7 : memref<80x128xf32, #tpu.memory_space<vmem>>) offsets(%dma_start3A_10 : memref<80xi32, #tpu.memory_space<vmem>>) semaphore(%arg7 : memref<!tpu.dma_semaphore, #tpu.memory_space<semaphore_mem>>)
    %scan3A = arith.constant 0 : i32
    %scan3A_14 = arith.constant 0 : i32
    %scan3A_15 = arith.constant 32 : i32
    %scan3A_16 = arith.addi %scan3A_14, %scan3A_15 : i32
    %scan3A_17 = arith.constant 1 : i32
    scf.for %scan3A_19 = %scan3A_14 to %scan3A_16 step %scan3A_17  : i32 {
      %mul3A_20 = arith.constant 2 : i32
      %mul3A_21 = arith.muli %mul3A_20, %scan3A_19 : i32
      %dma_wait3A = arith.constant 0 : i32
      %dma_wait3A_22 = arith.constant 0 : i32
      %dma_wait3A_23 = arith.constant 0 : i32
      %dma_wait3A_24 = tpu.memref_slice %arg6[%dma_wait3A, %dma_wait3A_22, %dma_wait3A_23] : memref<2x80x128xf32, #tpu.memory_space<vmem>> -> memref<1x80x128xf32, #tpu.memory_space<vmem>>
      %dma_wait3A_25 = tpu.memref_squeeze %dma_wait3A_24 : memref<1x80x128xf32, #tpu.memory_space<vmem>> -> memref<80x128xf32, #tpu.memory_space<vmem>>
      %dma_wait3A_26 = arith.constant 0 : i32
      %dma_wait3A_27 = tpu.memref_slice %arg5[%mul3A_21, %dma_wait3A_26] : memref<64x80xi32, #tpu.memory_space<vmem>> -> memref<1x80xi32, #tpu.memory_space<vmem>>
      %dma_wait3A_28 = tpu.memref_squeeze %dma_wait3A_27 : memref<1x80xi32, #tpu.memory_space<vmem>> -> memref<80xi32, #tpu.memory_space<vmem>>
      %dma_wait3A_29 = arith.constant 0 : i32
      %dma_wait3A_30 = arith.constant 0 : i32
      %dma_wait3A_31 = tpu.memref_slice %arg2[%dma_wait3A_29, %dma_wait3A_30] : memref<2048x128xf32, #tpu.memory_space<hbm>> -> memref<2048x128xf32, #tpu.memory_space<hbm>>
      tpu.wait_indirect_dma semaphore(%arg7 : memref<!tpu.dma_semaphore, #tpu.memory_space<semaphore_mem>>) src(%dma_wait3A_31 : memref<2048x128xf32, #tpu.memory_space<hbm>>) dst(%dma_wait3A_25 : memref<80x128xf32, #tpu.memory_space<vmem>>)
      %add3A_32 = arith.constant 1 : i32
      %add3A_33 = arith.addi %mul3A_21, %add3A_32 : i32
      %lt3A = arith.constant 64 : i32
      %lt3A_34 = arith.cmpi slt, %add3A_33, %lt3A : i32
      %convert_element_type3A = arith.extui %lt3A_34 : i1 to i32
      %cond3A = arith.constant 0 : i32
      %cond3A_35 = arith.cmpi ne, %convert_element_type3A, %cond3A : i32
      scf.if %cond3A_35 {
        %add3A_61 = arith.constant 1 : i32
        %add3A_62 = arith.addi %mul3A_21, %add3A_61 : i32
        %dma_start3A_63 = arith.constant 1 : i32
        %dma_start3A_64 = arith.constant 0 : i32
        %dma_start3A_65 = arith.constant 0 : i32
        %dma_start3A_66 = tpu.memref_slice %arg6[%dma_start3A_63, %dma_start3A_64, %dma_start3A_65] : memref<2x80x128xf32, #tpu.memory_space<vmem>> -> memref<1x80x128xf32, #tpu.memory_space<vmem>>
        %dma_start3A_67 = tpu.memref_squeeze %dma_start3A_66 : memref<1x80x128xf32, #tpu.memory_space<vmem>> -> memref<80x128xf32, #tpu.memory_space<vmem>>
        %dma_start3A_68 = arith.constant 0 : i32
        %dma_start3A_69 = tpu.memref_slice %arg5[%add3A_62, %dma_start3A_68] : memref<64x80xi32, #tpu.memory_space<vmem>> -> memref<1x80xi32, #tpu.memory_space<vmem>>
        %dma_start3A_70 = tpu.memref_squeeze %dma_start3A_69 : memref<1x80xi32, #tpu.memory_space<vmem>> -> memref<80xi32, #tpu.memory_space<vmem>>
        %dma_start3A_71 = arith.constant 0 : i32
        %dma_start3A_72 = arith.constant 0 : i32
        %dma_start3A_73 = tpu.memref_slice %arg2[%dma_start3A_71, %dma_start3A_72] : memref<2048x128xf32, #tpu.memory_space<hbm>> -> memref<2048x128xf32, #tpu.memory_space<hbm>>
        tpu.enqueue_indirect_dma source(%dma_start3A_73 : memref<2048x128xf32, #tpu.memory_space<hbm>>) target(%dma_start3A_67 : memref<80x128xf32, #tpu.memory_space<vmem>>) offsets(%dma_start3A_70 : memref<80xi32, #tpu.memory_space<vmem>>) semaphore(%arg8 : memref<!tpu.dma_semaphore, #tpu.memory_space<semaphore_mem>>)
      } else {
      }
      %add3A_36 = arith.addi %mul3A_2, %mul3A_21 : i32
      %run_scoped3A = arith.constant 0 : i32
      "tpu.region"() ({
        %run_scoped3A_61 = tpu.sem_alloc : memref<!tpu.dma_semaphore, #tpu.memory_space<semaphore_mem>>
        %dma_start3A_62 = arith.constant 0 : i32
        %dma_start3A_63 = arith.constant 0 : i32
        %dma_start3A_64 = tpu.memref_slice %arg6[%run_scoped3A, %dma_start3A_62, %dma_start3A_63] : memref<2x80x128xf32, #tpu.memory_space<vmem>> -> memref<1x80x128xf32, #tpu.memory_space<vmem>>
        %dma_start3A_65 = tpu.memref_squeeze %dma_start3A_64 : memref<1x80x128xf32, #tpu.memory_space<vmem>> -> memref<80x128xf32, #tpu.memory_space<vmem>>
        %dma_start3A_66 = arith.constant 0 : i32
        %dma_start3A_67 = arith.constant 0 : i32
        %dma_start3A_68 = tpu.memref_slice %arg4[%add3A_36, %dma_start3A_66, %dma_start3A_67] : memref<2048x80x128xf32, #tpu.memory_space<hbm>> -> memref<1x80x128xf32, #tpu.memory_space<hbm>>
        %dma_start3A_69 = tpu.memref_squeeze %dma_start3A_68 : memref<1x80x128xf32, #tpu.memory_space<hbm>> -> memref<80x128xf32, #tpu.memory_space<hbm>>
        %dma_start3A_70 = arith.constant 0 : i32
        %dma_start3A_71 = arith.constant 0 : i32
        %dma_start3A_72 = tpu.memref_slice %arg4[%add3A_36, %dma_start3A_70, %dma_start3A_71] : memref<2048x80x128xf32, #tpu.memory_space<hbm>> -> memref<1x80x128xf32, #tpu.memory_space<hbm>>
        %dma_start3A_73 = tpu.memref_squeeze %dma_start3A_72 : memref<1x80x128xf32, #tpu.memory_space<hbm>> -> memref<80x128xf32, #tpu.memory_space<hbm>>
        %dma_start3A_74 = arith.constant 0 : i32
        %dma_start3A_75 = arith.constant 0 : i32
        %dma_start3A_76 = tpu.memref_slice %arg6[%run_scoped3A, %dma_start3A_74, %dma_start3A_75] : memref<2x80x128xf32, #tpu.memory_space<vmem>> -> memref<1x80x128xf32, #tpu.memory_space<vmem>>
        %dma_start3A_77 = tpu.memref_squeeze %dma_start3A_76 : memref<1x80x128xf32, #tpu.memory_space<vmem>> -> memref<80x128xf32, #tpu.memory_space<vmem>>
        tpu.enqueue_dma source(%dma_start3A_77 : memref<80x128xf32, #tpu.memory_space<vmem>>) target(%dma_start3A_73 : memref<80x128xf32, #tpu.memory_space<hbm>>) target_semaphore(%run_scoped3A_61 : memref<!tpu.dma_semaphore, #tpu.memory_space<semaphore_mem>>)
        %dma_wait3A_78 = arith.constant 0 : i32
        %dma_wait3A_79 = arith.constant 0 : i32
        %dma_wait3A_80 = tpu.memref_slice %arg6[%run_scoped3A, %dma_wait3A_78, %dma_wait3A_79] : memref<2x80x128xf32, #tpu.memory_space<vmem>> -> memref<1x80x128xf32, #tpu.memory_space<vmem>>
        %dma_wait3A_81 = tpu.memref_squeeze %dma_wait3A_80 : memref<1x80x128xf32, #tpu.memory_space<vmem>> -> memref<80x128xf32, #tpu.memory_space<vmem>>
        %dma_wait3A_82 = arith.constant 0 : i32
        %dma_wait3A_83 = arith.constant 0 : i32
        %dma_wait3A_84 = tpu.memref_slice %arg4[%add3A_36, %dma_wait3A_82, %dma_wait3A_83] : memref<2048x80x128xf32, #tpu.memory_space<hbm>> -> memref<1x80x128xf32, #tpu.memory_space<hbm>>
        %dma_wait3A_85 = tpu.memref_squeeze %dma_wait3A_84 : memref<1x80x128xf32, #tpu.memory_space<hbm>> -> memref<80x128xf32, #tpu.memory_space<hbm>>
        %dma_wait3A_86 = arith.constant 0 : i32
        %dma_wait3A_87 = arith.constant 0 : i32
        %dma_wait3A_88 = tpu.memref_slice %arg4[%add3A_36, %dma_wait3A_86, %dma_wait3A_87] : memref<2048x80x128xf32, #tpu.memory_space<hbm>> -> memref<1x80x128xf32, #tpu.memory_space<hbm>>
        %dma_wait3A_89 = tpu.memref_squeeze %dma_wait3A_88 : memref<1x80x128xf32, #tpu.memory_space<hbm>> -> memref<80x128xf32, #tpu.memory_space<hbm>>
        %dma_wait3A_90 = arith.constant 0 : i32
        %dma_wait3A_91 = arith.constant 0 : i32
        %dma_wait3A_92 = tpu.memref_slice %arg6[%run_scoped3A, %dma_wait3A_90, %dma_wait3A_91] : memref<2x80x128xf32, #tpu.memory_space<vmem>> -> memref<1x80x128xf32, #tpu.memory_space<vmem>>
        %dma_wait3A_93 = tpu.memref_squeeze %dma_wait3A_92 : memref<1x80x128xf32, #tpu.memory_space<vmem>> -> memref<80x128xf32, #tpu.memory_space<vmem>>
        tpu.wait_dma2 semaphore(%run_scoped3A_61 : memref<!tpu.dma_semaphore, #tpu.memory_space<semaphore_mem>>) src(%dma_wait3A_93 : memref<80x128xf32, #tpu.memory_space<vmem>>) dst(%dma_wait3A_89 : memref<80x128xf32, #tpu.memory_space<hbm>>)
        tpu.yield
      }) : () -> ()
      %mul3A_37 = arith.constant 2 : i32
      %mul3A_38 = arith.muli %mul3A_37, %scan3A_19 : i32
      %add3A_39 = arith.constant 1 : i32
      %add3A_40 = arith.addi %mul3A_38, %add3A_39 : i32
      %dma_wait3A_41 = arith.constant 1 : i32
      %dma_wait3A_42 = arith.constant 0 : i32
      %dma_wait3A_43 = arith.constant 0 : i32
      %dma_wait3A_44 = tpu.memref_slice %arg6[%dma_wait3A_41, %dma_wait3A_42, %dma_wait3A_43] : memref<2x80x128xf32, #tpu.memory_space<vmem>> -> memref<1x80x128xf32, #tpu.memory_space<vmem>>
      %dma_wait3A_45 = tpu.memref_squeeze %dma_wait3A_44 : memref<1x80x128xf32, #tpu.memory_space<vmem>> -> memref<80x128xf32, #tpu.memory_space<vmem>>
      %dma_wait3A_46 = arith.constant 0 : i32
      %dma_wait3A_47 = tpu.memref_slice %arg5[%add3A_40, %dma_wait3A_46] : memref<64x80xi32, #tpu.memory_space<vmem>> -> memref<1x80xi32, #tpu.memory_space<vmem>>
      %dma_wait3A_48 = tpu.memref_squeeze %dma_wait3A_47 : memref<1x80xi32, #tpu.memory_space<vmem>> -> memref<80xi32, #tpu.memory_space<vmem>>
      %dma_wait3A_49 = arith.constant 0 : i32
      %dma_wait3A_50 = arith.constant 0 : i32
      %dma_wait3A_51 = tpu.memref_slice %arg2[%dma_wait3A_49, %dma_wait3A_50] : memref<2048x128xf32, #tpu.memory_space<hbm>> -> memref<2048x128xf32, #tpu.memory_space<hbm>>
      tpu.wait_indirect_dma semaphore(%arg8 : memref<!tpu.dma_semaphore, #tpu.memory_space<semaphore_mem>>) src(%dma_wait3A_51 : memref<2048x128xf32, #tpu.memory_space<hbm>>) dst(%dma_wait3A_45 : memref<80x128xf32, #tpu.memory_space<vmem>>)
      %add3A_52 = arith.constant 1 : i32
      %add3A_53 = arith.addi %add3A_40, %add3A_52 : i32
      %lt3A_54 = arith.constant 64 : i32
      %lt3A_55 = arith.cmpi slt, %add3A_53, %lt3A_54 : i32
      %convert_element_type3A_56 = arith.extui %lt3A_55 : i1 to i32
      %cond3A_57 = arith.constant 0 : i32
      %cond3A_58 = arith.cmpi ne, %convert_element_type3A_56, %cond3A_57 : i32
      scf.if %cond3A_58 {
        %add3A_61 = arith.constant 1 : i32
        %add3A_62 = arith.addi %add3A_40, %add3A_61 : i32
        %dma_start3A_63 = arith.constant 0 : i32
        %dma_start3A_64 = arith.constant 0 : i32
        %dma_start3A_65 = arith.constant 0 : i32
        %dma_start3A_66 = tpu.memref_slice %arg6[%dma_start3A_63, %dma_start3A_64, %dma_start3A_65] : memref<2x80x128xf32, #tpu.memory_space<vmem>> -> memref<1x80x128xf32, #tpu.memory_space<vmem>>
        %dma_start3A_67 = tpu.memref_squeeze %dma_start3A_66 : memref<1x80x128xf32, #tpu.memory_space<vmem>> -> memref<80x128xf32, #tpu.memory_space<vmem>>
        %dma_start3A_68 = arith.constant 0 : i32
        %dma_start3A_69 = tpu.memref_slice %arg5[%add3A_62, %dma_start3A_68] : memref<64x80xi32, #tpu.memory_space<vmem>> -> memref<1x80xi32, #tpu.memory_space<vmem>>
        %dma_start3A_70 = tpu.memref_squeeze %dma_start3A_69 : memref<1x80xi32, #tpu.memory_space<vmem>> -> memref<80xi32, #tpu.memory_space<vmem>>
        %dma_start3A_71 = arith.constant 0 : i32
        %dma_start3A_72 = arith.constant 0 : i32
        %dma_start3A_73 = tpu.memref_slice %arg2[%dma_start3A_71, %dma_start3A_72] : memref<2048x128xf32, #tpu.memory_space<hbm>> -> memref<2048x128xf32, #tpu.memory_space<hbm>>
        tpu.enqueue_indirect_dma source(%dma_start3A_73 : memref<2048x128xf32, #tpu.memory_space<hbm>>) target(%dma_start3A_67 : memref<80x128xf32, #tpu.memory_space<vmem>>) offsets(%dma_start3A_70 : memref<80xi32, #tpu.memory_space<vmem>>) semaphore(%arg7 : memref<!tpu.dma_semaphore, #tpu.memory_space<semaphore_mem>>)
      } else {
      }
      %add3A_59 = arith.addi %mul3A_2, %add3A_40 : i32
      %run_scoped3A_60 = arith.constant 1 : i32
      "tpu.region"() ({
        %run_scoped3A_61 = tpu.sem_alloc : memref<!tpu.dma_semaphore, #tpu.memory_space<semaphore_mem>>
        %dma_start3A_62 = arith.constant 0 : i32
        %dma_start3A_63 = arith.constant 0 : i32
        %dma_start3A_64 = tpu.memref_slice %arg6[%run_scoped3A_60, %dma_start3A_62, %dma_start3A_63] : memref<2x80x128xf32, #tpu.memory_space<vmem>> -> memref<1x80x128xf32, #tpu.memory_space<vmem>>
        %dma_start3A_65 = tpu.memref_squeeze %dma_start3A_64 : memref<1x80x128xf32, #tpu.memory_space<vmem>> -> memref<80x128xf32, #tpu.memory_space<vmem>>
        %dma_start3A_66 = arith.constant 0 : i32
        %dma_start3A_67 = arith.constant 0 : i32
        %dma_start3A_68 = tpu.memref_slice %arg4[%add3A_59, %dma_start3A_66, %dma_start3A_67] : memref<2048x80x128xf32, #tpu.memory_space<hbm>> -> memref<1x80x128xf32, #tpu.memory_space<hbm>>
        %dma_start3A_69 = tpu.memref_squeeze %dma_start3A_68 : memref<1x80x128xf32, #tpu.memory_space<hbm>> -> memref<80x128xf32, #tpu.memory_space<hbm>>
        %dma_start3A_70 = arith.constant 0 : i32
        %dma_start3A_71 = arith.constant 0 : i32
        %dma_start3A_72 = tpu.memref_slice %arg4[%add3A_59, %dma_start3A_70, %dma_start3A_71] : memref<2048x80x128xf32, #tpu.memory_space<hbm>> -> memref<1x80x128xf32, #tpu.memory_space<hbm>>
        %dma_start3A_73 = tpu.memref_squeeze %dma_start3A_72 : memref<1x80x128xf32, #tpu.memory_space<hbm>> -> memref<80x128xf32, #tpu.memory_space<hbm>>
        %dma_start3A_74 = arith.constant 0 : i32
        %dma_start3A_75 = arith.constant 0 : i32
        %dma_start3A_76 = tpu.memref_slice %arg6[%run_scoped3A_60, %dma_start3A_74, %dma_start3A_75] : memref<2x80x128xf32, #tpu.memory_space<vmem>> -> memref<1x80x128xf32, #tpu.memory_space<vmem>>
        %dma_start3A_77 = tpu.memref_squeeze %dma_start3A_76 : memref<1x80x128xf32, #tpu.memory_space<vmem>> -> memref<80x128xf32, #tpu.memory_space<vmem>>
        tpu.enqueue_dma source(%dma_start3A_77 : memref<80x128xf32, #tpu.memory_space<vmem>>) target(%dma_start3A_73 : memref<80x128xf32, #tpu.memory_space<hbm>>) target_semaphore(%run_scoped3A_61 : memref<!tpu.dma_semaphore, #tpu.memory_space<semaphore_mem>>)
        %dma_wait3A_78 = arith.constant 0 : i32
        %dma_wait3A_79 = arith.constant 0 : i32
        %dma_wait3A_80 = tpu.memref_slice %arg6[%run_scoped3A_60, %dma_wait3A_78, %dma_wait3A_79] : memref<2x80x128xf32, #tpu.memory_space<vmem>> -> memref<1x80x128xf32, #tpu.memory_space<vmem>>
        %dma_wait3A_81 = tpu.memref_squeeze %dma_wait3A_80 : memref<1x80x128xf32, #tpu.memory_space<vmem>> -> memref<80x128xf32, #tpu.memory_space<vmem>>
        %dma_wait3A_82 = arith.constant 0 : i32
        %dma_wait3A_83 = arith.constant 0 : i32
        %dma_wait3A_84 = tpu.memref_slice %arg4[%add3A_59, %dma_wait3A_82, %dma_wait3A_83] : memref<2048x80x128xf32, #tpu.memory_space<hbm>> -> memref<1x80x128xf32, #tpu.memory_space<hbm>>
        %dma_wait3A_85 = tpu.memref_squeeze %dma_wait3A_84 : memref<1x80x128xf32, #tpu.memory_space<hbm>> -> memref<80x128xf32, #tpu.memory_space<hbm>>
        %dma_wait3A_86 = arith.constant 0 : i32
        %dma_wait3A_87 = arith.constant 0 : i32
        %dma_wait3A_88 = tpu.memref_slice %arg4[%add3A_59, %dma_wait3A_86, %dma_wait3A_87] : memref<2048x80x128xf32, #tpu.memory_space<hbm>> -> memref<1x80x128xf32, #tpu.memory_space<hbm>>
        %dma_wait3A_89 = tpu.memref_squeeze %dma_wait3A_88 : memref<1x80x128xf32, #tpu.memory_space<hbm>> -> memref<80x128xf32, #tpu.memory_space<hbm>>
        %dma_wait3A_90 = arith.constant 0 : i32
        %dma_wait3A_91 = arith.constant 0 : i32
        %dma_wait3A_92 = tpu.memref_slice %arg6[%run_scoped3A_60, %dma_wait3A_90, %dma_wait3A_91] : memref<2x80x128xf32, #tpu.memory_space<vmem>> -> memref<1x80x128xf32, #tpu.memory_space<vmem>>
        %dma_wait3A_93 = tpu.memref_squeeze %dma_wait3A_92 : memref<1x80x128xf32, #tpu.memory_space<vmem>> -> memref<80x128xf32, #tpu.memory_space<vmem>>
        tpu.wait_dma2 semaphore(%run_scoped3A_61 : memref<!tpu.dma_semaphore, #tpu.memory_space<semaphore_mem>>) src(%dma_wait3A_93 : memref<80x128xf32, #tpu.memory_space<vmem>>) dst(%dma_wait3A_89 : memref<80x128xf32, #tpu.memory_space<hbm>>)
        tpu.yield
      }) : () -> ()
    }
    %scan3A_18 = arith.constant 32 : i32
    return
  }
}

#map = affine_map<(d0, d1) -> (0, 0)>
#map1 = affine_map<(d0, d1) -> (0, 0, 0)>
module attributes {stable_mosaic.version = 14 : i64} {
  func.func @gk(%arg0: i32, %arg1: i32, %arg2: memref<2048x256xf32, #tpu.memory_space<hbm>>, %arg3: memref<2048x80xi32, #tpu.memory_space<hbm>>, %arg4: memref<2048x80x256xf32, #tpu.memory_space<hbm>>, %arg5: memref<64x80xi32, #tpu.memory_space<vmem>>, %arg6: memref<2x80x256xf32, #tpu.memory_space<vmem>>, %arg7: memref<!tpu.dma_semaphore, #tpu.memory_space<semaphore_mem>>, %arg8: memref<!tpu.dma_semaphore, #tpu.memory_space<semaphore_mem>>) attributes {dimension_semantics = [#tpu.dimension_semantics<core_parallel>, #tpu.dimension_semantics<subcore_parallel>], iteration_bounds = array<i64: 2, 16>, scalar_prefetch = 0 : i64, scratch_operands = 4 : i64, tpu.core_type = #tpu.core_type<sc_vector_subcore>, window_params = [{transform_indices = #map}, {transform_indices = #map}, {transform_indices = #map1}]} {
    %mul3A = arith.constant 2 : i32
    %mul3A_0 = arith.muli %arg1, %mul3A : i32
    %add3A = arith.addi %mul3A_0, %arg0 : i32
    %mul3A_1 = arith.constant 64 : i32
    %mul3A_2 = arith.muli %add3A, %mul3A_1 : i32
    "tpu.region"() ({
      %run_scoped3A = tpu.sem_alloc : memref<!tpu.dma_semaphore, #tpu.memory_space<semaphore_mem>>
      %dma_start3A_19 = arith.constant 0 : i32
      %dma_start3A_20 = tpu.memref_slice %arg3[%mul3A_2, %dma_start3A_19] : memref<2048x80xi32, #tpu.memory_space<hbm>> -> memref<64x80xi32, #tpu.memory_space<hbm>>
      %dma_start3A_21 = arith.constant 0 : i32
      %dma_start3A_22 = tpu.memref_slice %arg3[%mul3A_2, %dma_start3A_21] : memref<2048x80xi32, #tpu.memory_space<hbm>> -> memref<64x80xi32, #tpu.memory_space<hbm>>
      tpu.enqueue_dma source(%dma_start3A_22 : memref<64x80xi32, #tpu.memory_space<hbm>>) target(%arg5 : memref<64x80xi32, #tpu.memory_space<vmem>>) target_semaphore(%run_scoped3A : memref<!tpu.dma_semaphore, #tpu.memory_space<semaphore_mem>>)
      %dma_wait3A = arith.constant 0 : i32
      %dma_wait3A_23 = tpu.memref_slice %arg3[%mul3A_2, %dma_wait3A] : memref<2048x80xi32, #tpu.memory_space<hbm>> -> memref<64x80xi32, #tpu.memory_space<hbm>>
      %dma_wait3A_24 = arith.constant 0 : i32
      %dma_wait3A_25 = tpu.memref_slice %arg3[%mul3A_2, %dma_wait3A_24] : memref<2048x80xi32, #tpu.memory_space<hbm>> -> memref<64x80xi32, #tpu.memory_space<hbm>>
      tpu.wait_dma2 semaphore(%run_scoped3A : memref<!tpu.dma_semaphore, #tpu.memory_space<semaphore_mem>>) src(%dma_wait3A_25 : memref<64x80xi32, #tpu.memory_space<hbm>>) dst(%arg5 : memref<64x80xi32, #tpu.memory_space<vmem>>)
      tpu.yield
    }) : () -> ()
    %dma_start3A = arith.constant 0 : i32
    %dma_start3A_3 = arith.constant 0 : i32
    %dma_start3A_4 = arith.constant 0 : i32
    %dma_start3A_5 = arith.constant 0 : i32
    %dma_start3A_6 = tpu.memref_slice %arg6[%dma_start3A_3, %dma_start3A_4, %dma_start3A_5] : memref<2x80x256xf32, #tpu.memory_space<vmem>> -> memref<1x80x256xf32, #tpu.memory_space<vmem>>
    %dma_start3A_7 = tpu.memref_squeeze %dma_start3A_6 : memref<1x80x256xf32, #tpu.memory_space<vmem>> -> memref<80x256xf32, #tpu.memory_space<vmem>>
    %dma_start3A_8 = arith.constant 0 : i32
    %dma_start3A_9 = tpu.memref_slice %arg5[%dma_start3A, %dma_start3A_8] : memref<64x80xi32, #tpu.memory_space<vmem>> -> memref<1x80xi32, #tpu.memory_space<vmem>>
    %dma_start3A_10 = tpu.memref_squeeze %dma_start3A_9 : memref<1x80xi32, #tpu.memory_space<vmem>> -> memref<80xi32, #tpu.memory_space<vmem>>
    %dma_start3A_11 = arith.constant 0 : i32
    %dma_start3A_12 = arith.constant 0 : i32
    %dma_start3A_13 = tpu.memref_slice %arg2[%dma_start3A_11, %dma_start3A_12] : memref<2048x256xf32, #tpu.memory_space<hbm>> -> memref<2048x256xf32, #tpu.memory_space<hbm>>
    tpu.enqueue_indirect_dma source(%dma_start3A_13 : memref<2048x256xf32, #tpu.memory_space<hbm>>) target(%dma_start3A_7 : memref<80x256xf32, #tpu.memory_space<vmem>>) offsets(%dma_start3A_10 : memref<80xi32, #tpu.memory_space<vmem>>) semaphore(%arg7 : memref<!tpu.dma_semaphore, #tpu.memory_space<semaphore_mem>>)
    %scan3A = arith.constant 0 : i32
    %scan3A_14 = arith.constant 0 : i32
    %scan3A_15 = arith.constant 32 : i32
    %scan3A_16 = arith.addi %scan3A_14, %scan3A_15 : i32
    %scan3A_17 = arith.constant 1 : i32
    scf.for %scan3A_19 = %scan3A_14 to %scan3A_16 step %scan3A_17  : i32 {
      %mul3A_20 = arith.constant 2 : i32
      %mul3A_21 = arith.muli %mul3A_20, %scan3A_19 : i32
      %dma_wait3A = arith.constant 0 : i32
      %dma_wait3A_22 = arith.constant 0 : i32
      %dma_wait3A_23 = arith.constant 0 : i32
      %dma_wait3A_24 = tpu.memref_slice %arg6[%dma_wait3A, %dma_wait3A_22, %dma_wait3A_23] : memref<2x80x256xf32, #tpu.memory_space<vmem>> -> memref<1x80x256xf32, #tpu.memory_space<vmem>>
      %dma_wait3A_25 = tpu.memref_squeeze %dma_wait3A_24 : memref<1x80x256xf32, #tpu.memory_space<vmem>> -> memref<80x256xf32, #tpu.memory_space<vmem>>
      %dma_wait3A_26 = arith.constant 0 : i32
      %dma_wait3A_27 = tpu.memref_slice %arg5[%mul3A_21, %dma_wait3A_26] : memref<64x80xi32, #tpu.memory_space<vmem>> -> memref<1x80xi32, #tpu.memory_space<vmem>>
      %dma_wait3A_28 = tpu.memref_squeeze %dma_wait3A_27 : memref<1x80xi32, #tpu.memory_space<vmem>> -> memref<80xi32, #tpu.memory_space<vmem>>
      %dma_wait3A_29 = arith.constant 0 : i32
      %dma_wait3A_30 = arith.constant 0 : i32
      %dma_wait3A_31 = tpu.memref_slice %arg2[%dma_wait3A_29, %dma_wait3A_30] : memref<2048x256xf32, #tpu.memory_space<hbm>> -> memref<2048x256xf32, #tpu.memory_space<hbm>>
      tpu.wait_indirect_dma semaphore(%arg7 : memref<!tpu.dma_semaphore, #tpu.memory_space<semaphore_mem>>) src(%dma_wait3A_31 : memref<2048x256xf32, #tpu.memory_space<hbm>>) dst(%dma_wait3A_25 : memref<80x256xf32, #tpu.memory_space<vmem>>)
      %add3A_32 = arith.constant 1 : i32
      %add3A_33 = arith.addi %mul3A_21, %add3A_32 : i32
      %lt3A = arith.constant 64 : i32
      %lt3A_34 = arith.cmpi slt, %add3A_33, %lt3A : i32
      %convert_element_type3A = arith.extui %lt3A_34 : i1 to i32
      %cond3A = arith.constant 0 : i32
      %cond3A_35 = arith.cmpi ne, %convert_element_type3A, %cond3A : i32
      scf.if %cond3A_35 {
        %add3A_61 = arith.constant 1 : i32
        %add3A_62 = arith.addi %mul3A_21, %add3A_61 : i32
        %dma_start3A_63 = arith.constant 1 : i32
        %dma_start3A_64 = arith.constant 0 : i32
        %dma_start3A_65 = arith.constant 0 : i32
        %dma_start3A_66 = tpu.memref_slice %arg6[%dma_start3A_63, %dma_start3A_64, %dma_start3A_65] : memref<2x80x256xf32, #tpu.memory_space<vmem>> -> memref<1x80x256xf32, #tpu.memory_space<vmem>>
        %dma_start3A_67 = tpu.memref_squeeze %dma_start3A_66 : memref<1x80x256xf32, #tpu.memory_space<vmem>> -> memref<80x256xf32, #tpu.memory_space<vmem>>
        %dma_start3A_68 = arith.constant 0 : i32
        %dma_start3A_69 = tpu.memref_slice %arg5[%add3A_62, %dma_start3A_68] : memref<64x80xi32, #tpu.memory_space<vmem>> -> memref<1x80xi32, #tpu.memory_space<vmem>>
        %dma_start3A_70 = tpu.memref_squeeze %dma_start3A_69 : memref<1x80xi32, #tpu.memory_space<vmem>> -> memref<80xi32, #tpu.memory_space<vmem>>
        %dma_start3A_71 = arith.constant 0 : i32
        %dma_start3A_72 = arith.constant 0 : i32
        %dma_start3A_73 = tpu.memref_slice %arg2[%dma_start3A_71, %dma_start3A_72] : memref<2048x256xf32, #tpu.memory_space<hbm>> -> memref<2048x256xf32, #tpu.memory_space<hbm>>
        tpu.enqueue_indirect_dma source(%dma_start3A_73 : memref<2048x256xf32, #tpu.memory_space<hbm>>) target(%dma_start3A_67 : memref<80x256xf32, #tpu.memory_space<vmem>>) offsets(%dma_start3A_70 : memref<80xi32, #tpu.memory_space<vmem>>) semaphore(%arg8 : memref<!tpu.dma_semaphore, #tpu.memory_space<semaphore_mem>>)
      } else {
      }
      %add3A_36 = arith.addi %mul3A_2, %mul3A_21 : i32
      %run_scoped3A = arith.constant 0 : i32
      "tpu.region"() ({
        %run_scoped3A_61 = tpu.sem_alloc : memref<!tpu.dma_semaphore, #tpu.memory_space<semaphore_mem>>
        %dma_start3A_62 = arith.constant 0 : i32
        %dma_start3A_63 = arith.constant 0 : i32
        %dma_start3A_64 = tpu.memref_slice %arg6[%run_scoped3A, %dma_start3A_62, %dma_start3A_63] : memref<2x80x256xf32, #tpu.memory_space<vmem>> -> memref<1x80x256xf32, #tpu.memory_space<vmem>>
        %dma_start3A_65 = tpu.memref_squeeze %dma_start3A_64 : memref<1x80x256xf32, #tpu.memory_space<vmem>> -> memref<80x256xf32, #tpu.memory_space<vmem>>
        %dma_start3A_66 = arith.constant 0 : i32
        %dma_start3A_67 = arith.constant 0 : i32
        %dma_start3A_68 = tpu.memref_slice %arg4[%add3A_36, %dma_start3A_66, %dma_start3A_67] : memref<2048x80x256xf32, #tpu.memory_space<hbm>> -> memref<1x80x256xf32, #tpu.memory_space<hbm>>
        %dma_start3A_69 = tpu.memref_squeeze %dma_start3A_68 : memref<1x80x256xf32, #tpu.memory_space<hbm>> -> memref<80x256xf32, #tpu.memory_space<hbm>>
        %dma_start3A_70 = arith.constant 0 : i32
        %dma_start3A_71 = arith.constant 0 : i32
        %dma_start3A_72 = tpu.memref_slice %arg4[%add3A_36, %dma_start3A_70, %dma_start3A_71] : memref<2048x80x256xf32, #tpu.memory_space<hbm>> -> memref<1x80x256xf32, #tpu.memory_space<hbm>>
        %dma_start3A_73 = tpu.memref_squeeze %dma_start3A_72 : memref<1x80x256xf32, #tpu.memory_space<hbm>> -> memref<80x256xf32, #tpu.memory_space<hbm>>
        %dma_start3A_74 = arith.constant 0 : i32
        %dma_start3A_75 = arith.constant 0 : i32
        %dma_start3A_76 = tpu.memref_slice %arg6[%run_scoped3A, %dma_start3A_74, %dma_start3A_75] : memref<2x80x256xf32, #tpu.memory_space<vmem>> -> memref<1x80x256xf32, #tpu.memory_space<vmem>>
        %dma_start3A_77 = tpu.memref_squeeze %dma_start3A_76 : memref<1x80x256xf32, #tpu.memory_space<vmem>> -> memref<80x256xf32, #tpu.memory_space<vmem>>
        tpu.enqueue_dma source(%dma_start3A_77 : memref<80x256xf32, #tpu.memory_space<vmem>>) target(%dma_start3A_73 : memref<80x256xf32, #tpu.memory_space<hbm>>) target_semaphore(%run_scoped3A_61 : memref<!tpu.dma_semaphore, #tpu.memory_space<semaphore_mem>>)
        %dma_wait3A_78 = arith.constant 0 : i32
        %dma_wait3A_79 = arith.constant 0 : i32
        %dma_wait3A_80 = tpu.memref_slice %arg6[%run_scoped3A, %dma_wait3A_78, %dma_wait3A_79] : memref<2x80x256xf32, #tpu.memory_space<vmem>> -> memref<1x80x256xf32, #tpu.memory_space<vmem>>
        %dma_wait3A_81 = tpu.memref_squeeze %dma_wait3A_80 : memref<1x80x256xf32, #tpu.memory_space<vmem>> -> memref<80x256xf32, #tpu.memory_space<vmem>>
        %dma_wait3A_82 = arith.constant 0 : i32
        %dma_wait3A_83 = arith.constant 0 : i32
        %dma_wait3A_84 = tpu.memref_slice %arg4[%add3A_36, %dma_wait3A_82, %dma_wait3A_83] : memref<2048x80x256xf32, #tpu.memory_space<hbm>> -> memref<1x80x256xf32, #tpu.memory_space<hbm>>
        %dma_wait3A_85 = tpu.memref_squeeze %dma_wait3A_84 : memref<1x80x256xf32, #tpu.memory_space<hbm>> -> memref<80x256xf32, #tpu.memory_space<hbm>>
        %dma_wait3A_86 = arith.constant 0 : i32
        %dma_wait3A_87 = arith.constant 0 : i32
        %dma_wait3A_88 = tpu.memref_slice %arg4[%add3A_36, %dma_wait3A_86, %dma_wait3A_87] : memref<2048x80x256xf32, #tpu.memory_space<hbm>> -> memref<1x80x256xf32, #tpu.memory_space<hbm>>
        %dma_wait3A_89 = tpu.memref_squeeze %dma_wait3A_88 : memref<1x80x256xf32, #tpu.memory_space<hbm>> -> memref<80x256xf32, #tpu.memory_space<hbm>>
        %dma_wait3A_90 = arith.constant 0 : i32
        %dma_wait3A_91 = arith.constant 0 : i32
        %dma_wait3A_92 = tpu.memref_slice %arg6[%run_scoped3A, %dma_wait3A_90, %dma_wait3A_91] : memref<2x80x256xf32, #tpu.memory_space<vmem>> -> memref<1x80x256xf32, #tpu.memory_space<vmem>>
        %dma_wait3A_93 = tpu.memref_squeeze %dma_wait3A_92 : memref<1x80x256xf32, #tpu.memory_space<vmem>> -> memref<80x256xf32, #tpu.memory_space<vmem>>
        tpu.wait_dma2 semaphore(%run_scoped3A_61 : memref<!tpu.dma_semaphore, #tpu.memory_space<semaphore_mem>>) src(%dma_wait3A_93 : memref<80x256xf32, #tpu.memory_space<vmem>>) dst(%dma_wait3A_89 : memref<80x256xf32, #tpu.memory_space<hbm>>)
        tpu.yield
      }) : () -> ()
      %mul3A_37 = arith.constant 2 : i32
      %mul3A_38 = arith.muli %mul3A_37, %scan3A_19 : i32
      %add3A_39 = arith.constant 1 : i32
      %add3A_40 = arith.addi %mul3A_38, %add3A_39 : i32
      %dma_wait3A_41 = arith.constant 1 : i32
      %dma_wait3A_42 = arith.constant 0 : i32
      %dma_wait3A_43 = arith.constant 0 : i32
      %dma_wait3A_44 = tpu.memref_slice %arg6[%dma_wait3A_41, %dma_wait3A_42, %dma_wait3A_43] : memref<2x80x256xf32, #tpu.memory_space<vmem>> -> memref<1x80x256xf32, #tpu.memory_space<vmem>>
      %dma_wait3A_45 = tpu.memref_squeeze %dma_wait3A_44 : memref<1x80x256xf32, #tpu.memory_space<vmem>> -> memref<80x256xf32, #tpu.memory_space<vmem>>
      %dma_wait3A_46 = arith.constant 0 : i32
      %dma_wait3A_47 = tpu.memref_slice %arg5[%add3A_40, %dma_wait3A_46] : memref<64x80xi32, #tpu.memory_space<vmem>> -> memref<1x80xi32, #tpu.memory_space<vmem>>
      %dma_wait3A_48 = tpu.memref_squeeze %dma_wait3A_47 : memref<1x80xi32, #tpu.memory_space<vmem>> -> memref<80xi32, #tpu.memory_space<vmem>>
      %dma_wait3A_49 = arith.constant 0 : i32
      %dma_wait3A_50 = arith.constant 0 : i32
      %dma_wait3A_51 = tpu.memref_slice %arg2[%dma_wait3A_49, %dma_wait3A_50] : memref<2048x256xf32, #tpu.memory_space<hbm>> -> memref<2048x256xf32, #tpu.memory_space<hbm>>
      tpu.wait_indirect_dma semaphore(%arg8 : memref<!tpu.dma_semaphore, #tpu.memory_space<semaphore_mem>>) src(%dma_wait3A_51 : memref<2048x256xf32, #tpu.memory_space<hbm>>) dst(%dma_wait3A_45 : memref<80x256xf32, #tpu.memory_space<vmem>>)
      %add3A_52 = arith.constant 1 : i32
      %add3A_53 = arith.addi %add3A_40, %add3A_52 : i32
      %lt3A_54 = arith.constant 64 : i32
      %lt3A_55 = arith.cmpi slt, %add3A_53, %lt3A_54 : i32
      %convert_element_type3A_56 = arith.extui %lt3A_55 : i1 to i32
      %cond3A_57 = arith.constant 0 : i32
      %cond3A_58 = arith.cmpi ne, %convert_element_type3A_56, %cond3A_57 : i32
      scf.if %cond3A_58 {
        %add3A_61 = arith.constant 1 : i32
        %add3A_62 = arith.addi %add3A_40, %add3A_61 : i32
        %dma_start3A_63 = arith.constant 0 : i32
        %dma_start3A_64 = arith.constant 0 : i32
        %dma_start3A_65 = arith.constant 0 : i32
        %dma_start3A_66 = tpu.memref_slice %arg6[%dma_start3A_63, %dma_start3A_64, %dma_start3A_65] : memref<2x80x256xf32, #tpu.memory_space<vmem>> -> memref<1x80x256xf32, #tpu.memory_space<vmem>>
        %dma_start3A_67 = tpu.memref_squeeze %dma_start3A_66 : memref<1x80x256xf32, #tpu.memory_space<vmem>> -> memref<80x256xf32, #tpu.memory_space<vmem>>
        %dma_start3A_68 = arith.constant 0 : i32
        %dma_start3A_69 = tpu.memref_slice %arg5[%add3A_62, %dma_start3A_68] : memref<64x80xi32, #tpu.memory_space<vmem>> -> memref<1x80xi32, #tpu.memory_space<vmem>>
        %dma_start3A_70 = tpu.memref_squeeze %dma_start3A_69 : memref<1x80xi32, #tpu.memory_space<vmem>> -> memref<80xi32, #tpu.memory_space<vmem>>
        %dma_start3A_71 = arith.constant 0 : i32
        %dma_start3A_72 = arith.constant 0 : i32
        %dma_start3A_73 = tpu.memref_slice %arg2[%dma_start3A_71, %dma_start3A_72] : memref<2048x256xf32, #tpu.memory_space<hbm>> -> memref<2048x256xf32, #tpu.memory_space<hbm>>
        tpu.enqueue_indirect_dma source(%dma_start3A_73 : memref<2048x256xf32, #tpu.memory_space<hbm>>) target(%dma_start3A_67 : memref<80x256xf32, #tpu.memory_space<vmem>>) offsets(%dma_start3A_70 : memref<80xi32, #tpu.memory_space<vmem>>) semaphore(%arg7 : memref<!tpu.dma_semaphore, #tpu.memory_space<semaphore_mem>>)
      } else {
      }
      %add3A_59 = arith.addi %mul3A_2, %add3A_40 : i32
      %run_scoped3A_60 = arith.constant 1 : i32
      "tpu.region"() ({
        %run_scoped3A_61 = tpu.sem_alloc : memref<!tpu.dma_semaphore, #tpu.memory_space<semaphore_mem>>
        %dma_start3A_62 = arith.constant 0 : i32
        %dma_start3A_63 = arith.constant 0 : i32
        %dma_start3A_64 = tpu.memref_slice %arg6[%run_scoped3A_60, %dma_start3A_62, %dma_start3A_63] : memref<2x80x256xf32, #tpu.memory_space<vmem>> -> memref<1x80x256xf32, #tpu.memory_space<vmem>>
        %dma_start3A_65 = tpu.memref_squeeze %dma_start3A_64 : memref<1x80x256xf32, #tpu.memory_space<vmem>> -> memref<80x256xf32, #tpu.memory_space<vmem>>
        %dma_start3A_66 = arith.constant 0 : i32
        %dma_start3A_67 = arith.constant 0 : i32
        %dma_start3A_68 = tpu.memref_slice %arg4[%add3A_59, %dma_start3A_66, %dma_start3A_67] : memref<2048x80x256xf32, #tpu.memory_space<hbm>> -> memref<1x80x256xf32, #tpu.memory_space<hbm>>
        %dma_start3A_69 = tpu.memref_squeeze %dma_start3A_68 : memref<1x80x256xf32, #tpu.memory_space<hbm>> -> memref<80x256xf32, #tpu.memory_space<hbm>>
        %dma_start3A_70 = arith.constant 0 : i32
        %dma_start3A_71 = arith.constant 0 : i32
        %dma_start3A_72 = tpu.memref_slice %arg4[%add3A_59, %dma_start3A_70, %dma_start3A_71] : memref<2048x80x256xf32, #tpu.memory_space<hbm>> -> memref<1x80x256xf32, #tpu.memory_space<hbm>>
        %dma_start3A_73 = tpu.memref_squeeze %dma_start3A_72 : memref<1x80x256xf32, #tpu.memory_space<hbm>> -> memref<80x256xf32, #tpu.memory_space<hbm>>
        %dma_start3A_74 = arith.constant 0 : i32
        %dma_start3A_75 = arith.constant 0 : i32
        %dma_start3A_76 = tpu.memref_slice %arg6[%run_scoped3A_60, %dma_start3A_74, %dma_start3A_75] : memref<2x80x256xf32, #tpu.memory_space<vmem>> -> memref<1x80x256xf32, #tpu.memory_space<vmem>>
        %dma_start3A_77 = tpu.memref_squeeze %dma_start3A_76 : memref<1x80x256xf32, #tpu.memory_space<vmem>> -> memref<80x256xf32, #tpu.memory_space<vmem>>
        tpu.enqueue_dma source(%dma_start3A_77 : memref<80x256xf32, #tpu.memory_space<vmem>>) target(%dma_start3A_73 : memref<80x256xf32, #tpu.memory_space<hbm>>) target_semaphore(%run_scoped3A_61 : memref<!tpu.dma_semaphore, #tpu.memory_space<semaphore_mem>>)
        %dma_wait3A_78 = arith.constant 0 : i32
        %dma_wait3A_79 = arith.constant 0 : i32
        %dma_wait3A_80 = tpu.memref_slice %arg6[%run_scoped3A_60, %dma_wait3A_78, %dma_wait3A_79] : memref<2x80x256xf32, #tpu.memory_space<vmem>> -> memref<1x80x256xf32, #tpu.memory_space<vmem>>
        %dma_wait3A_81 = tpu.memref_squeeze %dma_wait3A_80 : memref<1x80x256xf32, #tpu.memory_space<vmem>> -> memref<80x256xf32, #tpu.memory_space<vmem>>
        %dma_wait3A_82 = arith.constant 0 : i32
        %dma_wait3A_83 = arith.constant 0 : i32
        %dma_wait3A_84 = tpu.memref_slice %arg4[%add3A_59, %dma_wait3A_82, %dma_wait3A_83] : memref<2048x80x256xf32, #tpu.memory_space<hbm>> -> memref<1x80x256xf32, #tpu.memory_space<hbm>>
        %dma_wait3A_85 = tpu.memref_squeeze %dma_wait3A_84 : memref<1x80x256xf32, #tpu.memory_space<hbm>> -> memref<80x256xf32, #tpu.memory_space<hbm>>
        %dma_wait3A_86 = arith.constant 0 : i32
        %dma_wait3A_87 = arith.constant 0 : i32
        %dma_wait3A_88 = tpu.memref_slice %arg4[%add3A_59, %dma_wait3A_86, %dma_wait3A_87] : memref<2048x80x256xf32, #tpu.memory_space<hbm>> -> memref<1x80x256xf32, #tpu.memory_space<hbm>>
        %dma_wait3A_89 = tpu.memref_squeeze %dma_wait3A_88 : memref<1x80x256xf32, #tpu.memory_space<hbm>> -> memref<80x256xf32, #tpu.memory_space<hbm>>
        %dma_wait3A_90 = arith.constant 0 : i32
        %dma_wait3A_91 = arith.constant 0 : i32
        %dma_wait3A_92 = tpu.memref_slice %arg6[%run_scoped3A_60, %dma_wait3A_90, %dma_wait3A_91] : memref<2x80x256xf32, #tpu.memory_space<vmem>> -> memref<1x80x256xf32, #tpu.memory_space<vmem>>
        %dma_wait3A_93 = tpu.memref_squeeze %dma_wait3A_92 : memref<1x80x256xf32, #tpu.memory_space<vmem>> -> memref<80x256xf32, #tpu.memory_space<vmem>>
        tpu.wait_dma2 semaphore(%run_scoped3A_61 : memref<!tpu.dma_semaphore, #tpu.memory_space<semaphore_mem>>) src(%dma_wait3A_93 : memref<80x256xf32, #tpu.memory_space<vmem>>) dst(%dma_wait3A_89 : memref<80x256xf32, #tpu.memory_space<hbm>>)
        tpu.yield
      }) : () -> ()
    }
    %scan3A_18 = arith.constant 32 : i32
    return
  }
}

module attributes {stable_mosaic.version = 14 : i64} {
  func.func @_dist_body(%arg0: i32, %arg1: i32, %arg2: memref<1x512x128xf32, #tpu.memory_space<vmem>>, %arg3: memref<1x2048x128xf32, #tpu.memory_space<vmem>>, %arg4: memref<1x1x2048xf32, #tpu.memory_space<vmem>>, %arg5: memref<1x512x2048xf32, #tpu.memory_space<vmem>>) attributes {dimension_semantics = [#tpu.dimension_semantics<arbitrary>, #tpu.dimension_semantics<arbitrary>], iteration_bounds = array<i64: 2, 4>, scalar_prefetch = 0 : i64, scratch_operands = 0 : i64, tpu.core_type = #tpu.core_type<tc>, window_params = [{transform_indices = @transform_0, window_bounds = array<i64: 1, 512, 128>}, {transform_indices = @transform_1, window_bounds = array<i64: 1, 2048, 128>}, {transform_indices = @transform_2, window_bounds = array<i64: 1, 1, 2048>}, {transform_indices = @transform_3, window_bounds = array<i64: 1, 512, 2048>}]} {
    %get3A = arith.constant 0 : index
    %get3A_0 = arith.constant 0 : index
    %get3A_1 = arith.constant 0 : index
    %get3A_2 = vector.load %arg2[%get3A, %get3A_0, %get3A_1] : memref<1x512x128xf32, #tpu.memory_space<vmem>>, vector<1x512x128xf32>
    %get3A_3 = vector.shape_cast %get3A_2 : vector<1x512x128xf32> to vector<512x128xf32>
    %get3A_4 = arith.constant 0 : index
    %get3A_5 = arith.constant 0 : index
    %get3A_6 = arith.constant 0 : index
    %get3A_7 = vector.load %arg3[%get3A_4, %get3A_5, %get3A_6] : memref<1x2048x128xf32, #tpu.memory_space<vmem>>, vector<1x2048x128xf32>
    %get3A_8 = vector.shape_cast %get3A_7 : vector<1x2048x128xf32> to vector<2048x128xf32>
    %dot_general3A = arith.constant dense<0.000000e+00> : vector<512x2048xf32>
    %dot_general3A_9 = tpu.matmul %get3A_3, %get3A_8, %dot_general3A {dimension_numbers = #tpu.dot_dimension_numbers<[1], [1], [0], [0], [0, 0, 1, 0], [], []>, transpose_lhs_hint = false} : vector<512x128xf32>, vector<2048x128xf32>, vector<512x2048xf32> -> vector<512x2048xf32>
    %mul3A = arith.constant -2.000000e+00 : f32
    %mul3A_10 = vector.broadcast %mul3A : f32 to vector<512x2048xf32>
    %mul3A_11 = arith.mulf %mul3A_10, %dot_general3A_9 : vector<512x2048xf32>
    %neg3A = arith.constant 0.000000e+00 : f32
    %neg3A_12 = vector.broadcast %neg3A : f32 to vector<512x2048xf32>
    %neg3A_13 = arith.subf %neg3A_12, %mul3A_11 : vector<512x2048xf32>
    %get3A_14 = arith.constant 0 : index
    %get3A_15 = arith.constant 0 : index
    %get3A_16 = arith.constant 0 : index
    %get3A_17 = vector.load %arg4[%get3A_14, %get3A_15, %get3A_16] : memref<1x1x2048xf32, #tpu.memory_space<vmem>>, vector<1x1x2048xf32>
    %get3A_18 = vector.shape_cast %get3A_17 : vector<1x1x2048xf32> to vector<1x2048xf32>
    %sub3A = vector.broadcast %get3A_18 : vector<1x2048xf32> to vector<512x2048xf32>
    %sub3A_19 = arith.subf %neg3A_13, %sub3A : vector<512x2048xf32>
    %swap3A = arith.constant 0 : index
    %swap3A_20 = arith.constant 0 : index
    %swap3A_21 = arith.constant 0 : index
    %swap3A_22 = vector.load %arg5[%swap3A, %swap3A_20, %swap3A_21] : memref<1x512x2048xf32, #tpu.memory_space<vmem>>, vector<1x512x2048xf32>
    %swap3A_23 = vector.shape_cast %swap3A_22 : vector<1x512x2048xf32> to vector<512x2048xf32>
    %swap3A_24 = vector.shape_cast %sub3A_19 : vector<512x2048xf32> to vector<1x512x2048xf32>
    tpu.vector_store %arg5[%swap3A, %swap3A_20, %swap3A_21], %swap3A_24 {strides = array<i32>} : memref<1x512x2048xf32, #tpu.memory_space<vmem>>, vector<1x512x2048xf32>,
    return
  }
  func.func @transform_0(%arg0: i32, %arg1: i32) -> (i32, i32, i32) {
    %c0_i32 = arith.constant 0 : i32
    %c0_i32_0 = arith.constant 0 : i32
    return %arg0, %arg1, %c0_i32 : i32, i32, i32
  }
  func.func @transform_1(%arg0: i32, %arg1: i32) -> (i32, i32, i32) {
    %c0_i32 = arith.constant 0 : i32
    %c0_i32_0 = arith.constant 0 : i32
    %c0_i32_1 = arith.constant 0 : i32
    return %arg0, %c0_i32, %c0_i32_0 : i32, i32, i32
  }
  func.func @transform_2(%arg0: i32, %arg1: i32) -> (i32, i32, i32) {
    %c0_i32 = arith.constant 0 : i32
    %c0_i32_0 = arith.constant 0 : i32
    %c0_i32_1 = arith.constant 0 : i32
    return %arg0, %c0_i32, %c0_i32_0 : i32, i32, i32
  }
  func.func @transform_3(%arg0: i32, %arg1: i32) -> (i32, i32, i32) {
    %c0_i32 = arith.constant 0 : i32
    %c0_i32_0 = arith.constant 0 : i32
    return %arg0, %arg1, %c0_i32 : i32, i32, i32
  }
}

module attributes {stable_mosaic.version = 14 : i64} {
  func.func @_topk_body(%arg0: i32, %arg1: i32, %arg2: memref<1x256x2048xf32, #tpu.memory_space<vmem>>, %arg3: memref<1x256x64xi32, #tpu.memory_space<vmem>>) attributes {dimension_semantics = [#tpu.dimension_semantics<arbitrary>, #tpu.dimension_semantics<arbitrary>], iteration_bounds = array<i64: 2, 8>, scalar_prefetch = 0 : i64, scratch_operands = 0 : i64, tpu.core_type = #tpu.core_type<tc>, window_params = [{transform_indices = @transform_0, window_bounds = array<i64: 1, 256, 2048>}, {transform_indices = @transform_1, window_bounds = array<i64: 1, 256, 64>}]} {
    %get3A = arith.constant 0 : index
    %get3A_0 = arith.constant 0 : index
    %get3A_1 = arith.constant 0 : index
    %get3A_2 = vector.load %arg2[%get3A, %get3A_0, %get3A_1] : memref<1x256x2048xf32, #tpu.memory_space<vmem>>, vector<1x256x2048xf32>
    %get3A_3 = vector.shape_cast %get3A_2 : vector<1x256x2048xf32> to vector<256x2048xf32>
    %iota3A = tpu.iota {dimensions = array<i32: 1>} : vector<256x2048xi32>
    %iota3A_4 = tpu.iota {dimensions = array<i32: 1>} : vector<256x64xi32>
    %broadcast_in_dim3A = arith.constant 0 : i32
    %broadcast_in_dim3A_5 = vector.broadcast %broadcast_in_dim3A : i32 to vector<256x64xi32>
    %broadcast_in_dim3A_6 = arith.constant 0.000000e+00 : f32
    %broadcast_in_dim3A_7 = vector.broadcast %broadcast_in_dim3A_6 : f32 to vector<256x1xf32>
    %scan3A = arith.constant 0 : i32
    %scan3A_8 = arith.constant 40 : i32
    %scan3A_9 = arith.addi %scan3A, %scan3A_8 : i32
    %scan3A_10 = arith.constant 1 : i32
    %scan3A_11:3 = scf.for %scan3A_22 = %scan3A to %scan3A_9 step %scan3A_10 iter_args(%scan3A_23 = %get3A_3, %scan3A_24 = %broadcast_in_dim3A_5, %scan3A_25 = %broadcast_in_dim3A_7) -> (vector<256x2048xf32>, vector<256x64xi32>, vector<256x1xf32>)  : i32 {
      %reduce_max3A = arith.constant dense<0xFF800000> : vector<256xf32>
      %reduce_max3A_26 = vector.multi_reduction <maximumf>, %scan3A_23, %reduce_max3A [1] : vector<256x2048xf32> to vector<256xf32>
      %broadcast_in_dim3A_27 = vector.shape_cast %reduce_max3A_26 : vector<256xf32> to vector<256x1xf32>
      %ge3A_28 = vector.broadcast %broadcast_in_dim3A_27 : vector<256x1xf32> to vector<256x2048xf32>
      %ge3A_29 = arith.cmpf oge, %scan3A_23, %ge3A_28 : vector<256x2048xf32>
      %jit3A = arith.constant 2048 : i32
      %broadcast_in_dim3A_30 = vector.broadcast %jit3A : i32 to vector<256x2048xi32>
      %select_n3A_31 = arith.select %ge3A_29, %iota3A, %broadcast_in_dim3A_30 : vector<256x2048xi1>, vector<256x2048xi32>
      %reduce_min3A = arith.constant dense<2147483647> : vector<256xi32>
      %reduce_min3A_32 = vector.multi_reduction <minsi>, %select_n3A_31, %reduce_min3A [1] : vector<256x2048xi32> to vector<256xi32>
      %broadcast_in_dim3A_33 = vector.shape_cast %reduce_min3A_32 : vector<256xi32> to vector<256x1xi32>
      %eq3A = vector.broadcast %scan3A_22 : i32 to vector<256x64xi32>
      %eq3A_34 = arith.cmpi eq, %iota3A_4, %eq3A : vector<256x64xi32>
      %mul3A = arith.constant 2048 : i32
      %mul3A_35 = arith.muli %arg0, %mul3A : i32
      %add3A = vector.broadcast %mul3A_35 : i32 to vector<256x1xi32>
      %add3A_36 = arith.addi %broadcast_in_dim3A_33, %add3A : vector<256x1xi32>
      %broadcast_in_dim3A_37 = vector.shape_cast %add3A_36 : vector<256x1xi32> to vector<256x1xi32>
      %broadcast_in_dim3A_38 = vector.broadcast %broadcast_in_dim3A_37 : vector<256x1xi32> to vector<256x64xi32>
      %select_n3A_39 = arith.select %eq3A_34, %broadcast_in_dim3A_38, %scan3A_24 : vector<256x64xi1>, vector<256x64xi32>
      %eq3A_40 = vector.broadcast %broadcast_in_dim3A_33 : vector<256x1xi32> to vector<256x2048xi32>
      %eq3A_41 = arith.cmpi eq, %iota3A, %eq3A_40 : vector<256x2048xi32>
      %jit3A_42 = arith.constant -3.000000e+38 : f32
      %broadcast_in_dim3A_43 = vector.broadcast %jit3A_42 : f32 to vector<256x2048xf32>
      %select_n3A_44 = arith.select %eq3A_41, %broadcast_in_dim3A_43, %scan3A_23 : vector<256x2048xi1>, vector<256x2048xf32>
      scf.yield %select_n3A_44, %select_n3A_39, %broadcast_in_dim3A_27 : vector<256x2048xf32>, vector<256x64xi32>, vector<256x1xf32>
    }
    %scan3A_12 = arith.constant 40 : i32
    %bitcast_convert_type3A = tpu.bitcast %scan3A_11#2 : vector<256x1xf32> -> vector<256x1xi32>
    %ge3A = arith.constant 40 : i32
    %ge3A_13 = vector.broadcast %ge3A : i32 to vector<256x64xi32>
    %ge3A_14 = arith.cmpi sge, %iota3A_4, %ge3A_13 : vector<256x64xi32>
    %broadcast_in_dim3A_15 = vector.shape_cast %bitcast_convert_type3A : vector<256x1xi32> to vector<256x1xi32>
    %broadcast_in_dim3A_16 = vector.broadcast %broadcast_in_dim3A_15 : vector<256x1xi32> to vector<256x64xi32>
    %select_n3A = arith.select %ge3A_14, %broadcast_in_dim3A_16, %scan3A_11#1 : vector<256x64xi1>, vector<256x64xi32>
    %swap3A = arith.constant 0 : index
    %swap3A_17 = arith.constant 0 : index
    %swap3A_18 = arith.constant 0 : index
    %swap3A_19 = vector.load %arg3[%swap3A, %swap3A_17, %swap3A_18] : memref<1x256x64xi32, #tpu.memory_space<vmem>>, vector<1x256x64xi32>
    %swap3A_20 = vector.shape_cast %swap3A_19 : vector<1x256x64xi32> to vector<256x64xi32>
    %swap3A_21 = vector.shape_cast %select_n3A : vector<256x64xi32> to vector<1x256x64xi32>
    tpu.vector_store %arg3[%swap3A, %swap3A_17, %swap3A_18], %swap3A_21 {strides = array<i32>} : memref<1x256x64xi32, #tpu.memory_space<vmem>>, vector<1x256x64xi32>,
    return
  }
  func.func @transform_0(%arg0: i32, %arg1: i32) -> (i32, i32, i32) {
    %c0_i32 = arith.constant 0 : i32
    %c0_i32_0 = arith.constant 0 : i32
    return %arg0, %arg1, %c0_i32 : i32, i32, i32
  }
  func.func @transform_1(%arg0: i32, %arg1: i32) -> (i32, i32, i32) {
    %c0_i32 = arith.constant 0 : i32
    %c0_i32_0 = arith.constant 0 : i32
    return %arg0, %arg1, %c0_i32 : i32, i32, i32
  }
}

module attributes {stable_mosaic.version = 14 : i64} {
  func.func @_faithful_body(%arg0: i32, %arg1: i32, %arg2: memref<1x128x40x128xf32, #tpu.memory_space<vmem>>, %arg3: memref<1x128x64xf32, #tpu.memory_space<vmem>>, %arg4: memref<1x128x40xi32, #tpu.memory_space<vmem>>, %arg5: memref<6x64xf32, #tpu.memory_space<vmem>>, %arg6: memref<1x128x64xf32, #tpu.memory_space<vmem>>, %arg7: memref<1x1x2x64xf32, #tpu.memory_space<vmem>>) attributes {dimension_semantics = [#tpu.dimension_semantics<arbitrary>, #tpu.dimension_semantics<arbitrary>], iteration_bounds = array<i64: 2, 16>, scalar_prefetch = 0 : i64, scratch_operands = 0 : i64, tpu.core_type = #tpu.core_type<tc>, window_params = [{transform_indices = @transform_0, window_bounds = array<i64: 1, 128, 40, 128>}, {transform_indices = @transform_1, window_bounds = array<i64: 1, 128, 64>}, {transform_indices = @transform_2, window_bounds = array<i64: 1, 128, 40>}, {pipeline_mode = #tpu.pipeline_mode<synchronous>, transform_indices = @transform_3, window_bounds = array<i64: 6, 64>}, {transform_indices = @transform_4, window_bounds = array<i64: 1, 128, 64>}, {transform_indices = @transform_5, window_bounds = array<i64: 1, 1, 2, 64>}]} {
    %get3A = arith.constant 0 : index
    %get3A_0 = arith.constant 0 : index
    %get3A_1 = arith.constant 0 : index
    %get3A_2 = arith.constant 0 : index
    %get3A_3 = vector.load %arg2[%get3A, %get3A_0, %get3A_1, %get3A_2] : memref<1x128x40x128xf32, #tpu.memory_space<vmem>>, vector<1x128x40x128xf32>
    %get3A_4 = vector.shape_cast %get3A_3 : vector<1x128x40x128xf32> to vector<128x40x128xf32>
    %get3A_5 = arith.constant 0 : index
    %get3A_6 = arith.constant 0 : index
    %get3A_7 = arith.constant 0 : index
    %get3A_8 = vector.load %arg4[%get3A_5, %get3A_6, %get3A_7] : memref<1x128x40xi32, #tpu.memory_space<vmem>>, vector<1x128x40xi32>
    %get3A_9 = vector.shape_cast %get3A_8 : vector<1x128x40xi32> to vector<128x40xi32>
    %broadcast_in_dim3A = vector.shape_cast %get3A_9 : vector<128x40xi32> to vector<128x40x1xi32>
    %eq3A = arith.constant 1 : i32
    %eq3A_10 = vector.broadcast %eq3A : i32 to vector<128x40x1xi32>
    %eq3A_11 = arith.cmpi eq, %broadcast_in_dim3A, %eq3A_10 : vector<128x40x1xi32>
    %slice3A = vector.extract_strided_slice %get3A_4 {offsets = [0, 0, 64], sizes = [128, 40, 64], strides = [1, 1, 1]} : vector<128x40x128xf32> to vector<128x40x64xf32>
    %slice3A_12 = vector.extract_strided_slice %get3A_4 {offsets = [0, 0, 0], sizes = [128, 40, 64], strides = [1, 1, 1]} : vector<128x40x128xf32> to vector<128x40x64xf32>
    %broadcast_in_dim3A_13 = vector.shape_cast %eq3A_11 : vector<128x40x1xi1> to vector<128x40x1xi1>
    %broadcast_in_dim3A_14 = vector.broadcast %broadcast_in_dim3A_13 : vector<128x40x1xi1> to vector<128x40x64xi1>
    %select_n3A = arith.select %broadcast_in_dim3A_14, %slice3A, %slice3A_12 : vector<128x40x64xi1>, vector<128x40x64xf32>
    %slice3A_15 = vector.extract_strided_slice %select_n3A {offsets = [0, 0, 0], sizes = [128, 40, 3], strides = [1, 1, 1]} : vector<128x40x64xf32> to vector<128x40x3xf32>
    %get3A_16 = arith.constant 0 : index
    %get3A_17 = arith.constant 0 : index
    %get3A_18 = arith.constant 0 : index
    %get3A_19 = vector.load %arg3[%get3A_16, %get3A_17, %get3A_18] : memref<1x128x64xf32, #tpu.memory_space<vmem>>, vector<1x128x64xf32>
    %get3A_20 = vector.shape_cast %get3A_19 : vector<1x128x64xf32> to vector<128x64xf32>
    %slice3A_21 = vector.extract_strided_slice %get3A_20 {offsets = [0, 0], sizes = [128, 3], strides = [1, 1]} : vector<128x64xf32> to vector<128x3xf32>
    %broadcast_in_dim3A_22 = vector.shape_cast %slice3A_21 : vector<128x3xf32> to vector<128x1x3xf32>
    %broadcast_in_dim3A_23 = vector.shape_cast %broadcast_in_dim3A_22 : vector<128x1x3xf32> to vector<128x1x3xf32>
    %broadcast_in_dim3A_24 = vector.broadcast %broadcast_in_dim3A_23 : vector<128x1x3xf32> to vector<128x40x3xf32>
    %sub3A = arith.subf %slice3A_15, %broadcast_in_dim3A_24 : vector<128x40x3xf32>
    %concatenate3A = tpu.concatenate %sub3A, %broadcast_in_dim3A_24 in 2 : vector<128x40x3xf32>, vector<128x40x3xf32> -> vector<128x40x6xf32>
    %reshape3A = vector.shape_cast %concatenate3A : vector<128x40x6xf32> to vector<5120x6xf32>
    %get3A_25 = arith.constant 0 : index
    %get3A_26 = arith.constant 0 : index
    %get3A_27 = vector.load %arg5[%get3A_25, %get3A_26] : memref<6x64xf32, #tpu.memory_space<vmem>>, vector<6x64xf32>
    %dot_general3A = arith.constant dense<0.000000e+00> : vector<5120x64xf32>
    %dot_general3A_28 = tpu.matmul %reshape3A, %get3A_27, %dot_general3A {dimension_numbers = #tpu.dot_dimension_numbers<[1], [0], [0], [1], [0, 0, 1, 1], [], []>, transpose_lhs_hint = false} : vector<5120x6xf32>, vector<6x64xf32>, vector<5120x64xf32> -> vector<5120x64xf32>
    %reshape3A_29 = vector.shape_cast %dot_general3A_28 : vector<5120x64xf32> to vector<128x40x64xf32>
    %reduce_max3A = arith.constant dense<0xFF800000> : vector<128x64xf32>
    %reduce_max3A_30 = vector.multi_reduction <maximumf>, %reshape3A_29, %reduce_max3A [1] : vector<128x40x64xf32> to vector<128x64xf32>
    %swap3A = arith.constant 0 : index
    %swap3A_31 = arith.constant 0 : index
    %swap3A_32 = arith.constant 0 : index
    %swap3A_33 = vector.load %arg6[%swap3A, %swap3A_31, %swap3A_32] : memref<1x128x64xf32, #tpu.memory_space<vmem>>, vector<1x128x64xf32>
    %swap3A_34 = vector.shape_cast %swap3A_33 : vector<1x128x64xf32> to vector<128x64xf32>
    %swap3A_35 = vector.shape_cast %reduce_max3A_30 : vector<128x64xf32> to vector<1x128x64xf32>
    tpu.vector_store %arg6[%swap3A, %swap3A_31, %swap3A_32], %swap3A_35 {strides = array<i32>} : memref<1x128x64xf32, #tpu.memory_space<vmem>>, vector<1x128x64xf32>,
    %reduce_sum3A = arith.constant dense<0.000000e+00> : vector<64xf32>
    %reduce_sum3A_36 = vector.multi_reduction <add>, %dot_general3A_28, %reduce_sum3A [0] : vector<5120x64xf32> to vector<64xf32>
    %broadcast_in_dim3A_37 = vector.shape_cast %reduce_sum3A_36 : vector<64xf32> to vector<1x64xf32>
    %mul3A = arith.mulf %dot_general3A_28, %dot_general3A_28 : vector<5120x64xf32>
    %reduce_sum3A_38 = arith.constant dense<0.000000e+00> : vector<64xf32>
    %reduce_sum3A_39 = vector.multi_reduction <add>, %mul3A, %reduce_sum3A_38 [0] : vector<5120x64xf32> to vector<64xf32>
    %broadcast_in_dim3A_40 = vector.shape_cast %reduce_sum3A_39 : vector<64xf32> to vector<1x64xf32>
    %concatenate3A_41 = tpu.concatenate %broadcast_in_dim3A_37, %broadcast_in_dim3A_40 in 0 : vector<1x64xf32>, vector<1x64xf32> -> vector<2x64xf32>
    %swap3A_42 = arith.constant 0 : index
    %swap3A_43 = arith.constant 0 : index
    %swap3A_44 = arith.constant 0 : index
    %swap3A_45 = arith.constant 0 : index
    %swap3A_46 = vector.load %arg7[%swap3A_42, %swap3A_43, %swap3A_44, %swap3A_45] : memref<1x1x2x64xf32, #tpu.memory_space<vmem>>, vector<1x1x2x64xf32>
    %swap3A_47 = vector.shape_cast %swap3A_46 : vector<1x1x2x64xf32> to vector<2x64xf32>
    %swap3A_48 = vector.shape_cast %concatenate3A_41 : vector<2x64xf32> to vector<1x1x2x64xf32>
    tpu.vector_store %arg7[%swap3A_42, %swap3A_43, %swap3A_44, %swap3A_45], %swap3A_48 {strides = array<i32>} : memref<1x1x2x64xf32, #tpu.memory_space<vmem>>, vector<1x1x2x64xf32>,
    return
  }
  func.func @transform_0(%arg0: i32, %arg1: i32) -> (i32, i32, i32, i32) {
    %c0_i32 = arith.constant 0 : i32
    %c0_i32_0 = arith.constant 0 : i32
    %c0_i32_1 = arith.constant 0 : i32
    return %arg0, %arg1, %c0_i32, %c0_i32_0 : i32, i32, i32, i32
  }
  func.func @transform_1(%arg0: i32, %arg1: i32) -> (i32, i32, i32) {
    %c0_i32 = arith.constant 0 : i32
    %c0_i32_0 = arith.constant 0 : i32
    return %arg0, %arg1, %c0_i32 : i32, i32, i32
  }
  func.func @transform_2(%arg0: i32, %arg1: i32) -> (i32, i32, i32) {
    %c0_i32 = arith.constant 0 : i32
    %c0_i32_0 = arith.constant 0 : i32
    return %arg0, %arg1, %c0_i32 : i32, i32, i32
  }
  func.func @transform_3(%arg0: i32, %arg1: i32) -> (i32, i32) {
    %c0_i32 = arith.constant 0 : i32
    %c0_i32_0 = arith.constant 0 : i32
    %c0_i32_1 = arith.constant 0 : i32
    return %c0_i32, %c0_i32_0 : i32, i32
  }
  func.func @transform_4(%arg0: i32, %arg1: i32) -> (i32, i32, i32) {
    %c0_i32 = arith.constant 0 : i32
    %c0_i32_0 = arith.constant 0 : i32
    return %arg0, %arg1, %c0_i32 : i32, i32, i32
  }
  func.func @transform_5(%arg0: i32, %arg1: i32) -> (i32, i32, i32, i32) {
    %c0_i32 = arith.constant 0 : i32
    %c0_i32_0 = arith.constant 0 : i32
    %c0_i32_1 = arith.constant 0 : i32
    return %arg0, %arg1, %c0_i32, %c0_i32_0 : i32, i32, i32, i32
  }
}

module attributes {stable_mosaic.version = 14 : i64} {
  func.func @_apply_body(%arg0: i32, %arg1: i32, %arg2: memref<1x1024x64xf32, #tpu.memory_space<vmem>>, %arg3: memref<1x1024x64xf32, #tpu.memory_space<vmem>>, %arg4: memref<32x64xf32, #tpu.memory_space<vmem>>, %arg5: memref<32x64xf32, #tpu.memory_space<vmem>>, %arg6: memref<1x64xf32, #tpu.memory_space<vmem>>, %arg7: memref<1x64xf32, #tpu.memory_space<vmem>>, %arg8: memref<1x1024x64xf32, #tpu.memory_space<vmem>>) attributes {dimension_semantics = [#tpu.dimension_semantics<arbitrary>, #tpu.dimension_semantics<arbitrary>], iteration_bounds = array<i64: 2, 2>, scalar_prefetch = 0 : i64, scratch_operands = 0 : i64, tpu.core_type = #tpu.core_type<tc>, window_params = [{transform_indices = @transform_0, window_bounds = array<i64: 1, 1024, 64>}, {transform_indices = @transform_1, window_bounds = array<i64: 1, 1024, 64>}, {pipeline_mode = #tpu.pipeline_mode<synchronous>, transform_indices = @transform_2, window_bounds = array<i64: 32, 64>}, {pipeline_mode = #tpu.pipeline_mode<synchronous>, transform_indices = @transform_3, window_bounds = array<i64: 32, 64>}, {pipeline_mode = #tpu.pipeline_mode<synchronous>, transform_indices = @transform_4, window_bounds = array<i64: 1, 64>}, {pipeline_mode = #tpu.pipeline_mode<synchronous>, transform_indices = @transform_5, window_bounds = array<i64: 1, 64>}, {transform_indices = @transform_6, window_bounds = array<i64: 1, 1024, 64>}]} {
    %get3A = arith.constant 0 : index
    %get3A_0 = arith.constant 0 : index
    %get3A_1 = vector.load %arg4[%get3A, %get3A_0] : memref<32x64xf32, #tpu.memory_space<vmem>>, vector<32x64xf32>
    %reduce_sum3A = arith.constant dense<0.000000e+00> : vector<64xf32>
    %reduce_sum3A_2 = vector.multi_reduction <add>, %get3A_1, %reduce_sum3A [0] : vector<32x64xf32> to vector<64xf32>
    %broadcast_in_dim3A = vector.shape_cast %reduce_sum3A_2 : vector<64xf32> to vector<1x64xf32>
    %get3A_3 = arith.constant 0 : index
    %get3A_4 = arith.constant 0 : index
    %get3A_5 = vector.load %arg5[%get3A_3, %get3A_4] : memref<32x64xf32, #tpu.memory_space<vmem>>, vector<32x64xf32>
    %reduce_sum3A_6 = arith.constant dense<0.000000e+00> : vector<64xf32>
    %reduce_sum3A_7 = vector.multi_reduction <add>, %get3A_5, %reduce_sum3A_6 [0] : vector<32x64xf32> to vector<64xf32>
    %broadcast_in_dim3A_8 = vector.shape_cast %reduce_sum3A_7 : vector<64xf32> to vector<1x64xf32>
    %div3A = arith.constant 1.638400e+05 : f32
    %div3A_9 = vector.broadcast %div3A : f32 to vector<1x64xf32>
    %div3A_10 = arith.divf %broadcast_in_dim3A, %div3A_9 : vector<1x64xf32>
    %div3A_11 = arith.constant 1.638400e+05 : f32
    %div3A_12 = vector.broadcast %div3A_11 : f32 to vector<1x64xf32>
    %div3A_13 = arith.divf %broadcast_in_dim3A_8, %div3A_12 : vector<1x64xf32>
    %mul3A = arith.mulf %div3A_10, %div3A_10 : vector<1x64xf32>
    %sub3A = arith.subf %div3A_13, %mul3A : vector<1x64xf32>
    %get3A_14 = arith.constant 0 : index
    %get3A_15 = arith.constant 0 : index
    %get3A_16 = arith.constant 0 : index
    %get3A_17 = vector.load %arg2[%get3A_14, %get3A_15, %get3A_16] : memref<1x1024x64xf32, #tpu.memory_space<vmem>>, vector<1x1024x64xf32>
    %get3A_18 = vector.shape_cast %get3A_17 : vector<1x1024x64xf32> to vector<1024x64xf32>
    %get3A_19 = arith.constant 0 : index
    %get3A_20 = arith.constant 0 : index
    %get3A_21 = arith.constant 0 : index
    %get3A_22 = vector.load %arg3[%get3A_19, %get3A_20, %get3A_21] : memref<1x1024x64xf32, #tpu.memory_space<vmem>>, vector<1x1024x64xf32>
    %get3A_23 = vector.shape_cast %get3A_22 : vector<1x1024x64xf32> to vector<1024x64xf32>
    %add3A = arith.addf %get3A_18, %get3A_23 : vector<1024x64xf32>
    %sub3A_24 = vector.broadcast %div3A_10 : vector<1x64xf32> to vector<1024x64xf32>
    %sub3A_25 = arith.subf %add3A, %sub3A_24 : vector<1024x64xf32>
    %add3A_26 = arith.constant 9.99999974E-6 : f32
    %add3A_27 = vector.broadcast %add3A_26 : f32 to vector<1x64xf32>
    %add3A_28 = arith.addf %sub3A, %add3A_27 : vector<1x64xf32>
    %sqrt3A = math.sqrt %add3A_28 : vector<1x64xf32>
    %div3A_29 = vector.broadcast %sqrt3A : vector<1x64xf32> to vector<1024x64xf32>
    %div3A_30 = arith.divf %sub3A_25, %div3A_29 : vector<1024x64xf32>
    %get3A_31 = arith.constant 0 : index
    %get3A_32 = arith.constant 0 : index
    %get3A_33 = vector.load %arg6[%get3A_31, %get3A_32] : memref<1x64xf32, #tpu.memory_space<vmem>>, vector<1x64xf32>
    %mul3A_34 = vector.broadcast %get3A_33 : vector<1x64xf32> to vector<1024x64xf32>
    %mul3A_35 = arith.mulf %div3A_30, %mul3A_34 : vector<1024x64xf32>
    %get3A_36 = arith.constant 0 : index
    %get3A_37 = arith.constant 0 : index
    %get3A_38 = vector.load %arg7[%get3A_36, %get3A_37] : memref<1x64xf32, #tpu.memory_space<vmem>>, vector<1x64xf32>
    %add3A_39 = vector.broadcast %get3A_38 : vector<1x64xf32> to vector<1024x64xf32>
    %add3A_40 = arith.addf %mul3A_35, %add3A_39 : vector<1024x64xf32>
    %ge3A = arith.constant 0.000000e+00 : f32
    %ge3A_41 = vector.broadcast %ge3A : f32 to vector<1024x64xf32>
    %ge3A_42 = arith.cmpf oge, %add3A_40, %ge3A_41 : vector<1024x64xf32>
    %mul3A_43 = arith.constant 2.000000e-01 : f32
    %mul3A_44 = vector.broadcast %mul3A_43 : f32 to vector<1024x64xf32>
    %mul3A_45 = arith.mulf %mul3A_44, %add3A_40 : vector<1024x64xf32>
    %select_n3A = arith.select %ge3A_42, %add3A_40, %mul3A_45 : vector<1024x64xi1>, vector<1024x64xf32>
    %swap3A = arith.constant 0 : index
    %swap3A_46 = arith.constant 0 : index
    %swap3A_47 = arith.constant 0 : index
    %swap3A_48 = vector.load %arg8[%swap3A, %swap3A_46, %swap3A_47] : memref<1x1024x64xf32, #tpu.memory_space<vmem>>, vector<1x1024x64xf32>
    %swap3A_49 = vector.shape_cast %swap3A_48 : vector<1x1024x64xf32> to vector<1024x64xf32>
    %swap3A_50 = vector.shape_cast %select_n3A : vector<1024x64xf32> to vector<1x1024x64xf32>
    tpu.vector_store %arg8[%swap3A, %swap3A_46, %swap3A_47], %swap3A_50 {strides = array<i32>} : memref<1x1024x64xf32, #tpu.memory_space<vmem>>, vector<1x1024x64xf32>,
    return
  }
  func.func @transform_0(%arg0: i32, %arg1: i32) -> (i32, i32, i32) {
    %c0_i32 = arith.constant 0 : i32
    %c0_i32_0 = arith.constant 0 : i32
    return %arg0, %arg1, %c0_i32 : i32, i32, i32
  }
  func.func @transform_1(%arg0: i32, %arg1: i32) -> (i32, i32, i32) {
    %c0_i32 = arith.constant 0 : i32
    %c0_i32_0 = arith.constant 0 : i32
    return %arg0, %arg1, %c0_i32 : i32, i32, i32
  }
  func.func @transform_2(%arg0: i32, %arg1: i32) -> (i32, i32) {
    %c0_i32 = arith.constant 0 : i32
    %c0_i32_0 = arith.constant 0 : i32
    %c0_i32_1 = arith.constant 0 : i32
    return %c0_i32, %c0_i32_0 : i32, i32
  }
  func.func @transform_3(%arg0: i32, %arg1: i32) -> (i32, i32) {
    %c0_i32 = arith.constant 0 : i32
    %c0_i32_0 = arith.constant 0 : i32
    %c0_i32_1 = arith.constant 0 : i32
    return %c0_i32, %c0_i32_0 : i32, i32
  }
  func.func @transform_4(%arg0: i32, %arg1: i32) -> (i32, i32) {
    %c0_i32 = arith.constant 0 : i32
    %c0_i32_0 = arith.constant 0 : i32
    %c0_i32_1 = arith.constant 0 : i32
    return %c0_i32, %c0_i32_0 : i32, i32
  }
  func.func @transform_5(%arg0: i32, %arg1: i32) -> (i32, i32) {
    %c0_i32 = arith.constant 0 : i32
    %c0_i32_0 = arith.constant 0 : i32
    %c0_i32_1 = arith.constant 0 : i32
    return %c0_i32, %c0_i32_0 : i32, i32
  }
  func.func @transform_6(%arg0: i32, %arg1: i32) -> (i32, i32, i32) {
    %c0_i32 = arith.constant 0 : i32
    %c0_i32_0 = arith.constant 0 : i32
    return %arg0, %arg1, %c0_i32 : i32, i32, i32
  }
}

module attributes {stable_mosaic.version = 14 : i64} {
  func.func @_faithful_body(%arg0: i32, %arg1: i32, %arg2: memref<1x128x40x128xf32, #tpu.memory_space<vmem>>, %arg3: memref<1x128x64xf32, #tpu.memory_space<vmem>>, %arg4: memref<1x128x40xi32, #tpu.memory_space<vmem>>, %arg5: memref<128x128xf32, #tpu.memory_space<vmem>>, %arg6: memref<1x128x128xf32, #tpu.memory_space<vmem>>, %arg7: memref<1x1x2x128xf32, #tpu.memory_space<vmem>>) attributes {dimension_semantics = [#tpu.dimension_semantics<arbitrary>, #tpu.dimension_semantics<arbitrary>], iteration_bounds = array<i64: 2, 16>, scalar_prefetch = 0 : i64, scratch_operands = 0 : i64, tpu.core_type = #tpu.core_type<tc>, window_params = [{transform_indices = @transform_0, window_bounds = array<i64: 1, 128, 40, 128>}, {transform_indices = @transform_1, window_bounds = array<i64: 1, 128, 64>}, {transform_indices = @transform_2, window_bounds = array<i64: 1, 128, 40>}, {pipeline_mode = #tpu.pipeline_mode<synchronous>, transform_indices = @transform_3, window_bounds = array<i64: 128, 128>}, {transform_indices = @transform_4, window_bounds = array<i64: 1, 128, 128>}, {transform_indices = @transform_5, window_bounds = array<i64: 1, 1, 2, 128>}]} {
    %get3A = arith.constant 0 : index
    %get3A_0 = arith.constant 0 : index
    %get3A_1 = arith.constant 0 : index
    %get3A_2 = arith.constant 0 : index
    %get3A_3 = vector.load %arg2[%get3A, %get3A_0, %get3A_1, %get3A_2] : memref<1x128x40x128xf32, #tpu.memory_space<vmem>>, vector<1x128x40x128xf32>
    %get3A_4 = vector.shape_cast %get3A_3 : vector<1x128x40x128xf32> to vector<128x40x128xf32>
    %get3A_5 = arith.constant 0 : index
    %get3A_6 = arith.constant 0 : index
    %get3A_7 = arith.constant 0 : index
    %get3A_8 = vector.load %arg4[%get3A_5, %get3A_6, %get3A_7] : memref<1x128x40xi32, #tpu.memory_space<vmem>>, vector<1x128x40xi32>
    %get3A_9 = vector.shape_cast %get3A_8 : vector<1x128x40xi32> to vector<128x40xi32>
    %broadcast_in_dim3A = vector.shape_cast %get3A_9 : vector<128x40xi32> to vector<128x40x1xi32>
    %eq3A = arith.constant 1 : i32
    %eq3A_10 = vector.broadcast %eq3A : i32 to vector<128x40x1xi32>
    %eq3A_11 = arith.cmpi eq, %broadcast_in_dim3A, %eq3A_10 : vector<128x40x1xi32>
    %slice3A = vector.extract_strided_slice %get3A_4 {offsets = [0, 0, 64], sizes = [128, 40, 64], strides = [1, 1, 1]} : vector<128x40x128xf32> to vector<128x40x64xf32>
    %slice3A_12 = vector.extract_strided_slice %get3A_4 {offsets = [0, 0, 0], sizes = [128, 40, 64], strides = [1, 1, 1]} : vector<128x40x128xf32> to vector<128x40x64xf32>
    %broadcast_in_dim3A_13 = vector.shape_cast %eq3A_11 : vector<128x40x1xi1> to vector<128x40x1xi1>
    %broadcast_in_dim3A_14 = vector.broadcast %broadcast_in_dim3A_13 : vector<128x40x1xi1> to vector<128x40x64xi1>
    %select_n3A = arith.select %broadcast_in_dim3A_14, %slice3A, %slice3A_12 : vector<128x40x64xi1>, vector<128x40x64xf32>
    %get3A_15 = arith.constant 0 : index
    %get3A_16 = arith.constant 0 : index
    %get3A_17 = arith.constant 0 : index
    %get3A_18 = vector.load %arg3[%get3A_15, %get3A_16, %get3A_17] : memref<1x128x64xf32, #tpu.memory_space<vmem>>, vector<1x128x64xf32>
    %get3A_19 = vector.shape_cast %get3A_18 : vector<1x128x64xf32> to vector<128x64xf32>
    %broadcast_in_dim3A_20 = vector.shape_cast %get3A_19 : vector<128x64xf32> to vector<128x1x64xf32>
    %broadcast_in_dim3A_21 = vector.shape_cast %broadcast_in_dim3A_20 : vector<128x1x64xf32> to vector<128x1x64xf32>
    %broadcast_in_dim3A_22 = vector.broadcast %broadcast_in_dim3A_21 : vector<128x1x64xf32> to vector<128x40x64xf32>
    %sub3A = arith.subf %select_n3A, %broadcast_in_dim3A_22 : vector<128x40x64xf32>
    %concatenate3A = tpu.concatenate %sub3A, %broadcast_in_dim3A_22 in 2 : vector<128x40x64xf32>, vector<128x40x64xf32> -> vector<128x40x128xf32>
    %reshape3A = vector.shape_cast %concatenate3A : vector<128x40x128xf32> to vector<5120x128xf32>
    %get3A_23 = arith.constant 0 : index
    %get3A_24 = arith.constant 0 : index
    %get3A_25 = vector.load %arg5[%get3A_23, %get3A_24] : memref<128x128xf32, #tpu.memory_space<vmem>>, vector<128x128xf32>
    %dot_general3A = arith.constant dense<0.000000e+00> : vector<5120x128xf32>
    %dot_general3A_26 = tpu.matmul %reshape3A, %get3A_25, %dot_general3A {dimension_numbers = #tpu.dot_dimension_numbers<[1], [0], [0], [1], [0, 0, 1, 1], [], []>, transpose_lhs_hint = false} : vector<5120x128xf32>, vector<128x128xf32>, vector<5120x128xf32> -> vector<5120x128xf32>
    %reshape3A_27 = vector.shape_cast %dot_general3A_26 : vector<5120x128xf32> to vector<128x40x128xf32>
    %reduce_max3A = arith.constant dense<0xFF800000> : vector<128x128xf32>
    %reduce_max3A_28 = vector.multi_reduction <maximumf>, %reshape3A_27, %reduce_max3A [1] : vector<128x40x128xf32> to vector<128x128xf32>
    %swap3A = arith.constant 0 : index
    %swap3A_29 = arith.constant 0 : index
    %swap3A_30 = arith.constant 0 : index
    %swap3A_31 = vector.load %arg6[%swap3A, %swap3A_29, %swap3A_30] : memref<1x128x128xf32, #tpu.memory_space<vmem>>, vector<1x128x128xf32>
    %swap3A_32 = vector.shape_cast %swap3A_31 : vector<1x128x128xf32> to vector<128x128xf32>
    %swap3A_33 = vector.shape_cast %reduce_max3A_28 : vector<128x128xf32> to vector<1x128x128xf32>
    tpu.vector_store %arg6[%swap3A, %swap3A_29, %swap3A_30], %swap3A_33 {strides = array<i32>} : memref<1x128x128xf32, #tpu.memory_space<vmem>>, vector<1x128x128xf32>,
    %reduce_sum3A = arith.constant dense<0.000000e+00> : vector<128xf32>
    %reduce_sum3A_34 = vector.multi_reduction <add>, %dot_general3A_26, %reduce_sum3A [0] : vector<5120x128xf32> to vector<128xf32>
    %broadcast_in_dim3A_35 = vector.shape_cast %reduce_sum3A_34 : vector<128xf32> to vector<1x128xf32>
    %mul3A = arith.mulf %dot_general3A_26, %dot_general3A_26 : vector<5120x128xf32>
    %reduce_sum3A_36 = arith.constant dense<0.000000e+00> : vector<128xf32>
    %reduce_sum3A_37 = vector.multi_reduction <add>, %mul3A, %reduce_sum3A_36 [0] : vector<5120x128xf32> to vector<128xf32>
    %broadcast_in_dim3A_38 = vector.shape_cast %reduce_sum3A_37 : vector<128xf32> to vector<1x128xf32>
    %concatenate3A_39 = tpu.concatenate %broadcast_in_dim3A_35, %broadcast_in_dim3A_38 in 0 : vector<1x128xf32>, vector<1x128xf32> -> vector<2x128xf32>
    %swap3A_40 = arith.constant 0 : index
    %swap3A_41 = arith.constant 0 : index
    %swap3A_42 = arith.constant 0 : index
    %swap3A_43 = arith.constant 0 : index
    %swap3A_44 = vector.load %arg7[%swap3A_40, %swap3A_41, %swap3A_42, %swap3A_43] : memref<1x1x2x128xf32, #tpu.memory_space<vmem>>, vector<1x1x2x128xf32>
    %swap3A_45 = vector.shape_cast %swap3A_44 : vector<1x1x2x128xf32> to vector<2x128xf32>
    %swap3A_46 = vector.shape_cast %concatenate3A_39 : vector<2x128xf32> to vector<1x1x2x128xf32>
    tpu.vector_store %arg7[%swap3A_40, %swap3A_41, %swap3A_42, %swap3A_43], %swap3A_46 {strides = array<i32>} : memref<1x1x2x128xf32, #tpu.memory_space<vmem>>, vector<1x1x2x128xf32>,
    return
  }
  func.func @transform_0(%arg0: i32, %arg1: i32) -> (i32, i32, i32, i32) {
    %c0_i32 = arith.constant 0 : i32
    %c0_i32_0 = arith.constant 0 : i32
    %c0_i32_1 = arith.constant 0 : i32
    return %arg0, %arg1, %c0_i32, %c0_i32_0 : i32, i32, i32, i32
  }
  func.func @transform_1(%arg0: i32, %arg1: i32) -> (i32, i32, i32) {
    %c0_i32 = arith.constant 0 : i32
    %c0_i32_0 = arith.constant 0 : i32
    return %arg0, %arg1, %c0_i32 : i32, i32, i32
  }
  func.func @transform_2(%arg0: i32, %arg1: i32) -> (i32, i32, i32) {
    %c0_i32 = arith.constant 0 : i32
    %c0_i32_0 = arith.constant 0 : i32
    return %arg0, %arg1, %c0_i32 : i32, i32, i32
  }
  func.func @transform_3(%arg0: i32, %arg1: i32) -> (i32, i32) {
    %c0_i32 = arith.constant 0 : i32
    %c0_i32_0 = arith.constant 0 : i32
    %c0_i32_1 = arith.constant 0 : i32
    return %c0_i32, %c0_i32_0 : i32, i32
  }
  func.func @transform_4(%arg0: i32, %arg1: i32) -> (i32, i32, i32) {
    %c0_i32 = arith.constant 0 : i32
    %c0_i32_0 = arith.constant 0 : i32
    return %arg0, %arg1, %c0_i32 : i32, i32, i32
  }
  func.func @transform_5(%arg0: i32, %arg1: i32) -> (i32, i32, i32, i32) {
    %c0_i32 = arith.constant 0 : i32
    %c0_i32_0 = arith.constant 0 : i32
    %c0_i32_1 = arith.constant 0 : i32
    return %arg0, %arg1, %c0_i32, %c0_i32_0 : i32, i32, i32, i32
  }
}

module attributes {stable_mosaic.version = 14 : i64} {
  func.func @_apply_body(%arg0: i32, %arg1: i32, %arg2: memref<1x1024x128xf32, #tpu.memory_space<vmem>>, %arg3: memref<1x1024x128xf32, #tpu.memory_space<vmem>>, %arg4: memref<32x128xf32, #tpu.memory_space<vmem>>, %arg5: memref<32x128xf32, #tpu.memory_space<vmem>>, %arg6: memref<1x128xf32, #tpu.memory_space<vmem>>, %arg7: memref<1x128xf32, #tpu.memory_space<vmem>>, %arg8: memref<1x1024x128xf32, #tpu.memory_space<vmem>>) attributes {dimension_semantics = [#tpu.dimension_semantics<arbitrary>, #tpu.dimension_semantics<arbitrary>], iteration_bounds = array<i64: 2, 2>, scalar_prefetch = 0 : i64, scratch_operands = 0 : i64, tpu.core_type = #tpu.core_type<tc>, window_params = [{transform_indices = @transform_0, window_bounds = array<i64: 1, 1024, 128>}, {transform_indices = @transform_1, window_bounds = array<i64: 1, 1024, 128>}, {pipeline_mode = #tpu.pipeline_mode<synchronous>, transform_indices = @transform_2, window_bounds = array<i64: 32, 128>}, {pipeline_mode = #tpu.pipeline_mode<synchronous>, transform_indices = @transform_3, window_bounds = array<i64: 32, 128>}, {pipeline_mode = #tpu.pipeline_mode<synchronous>, transform_indices = @transform_4, window_bounds = array<i64: 1, 128>}, {pipeline_mode = #tpu.pipeline_mode<synchronous>, transform_indices = @transform_5, window_bounds = array<i64: 1, 128>}, {transform_indices = @transform_6, window_bounds = array<i64: 1, 1024, 128>}]} {
    %get3A = arith.constant 0 : index
    %get3A_0 = arith.constant 0 : index
    %get3A_1 = vector.load %arg4[%get3A, %get3A_0] : memref<32x128xf32, #tpu.memory_space<vmem>>, vector<32x128xf32>
    %reduce_sum3A = arith.constant dense<0.000000e+00> : vector<128xf32>
    %reduce_sum3A_2 = vector.multi_reduction <add>, %get3A_1, %reduce_sum3A [0] : vector<32x128xf32> to vector<128xf32>
    %broadcast_in_dim3A = vector.shape_cast %reduce_sum3A_2 : vector<128xf32> to vector<1x128xf32>
    %get3A_3 = arith.constant 0 : index
    %get3A_4 = arith.constant 0 : index
    %get3A_5 = vector.load %arg5[%get3A_3, %get3A_4] : memref<32x128xf32, #tpu.memory_space<vmem>>, vector<32x128xf32>
    %reduce_sum3A_6 = arith.constant dense<0.000000e+00> : vector<128xf32>
    %reduce_sum3A_7 = vector.multi_reduction <add>, %get3A_5, %reduce_sum3A_6 [0] : vector<32x128xf32> to vector<128xf32>
    %broadcast_in_dim3A_8 = vector.shape_cast %reduce_sum3A_7 : vector<128xf32> to vector<1x128xf32>
    %div3A = arith.constant 1.638400e+05 : f32
    %div3A_9 = vector.broadcast %div3A : f32 to vector<1x128xf32>
    %div3A_10 = arith.divf %broadcast_in_dim3A, %div3A_9 : vector<1x128xf32>
    %div3A_11 = arith.constant 1.638400e+05 : f32
    %div3A_12 = vector.broadcast %div3A_11 : f32 to vector<1x128xf32>
    %div3A_13 = arith.divf %broadcast_in_dim3A_8, %div3A_12 : vector<1x128xf32>
    %mul3A = arith.mulf %div3A_10, %div3A_10 : vector<1x128xf32>
    %sub3A = arith.subf %div3A_13, %mul3A : vector<1x128xf32>
    %get3A_14 = arith.constant 0 : index
    %get3A_15 = arith.constant 0 : index
    %get3A_16 = arith.constant 0 : index
    %get3A_17 = vector.load %arg2[%get3A_14, %get3A_15, %get3A_16] : memref<1x1024x128xf32, #tpu.memory_space<vmem>>, vector<1x1024x128xf32>
    %get3A_18 = vector.shape_cast %get3A_17 : vector<1x1024x128xf32> to vector<1024x128xf32>
    %get3A_19 = arith.constant 0 : index
    %get3A_20 = arith.constant 0 : index
    %get3A_21 = arith.constant 0 : index
    %get3A_22 = vector.load %arg3[%get3A_19, %get3A_20, %get3A_21] : memref<1x1024x128xf32, #tpu.memory_space<vmem>>, vector<1x1024x128xf32>
    %get3A_23 = vector.shape_cast %get3A_22 : vector<1x1024x128xf32> to vector<1024x128xf32>
    %add3A = arith.addf %get3A_18, %get3A_23 : vector<1024x128xf32>
    %sub3A_24 = vector.broadcast %div3A_10 : vector<1x128xf32> to vector<1024x128xf32>
    %sub3A_25 = arith.subf %add3A, %sub3A_24 : vector<1024x128xf32>
    %add3A_26 = arith.constant 9.99999974E-6 : f32
    %add3A_27 = vector.broadcast %add3A_26 : f32 to vector<1x128xf32>
    %add3A_28 = arith.addf %sub3A, %add3A_27 : vector<1x128xf32>
    %sqrt3A = math.sqrt %add3A_28 : vector<1x128xf32>
    %div3A_29 = vector.broadcast %sqrt3A : vector<1x128xf32> to vector<1024x128xf32>
    %div3A_30 = arith.divf %sub3A_25, %div3A_29 : vector<1024x128xf32>
    %get3A_31 = arith.constant 0 : index
    %get3A_32 = arith.constant 0 : index
    %get3A_33 = vector.load %arg6[%get3A_31, %get3A_32] : memref<1x128xf32, #tpu.memory_space<vmem>>, vector<1x128xf32>
    %mul3A_34 = vector.broadcast %get3A_33 : vector<1x128xf32> to vector<1024x128xf32>
    %mul3A_35 = arith.mulf %div3A_30, %mul3A_34 : vector<1024x128xf32>
    %get3A_36 = arith.constant 0 : index
    %get3A_37 = arith.constant 0 : index
    %get3A_38 = vector.load %arg7[%get3A_36, %get3A_37] : memref<1x128xf32, #tpu.memory_space<vmem>>, vector<1x128xf32>
    %add3A_39 = vector.broadcast %get3A_38 : vector<1x128xf32> to vector<1024x128xf32>
    %add3A_40 = arith.addf %mul3A_35, %add3A_39 : vector<1024x128xf32>
    %ge3A = arith.constant 0.000000e+00 : f32
    %ge3A_41 = vector.broadcast %ge3A : f32 to vector<1024x128xf32>
    %ge3A_42 = arith.cmpf oge, %add3A_40, %ge3A_41 : vector<1024x128xf32>
    %mul3A_43 = arith.constant 2.000000e-01 : f32
    %mul3A_44 = vector.broadcast %mul3A_43 : f32 to vector<1024x128xf32>
    %mul3A_45 = arith.mulf %mul3A_44, %add3A_40 : vector<1024x128xf32>
    %select_n3A = arith.select %ge3A_42, %add3A_40, %mul3A_45 : vector<1024x128xi1>, vector<1024x128xf32>
    %swap3A = arith.constant 0 : index
    %swap3A_46 = arith.constant 0 : index
    %swap3A_47 = arith.constant 0 : index
    %swap3A_48 = vector.load %arg8[%swap3A, %swap3A_46, %swap3A_47] : memref<1x1024x128xf32, #tpu.memory_space<vmem>>, vector<1x1024x128xf32>
    %swap3A_49 = vector.shape_cast %swap3A_48 : vector<1x1024x128xf32> to vector<1024x128xf32>
    %swap3A_50 = vector.shape_cast %select_n3A : vector<1024x128xf32> to vector<1x1024x128xf32>
    tpu.vector_store %arg8[%swap3A, %swap3A_46, %swap3A_47], %swap3A_50 {strides = array<i32>} : memref<1x1024x128xf32, #tpu.memory_space<vmem>>, vector<1x1024x128xf32>,
    return
  }
  func.func @transform_0(%arg0: i32, %arg1: i32) -> (i32, i32, i32) {
    %c0_i32 = arith.constant 0 : i32
    %c0_i32_0 = arith.constant 0 : i32
    return %arg0, %arg1, %c0_i32 : i32, i32, i32
  }
  func.func @transform_1(%arg0: i32, %arg1: i32) -> (i32, i32, i32) {
    %c0_i32 = arith.constant 0 : i32
    %c0_i32_0 = arith.constant 0 : i32
    return %arg0, %arg1, %c0_i32 : i32, i32, i32
  }
  func.func @transform_2(%arg0: i32, %arg1: i32) -> (i32, i32) {
    %c0_i32 = arith.constant 0 : i32
    %c0_i32_0 = arith.constant 0 : i32
    %c0_i32_1 = arith.constant 0 : i32
    return %c0_i32, %c0_i32_0 : i32, i32
  }
  func.func @transform_3(%arg0: i32, %arg1: i32) -> (i32, i32) {
    %c0_i32 = arith.constant 0 : i32
    %c0_i32_0 = arith.constant 0 : i32
    %c0_i32_1 = arith.constant 0 : i32
    return %c0_i32, %c0_i32_0 : i32, i32
  }
  func.func @transform_4(%arg0: i32, %arg1: i32) -> (i32, i32) {
    %c0_i32 = arith.constant 0 : i32
    %c0_i32_0 = arith.constant 0 : i32
    %c0_i32_1 = arith.constant 0 : i32
    return %c0_i32, %c0_i32_0 : i32, i32
  }
  func.func @transform_5(%arg0: i32, %arg1: i32) -> (i32, i32) {
    %c0_i32 = arith.constant 0 : i32
    %c0_i32_0 = arith.constant 0 : i32
    %c0_i32_1 = arith.constant 0 : i32
    return %c0_i32, %c0_i32_0 : i32, i32
  }
  func.func @transform_6(%arg0: i32, %arg1: i32) -> (i32, i32, i32) {
    %c0_i32 = arith.constant 0 : i32
    %c0_i32_0 = arith.constant 0 : i32
    return %arg0, %arg1, %c0_i32 : i32, i32, i32
  }
}

module attributes {stable_mosaic.version = 14 : i64} {
  func.func @_faithful_body(%arg0: i32, %arg1: i32, %arg2: memref<1x128x40x256xf32, #tpu.memory_space<vmem>>, %arg3: memref<1x128x128xf32, #tpu.memory_space<vmem>>, %arg4: memref<1x128x40xi32, #tpu.memory_space<vmem>>, %arg5: memref<256x256xf32, #tpu.memory_space<vmem>>, %arg6: memref<1x128x256xf32, #tpu.memory_space<vmem>>, %arg7: memref<1x1x2x256xf32, #tpu.memory_space<vmem>>) attributes {dimension_semantics = [#tpu.dimension_semantics<arbitrary>, #tpu.dimension_semantics<arbitrary>], iteration_bounds = array<i64: 2, 16>, scalar_prefetch = 0 : i64, scratch_operands = 0 : i64, tpu.core_type = #tpu.core_type<tc>, window_params = [{transform_indices = @transform_0, window_bounds = array<i64: 1, 128, 40, 256>}, {transform_indices = @transform_1, window_bounds = array<i64: 1, 128, 128>}, {transform_indices = @transform_2, window_bounds = array<i64: 1, 128, 40>}, {pipeline_mode = #tpu.pipeline_mode<synchronous>, transform_indices = @transform_3, window_bounds = array<i64: 256, 256>}, {transform_indices = @transform_4, window_bounds = array<i64: 1, 128, 256>}, {transform_indices = @transform_5, window_bounds = array<i64: 1, 1, 2, 256>}]} {
    %get3A = arith.constant 0 : index
    %get3A_0 = arith.constant 0 : index
    %get3A_1 = arith.constant 0 : index
    %get3A_2 = arith.constant 0 : index
    %get3A_3 = vector.load %arg2[%get3A, %get3A_0, %get3A_1, %get3A_2] : memref<1x128x40x256xf32, #tpu.memory_space<vmem>>, vector<1x128x40x256xf32>
    %get3A_4 = vector.shape_cast %get3A_3 : vector<1x128x40x256xf32> to vector<128x40x256xf32>
    %get3A_5 = arith.constant 0 : index
    %get3A_6 = arith.constant 0 : index
    %get3A_7 = arith.constant 0 : index
    %get3A_8 = vector.load %arg4[%get3A_5, %get3A_6, %get3A_7] : memref<1x128x40xi32, #tpu.memory_space<vmem>>, vector<1x128x40xi32>
    %get3A_9 = vector.shape_cast %get3A_8 : vector<1x128x40xi32> to vector<128x40xi32>
    %broadcast_in_dim3A = vector.shape_cast %get3A_9 : vector<128x40xi32> to vector<128x40x1xi32>
    %eq3A = arith.constant 1 : i32
    %eq3A_10 = vector.broadcast %eq3A : i32 to vector<128x40x1xi32>
    %eq3A_11 = arith.cmpi eq, %broadcast_in_dim3A, %eq3A_10 : vector<128x40x1xi32>
    %slice3A = vector.extract_strided_slice %get3A_4 {offsets = [0, 0, 128], sizes = [128, 40, 128], strides = [1, 1, 1]} : vector<128x40x256xf32> to vector<128x40x128xf32>
    %slice3A_12 = vector.extract_strided_slice %get3A_4 {offsets = [0, 0, 0], sizes = [128, 40, 128], strides = [1, 1, 1]} : vector<128x40x256xf32> to vector<128x40x128xf32>
    %broadcast_in_dim3A_13 = vector.shape_cast %eq3A_11 : vector<128x40x1xi1> to vector<128x40x1xi1>
    %broadcast_in_dim3A_14 = vector.broadcast %broadcast_in_dim3A_13 : vector<128x40x1xi1> to vector<128x40x128xi1>
    %select_n3A = arith.select %broadcast_in_dim3A_14, %slice3A, %slice3A_12 : vector<128x40x128xi1>, vector<128x40x128xf32>
    %get3A_15 = arith.constant 0 : index
    %get3A_16 = arith.constant 0 : index
    %get3A_17 = arith.constant 0 : index
    %get3A_18 = vector.load %arg3[%get3A_15, %get3A_16, %get3A_17] : memref<1x128x128xf32, #tpu.memory_space<vmem>>, vector<1x128x128xf32>
    %get3A_19 = vector.shape_cast %get3A_18 : vector<1x128x128xf32> to vector<128x128xf32>
    %broadcast_in_dim3A_20 = vector.shape_cast %get3A_19 : vector<128x128xf32> to vector<128x1x128xf32>
    %broadcast_in_dim3A_21 = vector.shape_cast %broadcast_in_dim3A_20 : vector<128x1x128xf32> to vector<128x1x128xf32>
    %broadcast_in_dim3A_22 = vector.broadcast %broadcast_in_dim3A_21 : vector<128x1x128xf32> to vector<128x40x128xf32>
    %sub3A = arith.subf %select_n3A, %broadcast_in_dim3A_22 : vector<128x40x128xf32>
    %concatenate3A = tpu.concatenate %sub3A, %broadcast_in_dim3A_22 in 2 : vector<128x40x128xf32>, vector<128x40x128xf32> -> vector<128x40x256xf32>
    %reshape3A = vector.shape_cast %concatenate3A : vector<128x40x256xf32> to vector<5120x256xf32>
    %get3A_23 = arith.constant 0 : index
    %get3A_24 = arith.constant 0 : index
    %get3A_25 = vector.load %arg5[%get3A_23, %get3A_24] : memref<256x256xf32, #tpu.memory_space<vmem>>, vector<256x256xf32>
    %dot_general3A = arith.constant dense<0.000000e+00> : vector<5120x256xf32>
    %dot_general3A_26 = tpu.matmul %reshape3A, %get3A_25, %dot_general3A {dimension_numbers = #tpu.dot_dimension_numbers<[1], [0], [0], [1], [0, 0, 1, 1], [], []>, transpose_lhs_hint = false} : vector<5120x256xf32>, vector<256x256xf32>, vector<5120x256xf32> -> vector<5120x256xf32>
    %reshape3A_27 = vector.shape_cast %dot_general3A_26 : vector<5120x256xf32> to vector<128x40x256xf32>
    %reduce_max3A = arith.constant dense<0xFF800000> : vector<128x256xf32>
    %reduce_max3A_28 = vector.multi_reduction <maximumf>, %reshape3A_27, %reduce_max3A [1] : vector<128x40x256xf32> to vector<128x256xf32>
    %swap3A = arith.constant 0 : index
    %swap3A_29 = arith.constant 0 : index
    %swap3A_30 = arith.constant 0 : index
    %swap3A_31 = vector.load %arg6[%swap3A, %swap3A_29, %swap3A_30] : memref<1x128x256xf32, #tpu.memory_space<vmem>>, vector<1x128x256xf32>
    %swap3A_32 = vector.shape_cast %swap3A_31 : vector<1x128x256xf32> to vector<128x256xf32>
    %swap3A_33 = vector.shape_cast %reduce_max3A_28 : vector<128x256xf32> to vector<1x128x256xf32>
    tpu.vector_store %arg6[%swap3A, %swap3A_29, %swap3A_30], %swap3A_33 {strides = array<i32>} : memref<1x128x256xf32, #tpu.memory_space<vmem>>, vector<1x128x256xf32>,
    %reduce_sum3A = arith.constant dense<0.000000e+00> : vector<256xf32>
    %reduce_sum3A_34 = vector.multi_reduction <add>, %dot_general3A_26, %reduce_sum3A [0] : vector<5120x256xf32> to vector<256xf32>
    %broadcast_in_dim3A_35 = vector.shape_cast %reduce_sum3A_34 : vector<256xf32> to vector<1x256xf32>
    %mul3A = arith.mulf %dot_general3A_26, %dot_general3A_26 : vector<5120x256xf32>
    %reduce_sum3A_36 = arith.constant dense<0.000000e+00> : vector<256xf32>
    %reduce_sum3A_37 = vector.multi_reduction <add>, %mul3A, %reduce_sum3A_36 [0] : vector<5120x256xf32> to vector<256xf32>
    %broadcast_in_dim3A_38 = vector.shape_cast %reduce_sum3A_37 : vector<256xf32> to vector<1x256xf32>
    %concatenate3A_39 = tpu.concatenate %broadcast_in_dim3A_35, %broadcast_in_dim3A_38 in 0 : vector<1x256xf32>, vector<1x256xf32> -> vector<2x256xf32>
    %swap3A_40 = arith.constant 0 : index
    %swap3A_41 = arith.constant 0 : index
    %swap3A_42 = arith.constant 0 : index
    %swap3A_43 = arith.constant 0 : index
    %swap3A_44 = vector.load %arg7[%swap3A_40, %swap3A_41, %swap3A_42, %swap3A_43] : memref<1x1x2x256xf32, #tpu.memory_space<vmem>>, vector<1x1x2x256xf32>
    %swap3A_45 = vector.shape_cast %swap3A_44 : vector<1x1x2x256xf32> to vector<2x256xf32>
    %swap3A_46 = vector.shape_cast %concatenate3A_39 : vector<2x256xf32> to vector<1x1x2x256xf32>
    tpu.vector_store %arg7[%swap3A_40, %swap3A_41, %swap3A_42, %swap3A_43], %swap3A_46 {strides = array<i32>} : memref<1x1x2x256xf32, #tpu.memory_space<vmem>>, vector<1x1x2x256xf32>,
    return
  }
  func.func @transform_0(%arg0: i32, %arg1: i32) -> (i32, i32, i32, i32) {
    %c0_i32 = arith.constant 0 : i32
    %c0_i32_0 = arith.constant 0 : i32
    %c0_i32_1 = arith.constant 0 : i32
    return %arg0, %arg1, %c0_i32, %c0_i32_0 : i32, i32, i32, i32
  }
  func.func @transform_1(%arg0: i32, %arg1: i32) -> (i32, i32, i32) {
    %c0_i32 = arith.constant 0 : i32
    %c0_i32_0 = arith.constant 0 : i32
    return %arg0, %arg1, %c0_i32 : i32, i32, i32
  }
  func.func @transform_2(%arg0: i32, %arg1: i32) -> (i32, i32, i32) {
    %c0_i32 = arith.constant 0 : i32
    %c0_i32_0 = arith.constant 0 : i32
    return %arg0, %arg1, %c0_i32 : i32, i32, i32
  }
  func.func @transform_3(%arg0: i32, %arg1: i32) -> (i32, i32) {
    %c0_i32 = arith.constant 0 : i32
    %c0_i32_0 = arith.constant 0 : i32
    %c0_i32_1 = arith.constant 0 : i32
    return %c0_i32, %c0_i32_0 : i32, i32
  }
  func.func @transform_4(%arg0: i32, %arg1: i32) -> (i32, i32, i32) {
    %c0_i32 = arith.constant 0 : i32
    %c0_i32_0 = arith.constant 0 : i32
    return %arg0, %arg1, %c0_i32 : i32, i32, i32
  }
  func.func @transform_5(%arg0: i32, %arg1: i32) -> (i32, i32, i32, i32) {
    %c0_i32 = arith.constant 0 : i32
    %c0_i32_0 = arith.constant 0 : i32
    %c0_i32_1 = arith.constant 0 : i32
    return %arg0, %arg1, %c0_i32, %c0_i32_0 : i32, i32, i32, i32
  }
}

module attributes {stable_mosaic.version = 14 : i64} {
  func.func @_apply_body(%arg0: i32, %arg1: i32, %arg2: memref<1x1024x256xf32, #tpu.memory_space<vmem>>, %arg3: memref<1x1024x256xf32, #tpu.memory_space<vmem>>, %arg4: memref<32x256xf32, #tpu.memory_space<vmem>>, %arg5: memref<32x256xf32, #tpu.memory_space<vmem>>, %arg6: memref<1x256xf32, #tpu.memory_space<vmem>>, %arg7: memref<1x256xf32, #tpu.memory_space<vmem>>, %arg8: memref<1x1024x256xf32, #tpu.memory_space<vmem>>) attributes {dimension_semantics = [#tpu.dimension_semantics<arbitrary>, #tpu.dimension_semantics<arbitrary>], iteration_bounds = array<i64: 2, 2>, scalar_prefetch = 0 : i64, scratch_operands = 0 : i64, tpu.core_type = #tpu.core_type<tc>, window_params = [{transform_indices = @transform_0, window_bounds = array<i64: 1, 1024, 256>}, {transform_indices = @transform_1, window_bounds = array<i64: 1, 1024, 256>}, {pipeline_mode = #tpu.pipeline_mode<synchronous>, transform_indices = @transform_2, window_bounds = array<i64: 32, 256>}, {pipeline_mode = #tpu.pipeline_mode<synchronous>, transform_indices = @transform_3, window_bounds = array<i64: 32, 256>}, {pipeline_mode = #tpu.pipeline_mode<synchronous>, transform_indices = @transform_4, window_bounds = array<i64: 1, 256>}, {pipeline_mode = #tpu.pipeline_mode<synchronous>, transform_indices = @transform_5, window_bounds = array<i64: 1, 256>}, {transform_indices = @transform_6, window_bounds = array<i64: 1, 1024, 256>}]} {
    %get3A = arith.constant 0 : index
    %get3A_0 = arith.constant 0 : index
    %get3A_1 = vector.load %arg4[%get3A, %get3A_0] : memref<32x256xf32, #tpu.memory_space<vmem>>, vector<32x256xf32>
    %reduce_sum3A = arith.constant dense<0.000000e+00> : vector<256xf32>
    %reduce_sum3A_2 = vector.multi_reduction <add>, %get3A_1, %reduce_sum3A [0] : vector<32x256xf32> to vector<256xf32>
    %broadcast_in_dim3A = vector.shape_cast %reduce_sum3A_2 : vector<256xf32> to vector<1x256xf32>
    %get3A_3 = arith.constant 0 : index
    %get3A_4 = arith.constant 0 : index
    %get3A_5 = vector.load %arg5[%get3A_3, %get3A_4] : memref<32x256xf32, #tpu.memory_space<vmem>>, vector<32x256xf32>
    %reduce_sum3A_6 = arith.constant dense<0.000000e+00> : vector<256xf32>
    %reduce_sum3A_7 = vector.multi_reduction <add>, %get3A_5, %reduce_sum3A_6 [0] : vector<32x256xf32> to vector<256xf32>
    %broadcast_in_dim3A_8 = vector.shape_cast %reduce_sum3A_7 : vector<256xf32> to vector<1x256xf32>
    %div3A = arith.constant 1.638400e+05 : f32
    %div3A_9 = vector.broadcast %div3A : f32 to vector<1x256xf32>
    %div3A_10 = arith.divf %broadcast_in_dim3A, %div3A_9 : vector<1x256xf32>
    %div3A_11 = arith.constant 1.638400e+05 : f32
    %div3A_12 = vector.broadcast %div3A_11 : f32 to vector<1x256xf32>
    %div3A_13 = arith.divf %broadcast_in_dim3A_8, %div3A_12 : vector<1x256xf32>
    %mul3A = arith.mulf %div3A_10, %div3A_10 : vector<1x256xf32>
    %sub3A = arith.subf %div3A_13, %mul3A : vector<1x256xf32>
    %get3A_14 = arith.constant 0 : index
    %get3A_15 = arith.constant 0 : index
    %get3A_16 = arith.constant 0 : index
    %get3A_17 = vector.load %arg2[%get3A_14, %get3A_15, %get3A_16] : memref<1x1024x256xf32, #tpu.memory_space<vmem>>, vector<1x1024x256xf32>
    %get3A_18 = vector.shape_cast %get3A_17 : vector<1x1024x256xf32> to vector<1024x256xf32>
    %get3A_19 = arith.constant 0 : index
    %get3A_20 = arith.constant 0 : index
    %get3A_21 = arith.constant 0 : index
    %get3A_22 = vector.load %arg3[%get3A_19, %get3A_20, %get3A_21] : memref<1x1024x256xf32, #tpu.memory_space<vmem>>, vector<1x1024x256xf32>
    %get3A_23 = vector.shape_cast %get3A_22 : vector<1x1024x256xf32> to vector<1024x256xf32>
    %add3A = arith.addf %get3A_18, %get3A_23 : vector<1024x256xf32>
    %sub3A_24 = vector.broadcast %div3A_10 : vector<1x256xf32> to vector<1024x256xf32>
    %sub3A_25 = arith.subf %add3A, %sub3A_24 : vector<1024x256xf32>
    %add3A_26 = arith.constant 9.99999974E-6 : f32
    %add3A_27 = vector.broadcast %add3A_26 : f32 to vector<1x256xf32>
    %add3A_28 = arith.addf %sub3A, %add3A_27 : vector<1x256xf32>
    %sqrt3A = math.sqrt %add3A_28 : vector<1x256xf32>
    %div3A_29 = vector.broadcast %sqrt3A : vector<1x256xf32> to vector<1024x256xf32>
    %div3A_30 = arith.divf %sub3A_25, %div3A_29 : vector<1024x256xf32>
    %get3A_31 = arith.constant 0 : index
    %get3A_32 = arith.constant 0 : index
    %get3A_33 = vector.load %arg6[%get3A_31, %get3A_32] : memref<1x256xf32, #tpu.memory_space<vmem>>, vector<1x256xf32>
    %mul3A_34 = vector.broadcast %get3A_33 : vector<1x256xf32> to vector<1024x256xf32>
    %mul3A_35 = arith.mulf %div3A_30, %mul3A_34 : vector<1024x256xf32>
    %get3A_36 = arith.constant 0 : index
    %get3A_37 = arith.constant 0 : index
    %get3A_38 = vector.load %arg7[%get3A_36, %get3A_37] : memref<1x256xf32, #tpu.memory_space<vmem>>, vector<1x256xf32>
    %add3A_39 = vector.broadcast %get3A_38 : vector<1x256xf32> to vector<1024x256xf32>
    %add3A_40 = arith.addf %mul3A_35, %add3A_39 : vector<1024x256xf32>
    %ge3A = arith.constant 0.000000e+00 : f32
    %ge3A_41 = vector.broadcast %ge3A : f32 to vector<1024x256xf32>
    %ge3A_42 = arith.cmpf oge, %add3A_40, %ge3A_41 : vector<1024x256xf32>
    %mul3A_43 = arith.constant 2.000000e-01 : f32
    %mul3A_44 = vector.broadcast %mul3A_43 : f32 to vector<1024x256xf32>
    %mul3A_45 = arith.mulf %mul3A_44, %add3A_40 : vector<1024x256xf32>
    %select_n3A = arith.select %ge3A_42, %add3A_40, %mul3A_45 : vector<1024x256xi1>, vector<1024x256xf32>
    %swap3A = arith.constant 0 : index
    %swap3A_46 = arith.constant 0 : index
    %swap3A_47 = arith.constant 0 : index
    %swap3A_48 = vector.load %arg8[%swap3A, %swap3A_46, %swap3A_47] : memref<1x1024x256xf32, #tpu.memory_space<vmem>>, vector<1x1024x256xf32>
    %swap3A_49 = vector.shape_cast %swap3A_48 : vector<1x1024x256xf32> to vector<1024x256xf32>
    %swap3A_50 = vector.shape_cast %select_n3A : vector<1024x256xf32> to vector<1x1024x256xf32>
    tpu.vector_store %arg8[%swap3A, %swap3A_46, %swap3A_47], %swap3A_50 {strides = array<i32>} : memref<1x1024x256xf32, #tpu.memory_space<vmem>>, vector<1x1024x256xf32>,
    return
  }
  func.func @transform_0(%arg0: i32, %arg1: i32) -> (i32, i32, i32) {
    %c0_i32 = arith.constant 0 : i32
    %c0_i32_0 = arith.constant 0 : i32
    return %arg0, %arg1, %c0_i32 : i32, i32, i32
  }
  func.func @transform_1(%arg0: i32, %arg1: i32) -> (i32, i32, i32) {
    %c0_i32 = arith.constant 0 : i32
    %c0_i32_0 = arith.constant 0 : i32
    return %arg0, %arg1, %c0_i32 : i32, i32, i32
  }
  func.func @transform_2(%arg0: i32, %arg1: i32) -> (i32, i32) {
    %c0_i32 = arith.constant 0 : i32
    %c0_i32_0 = arith.constant 0 : i32
    %c0_i32_1 = arith.constant 0 : i32
    return %c0_i32, %c0_i32_0 : i32, i32
  }
  func.func @transform_3(%arg0: i32, %arg1: i32) -> (i32, i32) {
    %c0_i32 = arith.constant 0 : i32
    %c0_i32_0 = arith.constant 0 : i32
    %c0_i32_1 = arith.constant 0 : i32
    return %c0_i32, %c0_i32_0 : i32, i32
  }
  func.func @transform_4(%arg0: i32, %arg1: i32) -> (i32, i32) {
    %c0_i32 = arith.constant 0 : i32
    %c0_i32_0 = arith.constant 0 : i32
    %c0_i32_1 = arith.constant 0 : i32
    return %c0_i32, %c0_i32_0 : i32, i32
  }
  func.func @transform_5(%arg0: i32, %arg1: i32) -> (i32, i32) {
    %c0_i32 = arith.constant 0 : i32
    %c0_i32_0 = arith.constant 0 : i32
    %c0_i32_1 = arith.constant 0 : i32
    return %c0_i32, %c0_i32_0 : i32, i32
  }
  func.func @transform_6(%arg0: i32, %arg1: i32) -> (i32, i32, i32) {
    %c0_i32 = arith.constant 0 : i32
    %c0_i32_0 = arith.constant 0 : i32
    return %arg0, %arg1, %c0_i32 : i32, i32, i32
  }
}

module attributes {stable_mosaic.version = 14 : i64} {
  func.func @_final_body(%arg0: i32, %arg1: i32, %arg2: memref<512x1024xf32, #tpu.memory_space<vmem>>, %arg3: memref<1x1024xf32, #tpu.memory_space<vmem>>, %arg4: memref<1x512x512xf32, #tpu.memory_space<vmem>>, %arg5: memref<1x1x3x1024xf32, #tpu.memory_space<vmem>>) attributes {dimension_semantics = [#tpu.dimension_semantics<arbitrary>, #tpu.dimension_semantics<arbitrary>], iteration_bounds = array<i64: 2, 4>, scalar_prefetch = 0 : i64, scratch_operands = 0 : i64, tpu.core_type = #tpu.core_type<tc>, window_params = [{pipeline_mode = #tpu.pipeline_mode<synchronous>, transform_indices = @transform_0, window_bounds = array<i64: 512, 1024>}, {pipeline_mode = #tpu.pipeline_mode<synchronous>, transform_indices = @transform_1, window_bounds = array<i64: 1, 1024>}, {transform_indices = @transform_2, window_bounds = array<i64: 1, 512, 512>}, {transform_indices = @transform_3, window_bounds = array<i64: 1, 1, 3, 1024>}]} {
    %get3A = arith.constant 0 : index
    %get3A_0 = arith.constant 0 : index
    %get3A_1 = arith.constant 0 : index
    %get3A_2 = vector.load %arg4[%get3A, %get3A_0, %get3A_1] : memref<1x512x512xf32, #tpu.memory_space<vmem>>, vector<1x512x512xf32>
    %get3A_3 = vector.shape_cast %get3A_2 : vector<1x512x512xf32> to vector<512x512xf32>
    %get3A_4 = arith.constant 0 : index
    %get3A_5 = arith.constant 0 : index
    %get3A_6 = vector.load %arg2[%get3A_4, %get3A_5] : memref<512x1024xf32, #tpu.memory_space<vmem>>, vector<512x1024xf32>
    %dot_general3A = arith.constant dense<0.000000e+00> : vector<512x1024xf32>
    %dot_general3A_7 = tpu.matmul %get3A_3, %get3A_6, %dot_general3A {dimension_numbers = #tpu.dot_dimension_numbers<[1], [0], [0], [1], [0, 0, 1, 1], [], []>, precision = #tpu.contract_precision<fp32>, transpose_lhs_hint = false} : vector<512x512xf32>, vector<512x1024xf32>, vector<512x1024xf32> -> vector<512x1024xf32>
    %get3A_8 = arith.constant 0 : index
    %get3A_9 = arith.constant 0 : index
    %get3A_10 = vector.load %arg3[%get3A_8, %get3A_9] : memref<1x1024xf32, #tpu.memory_space<vmem>>, vector<1x1024xf32>
    %add3A = vector.broadcast %get3A_10 : vector<1x1024xf32> to vector<512x1024xf32>
    %add3A_11 = arith.addf %dot_general3A_7, %add3A : vector<512x1024xf32>
    %reduce_sum3A = arith.constant dense<0.000000e+00> : vector<1024xf32>
    %reduce_sum3A_12 = vector.multi_reduction <add>, %add3A_11, %reduce_sum3A [0] : vector<512x1024xf32> to vector<1024xf32>
    %broadcast_in_dim3A = vector.shape_cast %reduce_sum3A_12 : vector<1024xf32> to vector<1x1024xf32>
    %mul3A = arith.mulf %add3A_11, %add3A_11 : vector<512x1024xf32>
    %reduce_sum3A_13 = arith.constant dense<0.000000e+00> : vector<1024xf32>
    %reduce_sum3A_14 = vector.multi_reduction <add>, %mul3A, %reduce_sum3A_13 [0] : vector<512x1024xf32> to vector<1024xf32>
    %broadcast_in_dim3A_15 = vector.shape_cast %reduce_sum3A_14 : vector<1024xf32> to vector<1x1024xf32>
    %reduce_max3A = arith.constant dense<0xFF800000> : vector<1024xf32>
    %reduce_max3A_16 = vector.multi_reduction <maximumf>, %add3A_11, %reduce_max3A [0] : vector<512x1024xf32> to vector<1024xf32>
    %broadcast_in_dim3A_17 = vector.shape_cast %reduce_max3A_16 : vector<1024xf32> to vector<1x1024xf32>
    %concatenate3A = tpu.concatenate %broadcast_in_dim3A, %broadcast_in_dim3A_15, %broadcast_in_dim3A_17 in 0 : vector<1x1024xf32>, vector<1x1024xf32>, vector<1x1024xf32> -> vector<3x1024xf32>
    %swap3A = arith.constant 0 : index
    %swap3A_18 = arith.constant 0 : index
    %swap3A_19 = arith.constant 0 : index
    %swap3A_20 = arith.constant 0 : index
    %swap3A_21 = vector.load %arg5[%swap3A, %swap3A_18, %swap3A_19, %swap3A_20] : memref<1x1x3x1024xf32, #tpu.memory_space<vmem>>, vector<1x1x3x1024xf32>
    %swap3A_22 = vector.shape_cast %swap3A_21 : vector<1x1x3x1024xf32> to vector<3x1024xf32>
    %swap3A_23 = vector.shape_cast %concatenate3A : vector<3x1024xf32> to vector<1x1x3x1024xf32>
    tpu.vector_store %arg5[%swap3A, %swap3A_18, %swap3A_19, %swap3A_20], %swap3A_23 {strides = array<i32>} : memref<1x1x3x1024xf32, #tpu.memory_space<vmem>>, vector<1x1x3x1024xf32>,
    return
  }
  func.func @transform_0(%arg0: i32, %arg1: i32) -> (i32, i32) {
    %c0_i32 = arith.constant 0 : i32
    %c0_i32_0 = arith.constant 0 : i32
    %c0_i32_1 = arith.constant 0 : i32
    return %c0_i32, %c0_i32_0 : i32, i32
  }
  func.func @transform_1(%arg0: i32, %arg1: i32) -> (i32, i32) {
    %c0_i32 = arith.constant 0 : i32
    %c0_i32_0 = arith.constant 0 : i32
    %c0_i32_1 = arith.constant 0 : i32
    return %c0_i32, %c0_i32_0 : i32, i32
  }
  func.func @transform_2(%arg0: i32, %arg1: i32) -> (i32, i32, i32) {
    %c0_i32 = arith.constant 0 : i32
    %c0_i32_0 = arith.constant 0 : i32
    return %arg0, %arg1, %c0_i32 : i32, i32, i32
  }
  func.func @transform_3(%arg0: i32, %arg1: i32) -> (i32, i32, i32, i32) {
    %c0_i32 = arith.constant 0 : i32
    %c0_i32_0 = arith.constant 0 : i32
    %c0_i32_1 = arith.constant 0 : i32
    return %arg0, %arg1, %c0_i32, %c0_i32_0 : i32, i32, i32, i32
  }
}

module attributes {stable_mosaic.version = 14 : i64} {
  func.func @_fin2_body(%arg0: memref<8x1024xf32, #tpu.memory_space<vmem>>, %arg1: memref<8x1024xf32, #tpu.memory_space<vmem>>, %arg2: memref<2x4x1024xf32, #tpu.memory_space<vmem>>, %arg3: memref<1x1024xf32, #tpu.memory_space<vmem>>, %arg4: memref<1x1024xf32, #tpu.memory_space<vmem>>, %arg5: memref<2x1024xf32, #tpu.memory_space<vmem>>) attributes {dimension_semantics = [], scalar_prefetch = 0 : i64, scratch_operands = 0 : i64, tpu.core_type = #tpu.core_type<tc>} {
    %get3A = arith.constant 0 : index
    %get3A_0 = arith.constant 0 : index
    %get3A_1 = vector.load %arg0[%get3A, %get3A_0] : memref<8x1024xf32, #tpu.memory_space<vmem>>, vector<8x1024xf32>
    %reduce_sum3A = arith.constant dense<0.000000e+00> : vector<1024xf32>
    %reduce_sum3A_2 = vector.multi_reduction <add>, %get3A_1, %reduce_sum3A [0] : vector<8x1024xf32> to vector<1024xf32>
    %broadcast_in_dim3A = vector.shape_cast %reduce_sum3A_2 : vector<1024xf32> to vector<1x1024xf32>
    %get3A_3 = arith.constant 0 : index
    %get3A_4 = arith.constant 0 : index
    %get3A_5 = vector.load %arg1[%get3A_3, %get3A_4] : memref<8x1024xf32, #tpu.memory_space<vmem>>, vector<8x1024xf32>
    %reduce_sum3A_6 = arith.constant dense<0.000000e+00> : vector<1024xf32>
    %reduce_sum3A_7 = vector.multi_reduction <add>, %get3A_5, %reduce_sum3A_6 [0] : vector<8x1024xf32> to vector<1024xf32>
    %broadcast_in_dim3A_8 = vector.shape_cast %reduce_sum3A_7 : vector<1024xf32> to vector<1x1024xf32>
    %div3A = arith.constant 4.096000e+03 : f32
    %div3A_9 = vector.broadcast %div3A : f32 to vector<1x1024xf32>
    %div3A_10 = arith.divf %broadcast_in_dim3A, %div3A_9 : vector<1x1024xf32>
    %div3A_11 = arith.constant 4.096000e+03 : f32
    %div3A_12 = vector.broadcast %div3A_11 : f32 to vector<1x1024xf32>
    %div3A_13 = arith.divf %broadcast_in_dim3A_8, %div3A_12 : vector<1x1024xf32>
    %mul3A = arith.mulf %div3A_10, %div3A_10 : vector<1x1024xf32>
    %sub3A = arith.subf %div3A_13, %mul3A : vector<1x1024xf32>
    %get3A_14 = arith.constant 0 : index
    %get3A_15 = arith.constant 0 : index
    %get3A_16 = arith.constant 0 : index
    %get3A_17 = vector.load %arg2[%get3A_14, %get3A_15, %get3A_16] : memref<2x4x1024xf32, #tpu.memory_space<vmem>>, vector<2x4x1024xf32>
    %reduce_max3A = arith.constant dense<0xFF800000> : vector<2x1024xf32>
    %reduce_max3A_18 = vector.multi_reduction <maximumf>, %get3A_17, %reduce_max3A [1] : vector<2x4x1024xf32> to vector<2x1024xf32>
    %sub3A_19 = vector.broadcast %div3A_10 : vector<1x1024xf32> to vector<2x1024xf32>
    %sub3A_20 = arith.subf %reduce_max3A_18, %sub3A_19 : vector<2x1024xf32>
    %add3A = arith.constant 9.99999974E-6 : f32
    %add3A_21 = vector.broadcast %add3A : f32 to vector<1x1024xf32>
    %add3A_22 = arith.addf %sub3A, %add3A_21 : vector<1x1024xf32>
    %sqrt3A = math.sqrt %add3A_22 : vector<1x1024xf32>
    %div3A_23 = vector.broadcast %sqrt3A : vector<1x1024xf32> to vector<2x1024xf32>
    %div3A_24 = arith.divf %sub3A_20, %div3A_23 : vector<2x1024xf32>
    %get3A_25 = arith.constant 0 : index
    %get3A_26 = arith.constant 0 : index
    %get3A_27 = vector.load %arg3[%get3A_25, %get3A_26] : memref<1x1024xf32, #tpu.memory_space<vmem>>, vector<1x1024xf32>
    %mul3A_28 = vector.broadcast %get3A_27 : vector<1x1024xf32> to vector<2x1024xf32>
    %mul3A_29 = arith.mulf %div3A_24, %mul3A_28 : vector<2x1024xf32>
    %get3A_30 = arith.constant 0 : index
    %get3A_31 = arith.constant 0 : index
    %get3A_32 = vector.load %arg4[%get3A_30, %get3A_31] : memref<1x1024xf32, #tpu.memory_space<vmem>>, vector<1x1024xf32>
    %add3A_33 = vector.broadcast %get3A_32 : vector<1x1024xf32> to vector<2x1024xf32>
    %add3A_34 = arith.addf %mul3A_29, %add3A_33 : vector<2x1024xf32>
    %max3A = arith.constant 0.000000e+00 : f32
    %max3A_35 = vector.broadcast %max3A : f32 to vector<2x1024xf32>
    %max3A_36 = arith.maximumf %add3A_34, %max3A_35 : vector<2x1024xf32>
    %swap3A = arith.constant 0 : index
    %swap3A_37 = arith.constant 0 : index
    %swap3A_38 = vector.load %arg5[%swap3A, %swap3A_37] : memref<2x1024xf32, #tpu.memory_space<vmem>>, vector<2x1024xf32>
    tpu.vector_store %arg5[%swap3A, %swap3A_37], %max3A_36 {strides = array<i32>} : memref<2x1024xf32, #tpu.memory_space<vmem>>, vector<2x1024xf32>,
    return
  }
}

</mosaic_0001>

<sc_bundles>
// kernel: kernel.19.cloned.1.call-start
scs
__scs_entry_jumppad:
0x0: {  	(pc) =	sbr.rel $0x88, $3  }
0x1: {  	(tag) =	ssettag $0x0;
	lr =	simm.s32 $0x1  }
0x2: {  	[smem:$0x3F93] =	sst lr;
	_ =	strace $0xD0000000  }
0x3: {  	_ = 	snop  }
0x4: {  	_ = 	snop  }
0x5: {  	_ = 	snop  }
0x6: {  	_ = 	snop  }
0x7: {  	_ = 	snop  }
__scs_overlays_trampoline_lowered:
0x8: {  	[smem:$0x3FA2] =	sst s0  }
0x9: {  	[smem:$0x3FA3] =	sst s1  }
0xa: {  	[smem:$0x3FA4] =	sst s2  }
0xb: {  	[smem:$0x3FA5] =	sst s3  }
0xc: {  	[smem:$0x3FA6] =	sst s4  }
0xd: {  	[smem:$0x3FA7] =	sst s5  }
0xe: {  	[smem:$0x3FA8] =	sst s6  }
0xf: {  	[smem:$0x3FA9] =	sst s7  }
0x10: {  	[smem:$0x3FAA] =	sst s8  }
0x11: {  	[smem:$0x3FAB] =	sst s9;
	s0 =	simm.s32 @!p0 $0x0  }
0x12: {  	s1 =	sld [smem:$0x3F91];
	s0 =	simm.s32 @p0 $0x1  }
0x13: {  	[smem:$0x3FAC] =	sst s0;
	s0 =	simm.s32 @!p1 $0x0  }
0x14: {  	s2 =	sld [smem:$0x3F90];
	s0 =	simm.s32 @p1 $0x1  }
0x15: {  	[smem:$0x3FAD] =	sst s0;
	s0 =	simm.s32 @!p2 $0x0  }
0x16: {  	s3 =	sld [smem:$0x3FDB];
	s0 =	simm.s32 @p2 $0x1  }
0x17: {  	s4 =	simm.s32 $0x1BF5;
	[smem:$0x3FAF] =	sst s0  }
0x18: {  	s0 =	sld [smem:$0x3F92];
	_ =	swait.ge [sflag:s4], $0x0  }
0x19: {  	s7 =	sld [smem:$0x3F93]  }
0x1a: {  	s8 =	sadd.s32 $0xFFFFE003, lr  }
0x1b: {  	s9 =	sadd.s32 $0xFFFFFEF7, lr;
	s5 =	simm.s32 $0xFFFFFFFF;
	p2 =	slt.u32 s8, $0xFFFFF086  }
0x1c: {  	p1 =	slt.u32 s9, $0xF7A;
	s5 =	simm.s32 @!p2 $0x0  }
0x1d: {  	s5 =	simm.s32 @p1 $0x1;
	p0 =	seq.s32 s7, s2  }
0x1e: {  	s7 =	smul.u32 @!p0 $0xF7A, s2;
	p2 =	seq.s32 @!p0 s5, $0x0  }
0x1f: {  	s9 =	smul.u32 $0xF7A, s1;
	s8 =	simm.s32 @!p0 $0x1BF5;
	p2 =	por !p2, p0  }
0x20: {  	[sflag:s8] =	ssyncset.s32 @!p0 $0xFFFFF086;
	s6 =	sadd.s32 @!p0 s3, s7;
	s7 =	simm.s32 @!p0 $0x108  }
0x21: {  	s3 =	sadd.s32 s3, s9;
	s6 =	sadd.s32 @!p0 $0x88, s6;
	s7 =	simm.s32 @p2 $0x1082  }
0x22: {  	[simem:s7], [sflag:s8] =	dma.local @!p0 [hbm:s6], $0xF7A  }
0x23: {  	s9 =	sor.u32 $0xD0000000, s2;
	s6 =	simm.s32 $0x108;
	_ =	swait.ge @!p0 [sflag:s8], $0x0  }
0x24: {  	s3 =	sadd.s32 $0x88, s3;
	s6 =	simm.s32 @!p1 $0x1082;
	[sflag:s4] =	ssyncset.s32 $0xFFFFF086  }
0x25: {  	[simem:s6], [sflag:s4] =	dma.local [hbm:s3], $0xF7A  }
0x26: {  	[smem:$0x3F93] =	sst s1;
	(tag) =	ssettag s2;
	_ =	strace s9  }
0x27: {  	s1 =	sld [smem:$0x3FA3]  }
0x28: {  	s2 =	sld [smem:$0x3FA4]  }
0x29: {  	s4 =	sld [smem:$0x3FA6]  }
0x2a: {  	p0 =	seq.s32 s5, $0x0;
	s5 =	sld [smem:$0x3FA7]  }
0x2b: {  	s6 =	sld [smem:$0x3FA8]  }
0x2c: {  	s7 =	sld [smem:$0x3FA9]  }
0x2d: {  	s3 =	simm.s32 $0x108;
	s8 =	sld [smem:$0x3FAA]  }
0x2e: {  	s3 =	simm.s32 @!p0 $0x1082;
	s9 =	sld [smem:$0x3FAB]  }
0x2f: {  	lr =	sadd.s32 s0, s3;
	s0 =	sld [smem:$0x3FA2]  }
0x30: {  	s3 =	sld [smem:$0x3FA5]  }
0x31: {  	[smem:$0x3FAE] =	sst s10  }
0x32: {  	s10 =	sld [smem:$0x3FAC];
	_ =	sdelay $0x3  }
0x33: {  	p0 =	seq.s32 s10, $0x1;
	s10 =	sld [smem:$0x3FAE];
	_ =	sdelay $0x3  }
0x34: {  	[smem:$0x3FAE] =	sst s10  }
0x35: {  	s10 =	sld [smem:$0x3FAD];
	_ =	sdelay $0x3  }
0x36: {  	p1 =	seq.s32 s10, $0x1;
	s10 =	sld [smem:$0x3FAE];
	_ =	sdelay $0x3  }
0x37: {  	[smem:$0x3FAE] =	sst s10  }
0x38: {  	s10 =	sld [smem:$0x3FAF]  }
0x39: {  	_ = 	snop;
	(pc) =	sbr.ind lr, $3  }
0x3a: {  	_ = 	snop  }
0x3b: {  	_ = 	snop  }
0x3c: {  	p2 =	seq.s32 s10, $0x1;
	s10 =	sld [smem:$0x3FAE]  }
0x3d: {  	_ =	shalt  }
0x3e: {  	_ =	shalt  }
0x3f: {  	_ =	shalt  }
0x40: {  	_ =	shalt  }
0x41: {  	_ =	shalt  }
0x42: {  	_ =	shalt  }
0x43: {  	_ =	shalt  }
0x44: {  	_ =	shalt  }
0x45: {  	_ =	shalt  }
0x46: {  	_ =	shalt  }
0x47: {  	_ =	shalt  }
0x48: {  	_ =	shalt  }
0x49: {  	_ =	shalt  }
0x4a: {  	_ =	shalt  }
0x4b: {  	_ =	shalt  }
0x4c: {  	_ =	shalt  }
0x4d: {  	_ =	shalt  }
0x4e: {  	_ =	shalt  }
0x4f: {  	_ =	shalt  }
0x50: {  	_ =	shalt  }
0x51: {  	_ =	shalt  }
0x52: {  	_ =	shalt  }
0x53: {  	_ =	shalt  }
0x54: {  	_ =	shalt  }
0x55: {  	_ =	shalt  }
0x56: {  	_ =	shalt  }
0x57: {  	_ =	shalt  }
0x58: {  	_ =	shalt  }
0x59: {  	_ =	shalt  }
0x5a: {  	_ =	shalt  }
0x5b: {  	_ =	shalt  }
0x5c: {  	_ =	shalt  }
0x5d: {  	_ =	shalt  }
0x5e: {  	_ =	shalt  }
0x5f: {  	_ =	shalt  }
0x60: {  	_ =	shalt  }
0x61: {  	_ =	shalt  }
0x62: {  	_ =	shalt  }
0x63: {  	_ =	shalt  }
0x64: {  	_ =	shalt  }
0x65: {  	_ =	shalt  }
0x66: {  	_ =	shalt  }
0x67: {  	_ =	shalt  }
0x68: {  	_ =	shalt  }
0x69: {  	_ =	shalt  }
0x6a: {  	_ =	shalt  }
0x6b: {  	_ =	shalt  }
0x6c: {  	_ =	shalt  }
0x6d: {  	_ =	shalt  }
0x6e: {  	_ =	shalt  }
0x6f: {  	_ =	shalt  }
0x70: {  	_ =	shalt  }
0x71: {  	_ =	shalt  }
0x72: {  	_ =	shalt  }
0x73: {  	_ =	shalt  }
0x74: {  	_ =	shalt  }
0x75: {  	_ =	shalt  }
0x76: {  	_ =	shalt  }
0x77: {  	_ =	shalt  }
0x78: {  	_ =	shalt  }
0x79: {  	_ =	shalt  }
0x7a: {  	_ =	shalt  }
0x7b: {  	_ =	shalt  }
0x7c: {  	_ =	shalt  }
0x7d: {  	_ =	shalt  }
0x7e: {  	_ =	shalt  }
0x7f: {  	_ =	shalt  }
0x80: {  	_ =	shalt  }
0x81: {  	_ =	shalt  }
0x82: {  	_ =	shalt  }
0x83: {  	_ =	shalt  }
0x84: {  	_ =	shalt  }
0x85: {  	_ =	shalt  }
0x86: {  	_ =	shalt  }
0x87: {  	_ =	shalt  }
.Lfunc_end0:
.L_simem_size_0:
called_computation_lowered:
.L_overlay_start_0:
0x88: {  	s2 =	sld [smem:$0x3FD9]  }
0x89: {  	s3 =	sld [smem:$0x3FFE];
	_ =	sdelay $0x1  }
0x8a: {  	s1 =	srdreg.scid  }
0x8b: {  	s0 =	sand.u32 $0x1, s1  }
0x8c: {  	s14 =	sshll.u32 s0, $0xA;
	s2 =	sadd.s32 s3, s2  }
0x8d: {  	s2 =	sadd.s32 s2, s14  }
0x8e: {  	[smem:$0x3FBA] =	sst s2  }
0x8f: {  	_ = 	snop  }
0x90: {  	s2 =	sld [smem:$0x3FD0];
	_ =	sdelay $0x2  }
0x91: {  	s15 =	simm.s32 $0xA;
	s4 =	simm.s32 $0x10  }
0x92: {  	[smem:s4], [sflag:s15] =	dma.local [hbm:s2], $0x1  }
0x93: {  	_ =	swait.eq [sflag:s15], $0x1  }
0x94: {  	[sflag:s15] =	ssyncset.done $0x0  }
0x95: {  	[sflag:s15] =	ssyncadd.s32 $0xFFFFFFFF  }
0x96: {  	s16 =	sld [smem:$0x11];
	(tm) =	ssettm $0x1  }
0x97: {  	s17 =	sld [smem:$0x3FFB];
	_ =	sdelay $0x3  }
0x98: {  	_ =	strace s17  }
0x99: {  	s3 =	sld [smem:$0x3FFC];
	_ =	sdelay $0x3  }
0x9a: {  	_ =	strace s3  }
0x9b: {  	s3 =	sld [smem:$0x3FFD];
	_ =	sdelay $0x3  }
0x9c: {  	_ =	strace s3  }
0x9d: {  	_ =	strace $0x8FFFFFFF  }
0x9e: {  	s18 =	sld [smem:$0x3FDB];
	_ =	sdelay $0x1  }
0x9f: {  	s19 =	simm.s32 $_scs_section_size  }
0xa0: {  	s5 =	simm.s32 $_size__tile_overlayer_lowered;
	s6 =	simm.s32 $_tile_overlayer_lowered  }
0xa1: {  	s22 =	simm.s32 $0x1BFF;
	s21 =	sshll.u32 s6, $0x1;
	s3 =	sadd.s32 s19, s18  }
0xa2: {  	s7 =	simm.s32 $0x0;
	s20 =	sshll.u32 s5, $0x1;
	s5 =	sadd.s32 s21, s3  }
0xa3: {  	[timem:s7], [sflag:s22] =	dma.local [hbm:s5], s20  }
0xa4: {  	_ =	swait.ge [sflag:s22], s20  }
0xa5: {  	s4 =	ssub.s32 $0x0, s20;
	[sflag:s22] =	ssyncset.done $0x0  }
0xa6: {  	[sflag:s22] =	ssyncadd.s32 s4;
	_ =	sdelay $0x1  }
0xa7: {  	s23 =	simm.s32 $0x1B8B  }
0xa8: {  	_ =	swait.ge [sflag:s23], $0x1  }
0xa9: {  	[sflag:s23] =	ssyncset.done $0x0  }
0xaa: {  	s25 =	simm.s32 $0x1B8E;
	s24 =	sld [smem:$0x3FFE];
	[sflag:s23] =	ssyncadd.s32 $0xFFFFFFFF  }
0xab: {  	s26 =	simm.s32 $execute0_lowered;
	[smem:$0x3FD2] =	sst s25  }
0xac: {  	s5 =	sshll.u32 s26, $0x1;
	_ =	strace $0x80000046;
	[dreg:$0x1] =	wrdreg $0xFFFFFFFF  }
0xad: {  	s28 =	simm.s32 $_size_execute0_lowered;
	s3 =	sadd.s32 s3, s5;
	[dreg:$0x0] =	wrdreg $0x0  }
0xae: {  	s5 =	sshll.u32 s28, $0x1;
	[dreg:$0x2] =	wrdreg s3  }
0xaf: {  	[dreg:$0x3] =	wrdreg s5  }
0xb0: {  	[dreg:$0x4] =	wrdreg $0xC0  }
0xb1: {  	_ =	task [dreg:s7], $0x5FFFF  }
0xb2: {  	[dreg:$0x1] =	wrdreg $0xFFFFFFFF  }
0xb3: {  	[dreg:$0x0] =	wrdreg $0x60  }
0xb4: {  	[dreg:$0x2] =	wrdreg s16  }
0xb5: {  	[dreg:$0x3] =	wrdreg s24  }
0xb6: {  	[dreg:$0x4] =	wrdreg $0x9  }
0xb7: {  	_ =	task.clear_ibuf [dreg:s7], $0x5FFFF;
	_ =	strace $0x90000046  }
0xb8: {  	s29 =	simm.s32 $0x9;
	_ =	strace $0x80000048  }
0xb9: {  	_ =	swait.ge [sflag:s29], $0x1  }
0xba: {  	[sflag:s29] =	ssyncadd.s32 $0xFFFFFFFF  }
0xbb: {  	_ =	strace $0x90000048  }
0xbc: {  	_ =	sfence  }
0xbd: {  	s30 =	sld [smem:$0x0];
	_ =	sdelay $0x2  }
0xbe: {  	s31 =	sshll.u32 s1, $0xD;
	s1 =	sshrl.u32 s1, $0x2  }
0xbf: {  	s3 =	sand.u32 $0x4000, s31;
	s1 =	sadd.s32 s1, s30  }
0xc0: {  	s0 =	sor.u32 s3, s0;
	s1 =	sshll.u32 s1, $0x11  }
0xc1: {  	s0 =	sor.u32 s1, s0  }
0xc2: {  	s0 =	sadd.s32 $0x8F2B, s0  }
0xc3: {  	[sflag:s0] =	ssyncadd.remote.s32 $0x1  }
0xc4: {  	_ =	sfence.sel $0xFFFF  }
0xc5: {  	[dreg:$0x0] =	wrdreg $0xFFFFFFFF;
	(pc) =	sbr.abs _section_cstart, $3  }
0xc6: {  	[dreg:$0x1] =	wrdreg $0xFFFFFFFF  }
0xc7: {  	_ =	task.clear_ibuf [dreg:s7], $0x2FFFF;
	_ =	strace $0x9FFFFFFF  }
0xc8: {  	(tm) =	ssettm $0x7FFFFFFF  }
0xc9: {  	_ =	shalt  }
tec
execute0_lowered:
.L_overlay_start_1:
0x0: {  	(tag) =	ssettag $0x1  }
0x1: {  	s1 =	srdreg.scid  }
0x2: {  	s2 =	rddreg [dreg:$0x0];
	s0 =	stileid.u32  }
0x3: {  	s4 =	rddreg [dreg:$0x1];
	s3 =	simm.s32 $0x0;
	s11 =	simm.s32 $0x2000  }
0x4: {  	s12 =	simm.s32 $0x1;
	s13 =	simm.s32 $0x4800;
	s14 =	simm.s32 $0x2  }
0x5: {  	s15 =	simm.s32 $0x1F80;
	s6 =	sand.u32 $0x1, s1;
	s1 =	rddreg [dreg:$0x2]  }
0x6: {  	s16 =	simm.s32 $0x0;
	s5 =	sshll.u32 s0, $0x7;
	[smem:$0x7FF] =	sst s3  }
0x7: {  	s9 =	sadd.s32 $0xAE00, s4;
	s29 =	smul.u32 $0x28000, s0;
	s7 =	sshll.u32 s6, $0x6  }
0x8: {  	_ =	strace $0x80000047;
	s8 =	ssub.s32 $0x2, s6;
	s5 =	sor.u32 s7, s5  }
0x9: {  	s31 =	smul.u32 $0x14000, s6;
	s26 =	sshrl.u32 s8, $0x1;
	s7 =	sshll.u32 s5, $0x4  }
0xa: {  	s10 =	smul.u32 $0x500, s5;
	s28 =	ssub.s32 s8, s26;
	s8 =	sadd.s32 s29, s9  }
0xb: {  	s7 =	sadd.s32 s7, s4;
	s5 =	smax.u32 s28, $0x1;
	s8 =	sadd.s32 s31, s8  }
0xc: {  	s4 =	sadd.s32 $0x2E00, s7;
	s30 =	sadd.s32 s9, s10;
	s9 =	simm.s32 $0x3  }
0xd: {  	s10 =	simm.s32 $0x50;
	s6 =	sadd.s32 $0x13600, s30;
	s7 =	sadd.s32 $0x13B00, s30  }
.LBB2_1:
0xe: {  	[tilespmem:s3], [sflag:$0x3] =	stream.linear.gather [hbm4b:s4+s3], $0x2000, $0x38;
	[tilespmem:$0x7000] =	vst v63  }
0xf: {  	_ =	swait.ge [sflag:s9], $0x2000  }
0x10: {  	[sflag:s9] =	ssyncset.done $0x0  }
0x11: {  	[sflag:s9] =	ssyncadd.s32 $0xFFFFE000  }
0x12: {  	[tilespmem:s11], [sflag:$0x1] =	stream.indirect.gather [hbm4b:s2+s10], $0x80, s3, s10, $0xb8;
	[tilespmem:$0x7000] =	vst v63  }
0x13: {  	_ =	swait.ge [sflag:s12], $0x2800  }
0x14: {  	[sflag:s12] =	ssyncset.done $0x0  }
0x15: {  	s17 =	simm.s32 $0x80;
	[sflag:s12] =	ssyncadd.s32 $0xFFFFD800  }
0x16: {  	[tilespmem:s13], [sflag:$0x2] =	stream.indirect.gather [hbm4b:s2+s10], $0x80, s17, s10, $0xb8;
	[tilespmem:$0x7000] =	vst v63  }
0x17: {  	s18 =	sadd.s32 $0x0, s8  }
0x18: {  	[hbm4b:s18+s3] =	stream.linear.scatter [tilespmem:s11], [sflag:$0x3], $0x2800, $0x38;
	[tilespmem:$0x7000] =	vst v63  }
0x19: {  	_ =	swait.ge [sflag:s9], $0x2800  }
0x1a: {  	[sflag:s9] =	ssyncset.done $0x0  }
0x1b: {  	[sflag:s9] =	ssyncadd.s32 $0xFFFFD800  }
0x1c: {  	_ =	swait.ge [sflag:s14], $0x2800  }
0x1d: {  	[sflag:s14] =	ssyncset.done $0x0  }
0x1e: {  	s19 =	simm.s32 $0x100;
	[sflag:s14] =	ssyncadd.s32 $0xFFFFD800  }
0x1f: {  	[tilespmem:s11], [sflag:$0x1] =	stream.indirect.gather [hbm4b:s2+s10], $0x80, s19, s10, $0xb8;
	[tilespmem:$0x7000] =	vst v63  }
0x20: {  	s18 =	sadd.s32 $0x500, s18  }
0x21: {  	[hbm4b:s18+s3] =	stream.linear.scatter [tilespmem:s13], [sflag:$0x3], $0x2800, $0x38;
	[tilespmem:$0x7000] =	vst v63  }
0x22: {  	_ =	swait.ge [sflag:s9], $0x2800  }
0x23: {  	s18 =	simm.s32 $0xA00;
	[sflag:s9] =	ssyncset.done $0x0  }
.LBB2_2:
0x24: {  	p0 =	sne.s32 s18, $0x12C00;
	[sflag:s9] =	ssyncadd.s32 $0xFFFFD800;
	s17 =	sadd.s32 $0x100, s17  }
0x25: {  	s19 =	smov.u32 s18;
	s18 =	sadd.s32 $0xA00, s18  }
0x26: {  	_ =	swait.ge [sflag:s12], $0x2800  }
0x27: {  	[sflag:s12] =	ssyncset.done $0x0  }
0x28: {  	[sflag:s12] =	ssyncadd.s32 $0xFFFFD800  }
0x29: {  	[tilespmem:s13], [sflag:$0x2] =	stream.indirect.gather [hbm4b:s2+s10], $0x80, s17, s10, $0xb8;
	[tilespmem:$0x7000] =	vst v63  }
0x2a: {  	s19 =	sadd.s32 s19, s8  }
0x2b: {  	[hbm4b:s19+s3] =	stream.linear.scatter [tilespmem:s11], [sflag:$0x3], $0x2800, $0x38;
	[tilespmem:$0x7000] =	vst v63  }
0x2c: {  	_ =	swait.ge [sflag:s9], $0x2800  }
0x2d: {  	[sflag:s9] =	ssyncset.done $0x0  }
0x2e: {  	[sflag:s9] =	ssyncadd.s32 $0xFFFFD800  }
0x2f: {  	_ =	swait.ge [sflag:s14], $0x2800  }
0x30: {  	[sflag:s14] =	ssyncset.done $0x0  }
0x31: {  	s20 =	sadd.s32 $0x80, s17;
	[sflag:s14] =	ssyncadd.s32 $0xFFFFD800  }
0x32: {  	[tilespmem:s11], [sflag:$0x1] =	stream.indirect.gather [hbm4b:s2+s10], $0x80, s20, s10, $0xb8;
	[tilespmem:$0x7000] =	vst v63  }
.Ltmp0:
0x33: {  	_ = 	snop;
	(pc) =	sbr.rel @p0 .LBB2_2-.Ltmp0, $4  }
0x34: {  	s19 =	sadd.s32 $0x500, s19  }
0x35: {  	[hbm4b:s19+s3] =	stream.linear.scatter [tilespmem:s13], [sflag:$0x3], $0x2800, $0x38;
	[tilespmem:$0x7000] =	vst v63  }
0x36: {  	_ =	swait.ge [sflag:s9], $0x2800  }
0x37: {  	[sflag:s9] =	ssyncset.done $0x0  }
0x38: {  	[sflag:s9] =	ssyncadd.s32 $0xFFFFD800  }
0x39: {  	_ =	swait.ge [sflag:s12], $0x2800  }
0x3a: {  	[sflag:s12] =	ssyncset.done $0x0  }
0x3b: {  	[sflag:s12] =	ssyncadd.s32 $0xFFFFD800  }
0x3c: {  	[tilespmem:s13], [sflag:$0x2] =	stream.indirect.gather [hbm4b:s2+s10], $0x80, s15, s10, $0xb8;
	[tilespmem:$0x7000] =	vst v63  }
0x3d: {  	_ = 	snop  }
0x3e: {  	[hbm4b:s6+s3] =	stream.linear.scatter [tilespmem:s11], [sflag:$0x3], $0x2800, $0x38;
	[tilespmem:$0x7000] =	vst v63  }
0x3f: {  	_ =	swait.ge [sflag:s9], $0x2800  }
0x40: {  	[sflag:s9] =	ssyncset.done $0x0  }
0x41: {  	[sflag:s9] =	ssyncadd.s32 $0xFFFFD800  }
0x42: {  	s16 =	sadd.s32 $0x1, s16;
	_ =	swait.ge [sflag:s14], $0x2800  }
0x43: {  	p0 =	sne.s32 s16, s5;
	[sflag:s14] =	ssyncset.done $0x0  }
.Ltmp1:
0x44: {  	[sflag:s14] =	ssyncadd.s32 $0xFFFFD800;
	(pc) =	sbr.rel @p0 .LBB2_1-.Ltmp1, $4  }
0x45: {  	[hbm4b:s7+s3] =	stream.linear.scatter [tilespmem:s13], [sflag:$0x3], $0x2800, $0x38;
	[tilespmem:$0x7000] =	vst v63  }
0x46: {  	_ =	swait.ge [sflag:s9], $0x2800  }
0x47: {  	[sflag:s9] =	ssyncset.done $0x0  }
0x48: {  	[sflag:s9] =	ssyncadd.s32 $0xFFFFD800  }
0x49: {  	_ =	sfence.sel $0x180000  }
0x4a: {  	[bflag:$0x0] =	sbarrier.arrive $0xFFFF  }
0x4b: {  	p0 =	sne.s32 s0, $0x0;
	_ =	strace $0x90000047  }
0x4c: {  	s0 =	sadd.s32 @!p0 $0x100000, s1;
	[bflag:$0x2] =	sbarrier.arrive $0xFFFF  }
0x4d: {  	[sflag:s0] =	ssyncadd.tile.s32 @!p0 $0x1;
	_ =	shalt  }
.Lfunc_end2:
_tile_overlayer_lowered:
.L_overlay_start_2:
0x4e: {  	(tag) =	ssettag $0x2  }
0x4f: {  	s0 =	rddreg [dreg:$0x0];
	s2 =	stileid.u32  }
0x50: {  	s1 =	rddreg [dreg:$0x1];
	p0 =	sne.s32 s2, $0x0  }
0x51: {  	s3 =	rddreg [dreg:$0x2];
	[bflag:$0x3] =	sbarrier.arrive $0xFFFF;
	s2 =	simm.s32 @!p0 $0x1C03  }
0x52: {  	[timem:s3], [sflag:s2] =	dma.local @!p0 [hbm:s0], s1  }
0x53: {  	s0 =	simm.s32 @!p0 $0x3  }
0x54: {  	_ =	swait.ge @!p0 [sflag:s0], s1  }
0x55: {  	s1 =	ssub.s32 @!p0 $0x0, s1;
	[sflag:s0] =	ssyncset.done @!p0 $0x0  }
0x56: {  	[sflag:s0] =	ssyncadd.s32 @!p0 s1  }
0x57: {  	[bflag:$0x3] =	sbarrier.arrive $0xFFFF  }
0x58: {  	_ =	shalt  }

// kernel: kernel.22.cloned.1.call-start
scs
__scs_entry_jumppad:
0x0: {  	(pc) =	sbr.rel $0x88, $3  }
0x1: {  	(tag) =	ssettag $0x0;
	lr =	simm.s32 $0x1  }
0x2: {  	[smem:$0x3F93] =	sst lr;
	_ =	strace $0xD0000000  }
0x3: {  	_ = 	snop  }
0x4: {  	_ = 	snop  }
0x5: {  	_ = 	snop  }
0x6: {  	_ = 	snop  }
0x7: {  	_ = 	snop  }
__scs_overlays_trampoline_lowered:
0x8: {  	[smem:$0x3FA2] =	sst s0  }
0x9: {  	[smem:$0x3FA3] =	sst s1  }
0xa: {  	[smem:$0x3FA4] =	sst s2  }
0xb: {  	[smem:$0x3FA5] =	sst s3  }
0xc: {  	[smem:$0x3FA6] =	sst s4  }
0xd: {  	[smem:$0x3FA7] =	sst s5  }
0xe: {  	[smem:$0x3FA8] =	sst s6  }
0xf: {  	[smem:$0x3FA9] =	sst s7  }
0x10: {  	[smem:$0x3FAA] =	sst s8  }
0x11: {  	[smem:$0x3FAB] =	sst s9;
	s0 =	simm.s32 @!p0 $0x0  }
0x12: {  	s1 =	sld [smem:$0x3F91];
	s0 =	simm.s32 @p0 $0x1  }
0x13: {  	[smem:$0x3FAC] =	sst s0;
	s0 =	simm.s32 @!p1 $0x0  }
0x14: {  	s2 =	sld [smem:$0x3F90];
	s0 =	simm.s32 @p1 $0x1  }
0x15: {  	[smem:$0x3FAD] =	sst s0;
	s0 =	simm.s32 @!p2 $0x0  }
0x16: {  	s3 =	sld [smem:$0x3FDB];
	s0 =	simm.s32 @p2 $0x1  }
0x17: {  	s4 =	simm.s32 $0x1BF5;
	[smem:$0x3FAF] =	sst s0  }
0x18: {  	s0 =	sld [smem:$0x3F92];
	_ =	swait.ge [sflag:s4], $0x0  }
0x19: {  	s7 =	sld [smem:$0x3F93]  }
0x1a: {  	s8 =	sadd.s32 $0xFFFFE003, lr  }
0x1b: {  	s9 =	sadd.s32 $0xFFFFFEF7, lr;
	s5 =	simm.s32 $0xFFFFFFFF;
	p2 =	slt.u32 s8, $0xFFFFF086  }
0x1c: {  	p1 =	slt.u32 s9, $0xF7A;
	s5 =	simm.s32 @!p2 $0x0  }
0x1d: {  	s5 =	simm.s32 @p1 $0x1;
	p0 =	seq.s32 s7, s2  }
0x1e: {  	s7 =	smul.u32 @!p0 $0xF7A, s2;
	p2 =	seq.s32 @!p0 s5, $0x0  }
0x1f: {  	s9 =	smul.u32 $0xF7A, s1;
	s8 =	simm.s32 @!p0 $0x1BF5;
	p2 =	por !p2, p0  }
0x20: {  	[sflag:s8] =	ssyncset.s32 @!p0 $0xFFFFF086;
	s6 =	sadd.s32 @!p0 s3, s7;
	s7 =	simm.s32 @!p0 $0x108  }
0x21: {  	s3 =	sadd.s32 s3, s9;
	s6 =	sadd.s32 @!p0 $0x88, s6;
	s7 =	simm.s32 @p2 $0x1082  }
0x22: {  	[simem:s7], [sflag:s8] =	dma.local @!p0 [hbm:s6], $0xF7A  }
0x23: {  	s9 =	sor.u32 $0xD0000000, s2;
	s6 =	simm.s32 $0x108;
	_ =	swait.ge @!p0 [sflag:s8], $0x0  }
0x24: {  	s3 =	sadd.s32 $0x88, s3;
	s6 =	simm.s32 @!p1 $0x1082;
	[sflag:s4] =	ssyncset.s32 $0xFFFFF086  }
0x25: {  	[simem:s6], [sflag:s4] =	dma.local [hbm:s3], $0xF7A  }
0x26: {  	[smem:$0x3F93] =	sst s1;
	(tag) =	ssettag s2;
	_ =	strace s9  }
0x27: {  	s1 =	sld [smem:$0x3FA3]  }
0x28: {  	s2 =	sld [smem:$0x3FA4]  }
0x29: {  	s4 =	sld [smem:$0x3FA6]  }
0x2a: {  	p0 =	seq.s32 s5, $0x0;
	s5 =	sld [smem:$0x3FA7]  }
0x2b: {  	s6 =	sld [smem:$0x3FA8]  }
0x2c: {  	s7 =	sld [smem:$0x3FA9]  }
0x2d: {  	s3 =	simm.s32 $0x108;
	s8 =	sld [smem:$0x3FAA]  }
0x2e: {  	s3 =	simm.s32 @!p0 $0x1082;
	s9 =	sld [smem:$0x3FAB]  }
0x2f: {  	lr =	sadd.s32 s0, s3;
	s0 =	sld [smem:$0x3FA2]  }
0x30: {  	s3 =	sld [smem:$0x3FA5]  }
0x31: {  	[smem:$0x3FAE] =	sst s10  }
0x32: {  	s10 =	sld [smem:$0x3FAC];
	_ =	sdelay $0x3  }
0x33: {  	p0 =	seq.s32 s10, $0x1;
	s10 =	sld [smem:$0x3FAE];
	_ =	sdelay $0x3  }
0x34: {  	[smem:$0x3FAE] =	sst s10  }
0x35: {  	s10 =	sld [smem:$0x3FAD];
	_ =	sdelay $0x3  }
0x36: {  	p1 =	seq.s32 s10, $0x1;
	s10 =	sld [smem:$0x3FAE];
	_ =	sdelay $0x3  }
0x37: {  	[smem:$0x3FAE] =	sst s10  }
0x38: {  	s10 =	sld [smem:$0x3FAF]  }
0x39: {  	_ = 	snop;
	(pc) =	sbr.ind lr, $3  }
0x3a: {  	_ = 	snop  }
0x3b: {  	_ = 	snop  }
0x3c: {  	p2 =	seq.s32 s10, $0x1;
	s10 =	sld [smem:$0x3FAE]  }
0x3d: {  	_ =	shalt  }
0x3e: {  	_ =	shalt  }
0x3f: {  	_ =	shalt  }
0x40: {  	_ =	shalt  }
0x41: {  	_ =	shalt  }
0x42: {  	_ =	shalt  }
0x43: {  	_ =	shalt  }
0x44: {  	_ =	shalt  }
0x45: {  	_ =	shalt  }
0x46: {  	_ =	shalt  }
0x47: {  	_ =	shalt  }
0x48: {  	_ =	shalt  }
0x49: {  	_ =	shalt  }
0x4a: {  	_ =	shalt  }
0x4b: {  	_ =	shalt  }
0x4c: {  	_ =	shalt  }
0x4d: {  	_ =	shalt  }
0x4e: {  	_ =	shalt  }
0x4f: {  	_ =	shalt  }
0x50: {  	_ =	shalt  }
0x51: {  	_ =	shalt  }
0x52: {  	_ =	shalt  }
0x53: {  	_ =	shalt  }
0x54: {  	_ =	shalt  }
0x55: {  	_ =	shalt  }
0x56: {  	_ =	shalt  }
0x57: {  	_ =	shalt  }
0x58: {  	_ =	shalt  }
0x59: {  	_ =	shalt  }
0x5a: {  	_ =	shalt  }
0x5b: {  	_ =	shalt  }
0x5c: {  	_ =	shalt  }
0x5d: {  	_ =	shalt  }
0x5e: {  	_ =	shalt  }
0x5f: {  	_ =	shalt  }
0x60: {  	_ =	shalt  }
0x61: {  	_ =	shalt  }
0x62: {  	_ =	shalt  }
0x63: {  	_ =	shalt  }
0x64: {  	_ =	shalt  }
0x65: {  	_ =	shalt  }
0x66: {  	_ =	shalt  }
0x67: {  	_ =	shalt  }
0x68: {  	_ =	shalt  }
0x69: {  	_ =	shalt  }
0x6a: {  	_ =	shalt  }
0x6b: {  	_ =	shalt  }
0x6c: {  	_ =	shalt  }
0x6d: {  	_ =	shalt  }
0x6e: {  	_ =	shalt  }
0x6f: {  	_ =	shalt  }
0x70: {  	_ =	shalt  }
0x71: {  	_ =	shalt  }
0x72: {  	_ =	shalt  }
0x73: {  	_ =	shalt  }
0x74: {  	_ =	shalt  }
0x75: {  	_ =	shalt  }
0x76: {  	_ =	shalt  }
0x77: {  	_ =	shalt  }
0x78: {  	_ =	shalt  }
0x79: {  	_ =	shalt  }
0x7a: {  	_ =	shalt  }
0x7b: {  	_ =	shalt  }
0x7c: {  	_ =	shalt  }
0x7d: {  	_ =	shalt  }
0x7e: {  	_ =	shalt  }
0x7f: {  	_ =	shalt  }
0x80: {  	_ =	shalt  }
0x81: {  	_ =	shalt  }
0x82: {  	_ =	shalt  }
0x83: {  	_ =	shalt  }
0x84: {  	_ =	shalt  }
0x85: {  	_ =	shalt  }
0x86: {  	_ =	shalt  }
0x87: {  	_ =	shalt  }
.Lfunc_end0:
.L_simem_size_0:
called_computation.1_lowered:
.L_overlay_start_0:
0x88: {  	s2 =	sld [smem:$0x3FD9]  }
0x89: {  	s3 =	sld [smem:$0x3FFE];
	_ =	sdelay $0x1  }
0x8a: {  	s1 =	srdreg.scid  }
0x8b: {  	s0 =	sand.u32 $0x1, s1  }
0x8c: {  	s14 =	sshll.u32 s0, $0xA;
	s2 =	sadd.s32 s3, s2  }
0x8d: {  	s2 =	sadd.s32 s2, s14  }
0x8e: {  	[smem:$0x3FBA] =	sst s2  }
0x8f: {  	_ = 	snop  }
0x90: {  	s2 =	sld [smem:$0x3FD0];
	_ =	sdelay $0x2  }
0x91: {  	s15 =	simm.s32 $0xA;
	s4 =	simm.s32 $0x10  }
0x92: {  	[smem:s4], [sflag:s15] =	dma.local [hbm:s2], $0x1  }
0x93: {  	_ =	swait.eq [sflag:s15], $0x1  }
0x94: {  	[sflag:s15] =	ssyncset.done $0x0  }
0x95: {  	[sflag:s15] =	ssyncadd.s32 $0xFFFFFFFF  }
0x96: {  	s16 =	sld [smem:$0x11];
	(tm) =	ssettm $0x1  }
0x97: {  	s17 =	sld [smem:$0x3FFB];
	_ =	sdelay $0x3  }
0x98: {  	_ =	strace s17  }
0x99: {  	s3 =	sld [smem:$0x3FFC];
	_ =	sdelay $0x3  }
0x9a: {  	_ =	strace s3  }
0x9b: {  	s3 =	sld [smem:$0x3FFD];
	_ =	sdelay $0x3  }
0x9c: {  	_ =	strace s3  }
0x9d: {  	_ =	strace $0x8FFFFFFF  }
0x9e: {  	s18 =	sld [smem:$0x3FDB];
	_ =	sdelay $0x1  }
0x9f: {  	s19 =	simm.s32 $_scs_section_size  }
0xa0: {  	s5 =	simm.s32 $_size__tile_overlayer_lowered;
	s6 =	simm.s32 $_tile_overlayer_lowered  }
0xa1: {  	s22 =	simm.s32 $0x1BFF;
	s21 =	sshll.u32 s6, $0x1;
	s3 =	sadd.s32 s19, s18  }
0xa2: {  	s7 =	simm.s32 $0x0;
	s20 =	sshll.u32 s5, $0x1;
	s5 =	sadd.s32 s21, s3  }
0xa3: {  	[timem:s7], [sflag:s22] =	dma.local [hbm:s5], s20  }
0xa4: {  	_ =	swait.ge [sflag:s22], s20  }
0xa5: {  	s4 =	ssub.s32 $0x0, s20;
	[sflag:s22] =	ssyncset.done $0x0  }
0xa6: {  	[sflag:s22] =	ssyncadd.s32 s4;
	_ =	sdelay $0x1  }
0xa7: {  	s23 =	simm.s32 $0x1B8B  }
0xa8: {  	_ =	swait.ge [sflag:s23], $0x1  }
0xa9: {  	[sflag:s23] =	ssyncset.done $0x0  }
0xaa: {  	s25 =	simm.s32 $0x1B8E;
	s24 =	sld [smem:$0x3FFE];
	[sflag:s23] =	ssyncadd.s32 $0xFFFFFFFF  }
0xab: {  	s26 =	simm.s32 $execute0_lowered;
	[smem:$0x3FD2] =	sst s25  }
0xac: {  	s5 =	sshll.u32 s26, $0x1;
	_ =	strace $0x80000049;
	[dreg:$0x1] =	wrdreg $0xFFFFFFFF  }
0xad: {  	s28 =	simm.s32 $_size_execute0_lowered;
	s3 =	sadd.s32 s3, s5;
	[dreg:$0x0] =	wrdreg $0x0  }
0xae: {  	s5 =	sshll.u32 s28, $0x1;
	[dreg:$0x2] =	wrdreg s3  }
0xaf: {  	[dreg:$0x3] =	wrdreg s5  }
0xb0: {  	[dreg:$0x4] =	wrdreg $0xC0  }
0xb1: {  	_ =	task [dreg:s7], $0x5FFFF  }
0xb2: {  	[dreg:$0x1] =	wrdreg $0xFFFFFFFF  }
0xb3: {  	[dreg:$0x0] =	wrdreg $0x60  }
0xb4: {  	[dreg:$0x2] =	wrdreg s16  }
0xb5: {  	[dreg:$0x3] =	wrdreg s24  }
0xb6: {  	[dreg:$0x4] =	wrdreg $0x9  }
0xb7: {  	_ =	task.clear_ibuf [dreg:s7], $0x5FFFF;
	_ =	strace $0x90000049  }
0xb8: {  	s29 =	simm.s32 $0x9;
	_ =	strace $0x8000004B  }
0xb9: {  	_ =	swait.ge [sflag:s29], $0x1  }
0xba: {  	[sflag:s29] =	ssyncadd.s32 $0xFFFFFFFF  }
0xbb: {  	_ =	strace $0x9000004B  }
0xbc: {  	_ =	sfence  }
0xbd: {  	s30 =	sld [smem:$0x0];
	_ =	sdelay $0x2  }
0xbe: {  	s31 =	sshll.u32 s1, $0xD;
	s1 =	sshrl.u32 s1, $0x2  }
0xbf: {  	s3 =	sand.u32 $0x4000, s31;
	s1 =	sadd.s32 s1, s30  }
0xc0: {  	s0 =	sor.u32 s3, s0;
	s1 =	sshll.u32 s1, $0x11  }
0xc1: {  	s0 =	sor.u32 s1, s0  }
0xc2: {  	s0 =	sadd.s32 $0x8F2B, s0  }
0xc3: {  	[sflag:s0] =	ssyncadd.remote.s32 $0x1  }
0xc4: {  	_ =	sfence.sel $0xFFFF  }
0xc5: {  	[dreg:$0x0] =	wrdreg $0xFFFFFFFF;
	(pc) =	sbr.abs _section_cstart, $3  }
0xc6: {  	[dreg:$0x1] =	wrdreg $0xFFFFFFFF  }
0xc7: {  	_ =	task.clear_ibuf [dreg:s7], $0x2FFFF;
	_ =	strace $0x9FFFFFFF  }
0xc8: {  	(tm) =	ssettm $0x7FFFFFFF  }
0xc9: {  	_ =	shalt  }
tec
execute0_lowered:
.L_overlay_start_1:
0x0: {  	(tag) =	ssettag $0x1  }
0x1: {  	s1 =	srdreg.scid  }
0x2: {  	s2 =	rddreg [dreg:$0x0];
	s0 =	stileid.u32  }
0x3: {  	s4 =	rddreg [dreg:$0x1];
	s3 =	simm.s32 $0x0;
	s11 =	simm.s32 $0x2000  }
0x4: {  	s12 =	simm.s32 $0x1;
	s13 =	simm.s32 $0x4800;
	s14 =	simm.s32 $0x2  }
0x5: {  	s15 =	simm.s32 $0x1F80;
	s6 =	sand.u32 $0x1, s1;
	s1 =	rddreg [dreg:$0x2]  }
0x6: {  	s16 =	simm.s32 $0x0;
	s5 =	sshll.u32 s0, $0x7;
	[smem:$0x7FF] =	sst s3  }
0x7: {  	s9 =	sadd.s32 $0x1AE00, s4;
	s29 =	smul.u32 $0x28000, s0;
	s7 =	sshll.u32 s6, $0x6  }
0x8: {  	_ =	strace $0x8000004A;
	s8 =	ssub.s32 $0x2, s6;
	s5 =	sor.u32 s7, s5  }
0x9: {  	s31 =	smul.u32 $0x14000, s6;
	s26 =	sshrl.u32 s8, $0x1;
	s7 =	sshll.u32 s5, $0x4  }
0xa: {  	s10 =	smul.u32 $0x500, s5;
	s28 =	ssub.s32 s8, s26;
	s8 =	sadd.s32 s29, s9  }
0xb: {  	s7 =	sadd.s32 s7, s4;
	s5 =	smax.u32 s28, $0x1;
	s8 =	sadd.s32 s31, s8  }
0xc: {  	s4 =	sadd.s32 $0x12E00, s7;
	s30 =	sadd.s32 s9, s10;
	s9 =	simm.s32 $0x3  }
0xd: {  	s10 =	simm.s32 $0x50;
	s6 =	sadd.s32 $0x13600, s30;
	s7 =	sadd.s32 $0x13B00, s30  }
.LBB2_1:
0xe: {  	[tilespmem:s3], [sflag:$0x3] =	stream.linear.gather [hbm4b:s4+s3], $0x2000, $0x38;
	[tilespmem:$0x7000] =	vst v63  }
0xf: {  	_ =	swait.ge [sflag:s9], $0x2000  }
0x10: {  	[sflag:s9] =	ssyncset.done $0x0  }
0x11: {  	[sflag:s9] =	ssyncadd.s32 $0xFFFFE000  }
0x12: {  	[tilespmem:s11], [sflag:$0x1] =	stream.indirect.gather [hbm4b:s2+s10], $0x80, s3, s10, $0xb8;
	[tilespmem:$0x7000] =	vst v63  }
0x13: {  	_ =	swait.ge [sflag:s12], $0x2800  }
0x14: {  	[sflag:s12] =	ssyncset.done $0x0  }
0x15: {  	s17 =	simm.s32 $0x80;
	[sflag:s12] =	ssyncadd.s32 $0xFFFFD800  }
0x16: {  	[tilespmem:s13], [sflag:$0x2] =	stream.indirect.gather [hbm4b:s2+s10], $0x80, s17, s10, $0xb8;
	[tilespmem:$0x7000] =	vst v63  }
0x17: {  	s18 =	sadd.s32 $0x0, s8  }
0x18: {  	[hbm4b:s18+s3] =	stream.linear.scatter [tilespmem:s11], [sflag:$0x3], $0x2800, $0x38;
	[tilespmem:$0x7000] =	vst v63  }
0x19: {  	_ =	swait.ge [sflag:s9], $0x2800  }
0x1a: {  	[sflag:s9] =	ssyncset.done $0x0  }
0x1b: {  	[sflag:s9] =	ssyncadd.s32 $0xFFFFD800  }
0x1c: {  	_ =	swait.ge [sflag:s14], $0x2800  }
0x1d: {  	[sflag:s14] =	ssyncset.done $0x0  }
0x1e: {  	s19 =	simm.s32 $0x100;
	[sflag:s14] =	ssyncadd.s32 $0xFFFFD800  }
0x1f: {  	[tilespmem:s11], [sflag:$0x1] =	stream.indirect.gather [hbm4b:s2+s10], $0x80, s19, s10, $0xb8;
	[tilespmem:$0x7000] =	vst v63  }
0x20: {  	s18 =	sadd.s32 $0x500, s18  }
0x21: {  	[hbm4b:s18+s3] =	stream.linear.scatter [tilespmem:s13], [sflag:$0x3], $0x2800, $0x38;
	[tilespmem:$0x7000] =	vst v63  }
0x22: {  	_ =	swait.ge [sflag:s9], $0x2800  }
0x23: {  	s18 =	simm.s32 $0xA00;
	[sflag:s9] =	ssyncset.done $0x0  }
.LBB2_2:
0x24: {  	p0 =	sne.s32 s18, $0x12C00;
	[sflag:s9] =	ssyncadd.s32 $0xFFFFD800;
	s17 =	sadd.s32 $0x100, s17  }
0x25: {  	s19 =	smov.u32 s18;
	s18 =	sadd.s32 $0xA00, s18  }
0x26: {  	_ =	swait.ge [sflag:s12], $0x2800  }
0x27: {  	[sflag:s12] =	ssyncset.done $0x0  }
0x28: {  	[sflag:s12] =	ssyncadd.s32 $0xFFFFD800  }
0x29: {  	[tilespmem:s13], [sflag:$0x2] =	stream.indirect.gather [hbm4b:s2+s10], $0x80, s17, s10, $0xb8;
	[tilespmem:$0x7000] =	vst v63  }
0x2a: {  	s19 =	sadd.s32 s19, s8  }
0x2b: {  	[hbm4b:s19+s3] =	stream.linear.scatter [tilespmem:s11], [sflag:$0x3], $0x2800, $0x38;
	[tilespmem:$0x7000] =	vst v63  }
0x2c: {  	_ =	swait.ge [sflag:s9], $0x2800  }
0x2d: {  	[sflag:s9] =	ssyncset.done $0x0  }
0x2e: {  	[sflag:s9] =	ssyncadd.s32 $0xFFFFD800  }
0x2f: {  	_ =	swait.ge [sflag:s14], $0x2800  }
0x30: {  	[sflag:s14] =	ssyncset.done $0x0  }
0x31: {  	s20 =	sadd.s32 $0x80, s17;
	[sflag:s14] =	ssyncadd.s32 $0xFFFFD800  }
0x32: {  	[tilespmem:s11], [sflag:$0x1] =	stream.indirect.gather [hbm4b:s2+s10], $0x80, s20, s10, $0xb8;
	[tilespmem:$0x7000] =	vst v63  }
.Ltmp0:
0x33: {  	_ = 	snop;
	(pc) =	sbr.rel @p0 .LBB2_2-.Ltmp0, $4  }
0x34: {  	s19 =	sadd.s32 $0x500, s19  }
0x35: {  	[hbm4b:s19+s3] =	stream.linear.scatter [tilespmem:s13], [sflag:$0x3], $0x2800, $0x38;
	[tilespmem:$0x7000] =	vst v63  }
0x36: {  	_ =	swait.ge [sflag:s9], $0x2800  }
0x37: {  	[sflag:s9] =	ssyncset.done $0x0  }
0x38: {  	[sflag:s9] =	ssyncadd.s32 $0xFFFFD800  }
0x39: {  	_ =	swait.ge [sflag:s12], $0x2800  }
0x3a: {  	[sflag:s12] =	ssyncset.done $0x0  }
0x3b: {  	[sflag:s12] =	ssyncadd.s32 $0xFFFFD800  }
0x3c: {  	[tilespmem:s13], [sflag:$0x2] =	stream.indirect.gather [hbm4b:s2+s10], $0x80, s15, s10, $0xb8;
	[tilespmem:$0x7000] =	vst v63  }
0x3d: {  	_ = 	snop  }
0x3e: {  	[hbm4b:s6+s3] =	stream.linear.scatter [tilespmem:s11], [sflag:$0x3], $0x2800, $0x38;
	[tilespmem:$0x7000] =	vst v63  }
0x3f: {  	_ =	swait.ge [sflag:s9], $0x2800  }
0x40: {  	[sflag:s9] =	ssyncset.done $0x0  }
0x41: {  	[sflag:s9] =	ssyncadd.s32 $0xFFFFD800  }
0x42: {  	s16 =	sadd.s32 $0x1, s16;
	_ =	swait.ge [sflag:s14], $0x2800  }
0x43: {  	p0 =	sne.s32 s16, s5;
	[sflag:s14] =	ssyncset.done $0x0  }
.Ltmp1:
0x44: {  	[sflag:s14] =	ssyncadd.s32 $0xFFFFD800;
	(pc) =	sbr.rel @p0 .LBB2_1-.Ltmp1, $4  }
0x45: {  	[hbm4b:s7+s3] =	stream.linear.scatter [tilespmem:s13], [sflag:$0x3], $0x2800, $0x38;
	[tilespmem:$0x7000] =	vst v63  }
0x46: {  	_ =	swait.ge [sflag:s9], $0x2800  }
0x47: {  	[sflag:s9] =	ssyncset.done $0x0  }
0x48: {  	[sflag:s9] =	ssyncadd.s32 $0xFFFFD800  }
0x49: {  	_ =	sfence.sel $0x180000  }
0x4a: {  	[bflag:$0x0] =	sbarrier.arrive $0xFFFF  }
0x4b: {  	p0 =	sne.s32 s0, $0x0;
	_ =	strace $0x9000004A  }
0x4c: {  	s0 =	sadd.s32 @!p0 $0x100000, s1;
	[bflag:$0x2] =	sbarrier.arrive $0xFFFF  }
0x4d: {  	[sflag:s0] =	ssyncadd.tile.s32 @!p0 $0x1;
	_ =	shalt  }
.Lfunc_end2:
_tile_overlayer_lowered:
.L_overlay_start_2:
0x4e: {  	(tag) =	ssettag $0x2  }
0x4f: {  	s0 =	rddreg [dreg:$0x0];
	s2 =	stileid.u32  }
0x50: {  	s1 =	rddreg [dreg:$0x1];
	p0 =	sne.s32 s2, $0x0  }
0x51: {  	s3 =	rddreg [dreg:$0x2];
	[bflag:$0x3] =	sbarrier.arrive $0xFFFF;
	s2 =	simm.s32 @!p0 $0x1C03  }
0x52: {  	[timem:s3], [sflag:s2] =	dma.local @!p0 [hbm:s0], s1  }
0x53: {  	s0 =	simm.s32 @!p0 $0x3  }
0x54: {  	_ =	swait.ge @!p0 [sflag:s0], s1  }
0x55: {  	s1 =	ssub.s32 @!p0 $0x0, s1;
	[sflag:s0] =	ssyncset.done @!p0 $0x0  }
0x56: {  	[sflag:s0] =	ssyncadd.s32 @!p0 s1  }
0x57: {  	[bflag:$0x3] =	sbarrier.arrive $0xFFFF  }
0x58: {  	_ =	shalt  }

// kernel: kernel.25.cloned.1.call-start
scs
__scs_entry_jumppad:
0x0: {  	(pc) =	sbr.rel $0x88, $3  }
0x1: {  	(tag) =	ssettag $0x0;
	lr =	simm.s32 $0x1  }
0x2: {  	[smem:$0x3F93] =	sst lr;
	_ =	strace $0xD0000000  }
0x3: {  	_ = 	snop  }
0x4: {  	_ = 	snop  }
0x5: {  	_ = 	snop  }
0x6: {  	_ = 	snop  }
0x7: {  	_ = 	snop  }
__scs_overlays_trampoline_lowered:
0x8: {  	[smem:$0x3FA2] =	sst s0  }
0x9: {  	[smem:$0x3FA3] =	sst s1  }
0xa: {  	[smem:$0x3FA4] =	sst s2  }
0xb: {  	[smem:$0x3FA5] =	sst s3  }
0xc: {  	[smem:$0x3FA6] =	sst s4  }
0xd: {  	[smem:$0x3FA7] =	sst s5  }
0xe: {  	[smem:$0x3FA8] =	sst s6  }
0xf: {  	[smem:$0x3FA9] =	sst s7  }
0x10: {  	[smem:$0x3FAA] =	sst s8  }
0x11: {  	[smem:$0x3FAB] =	sst s9;
	s0 =	simm.s32 @!p0 $0x0  }
0x12: {  	s1 =	sld [smem:$0x3F91];
	s0 =	simm.s32 @p0 $0x1  }
0x13: {  	[smem:$0x3FAC] =	sst s0;
	s0 =	simm.s32 @!p1 $0x0  }
0x14: {  	s2 =	sld [smem:$0x3F90];
	s0 =	simm.s32 @p1 $0x1  }
0x15: {  	[smem:$0x3FAD] =	sst s0;
	s0 =	simm.s32 @!p2 $0x0  }
0x16: {  	s3 =	sld [smem:$0x3FDB];
	s0 =	simm.s32 @p2 $0x1  }
0x17: {  	s4 =	simm.s32 $0x1BF5;
	[smem:$0x3FAF] =	sst s0  }
0x18: {  	s0 =	sld [smem:$0x3F92];
	_ =	swait.ge [sflag:s4], $0x0  }
0x19: {  	s7 =	sld [smem:$0x3F93]  }
0x1a: {  	s8 =	sadd.s32 $0xFFFFE003, lr  }
0x1b: {  	s9 =	sadd.s32 $0xFFFFFEF7, lr;
	s5 =	simm.s32 $0xFFFFFFFF;
	p2 =	slt.u32 s8, $0xFFFFF086  }
0x1c: {  	p1 =	slt.u32 s9, $0xF7A;
	s5 =	simm.s32 @!p2 $0x0  }
0x1d: {  	s5 =	simm.s32 @p1 $0x1;
	p0 =	seq.s32 s7, s2  }
0x1e: {  	s7 =	smul.u32 @!p0 $0xF7A, s2;
	p2 =	seq.s32 @!p0 s5, $0x0  }
0x1f: {  	s9 =	smul.u32 $0xF7A, s1;
	s8 =	simm.s32 @!p0 $0x1BF5;
	p2 =	por !p2, p0  }
0x20: {  	[sflag:s8] =	ssyncset.s32 @!p0 $0xFFFFF086;
	s6 =	sadd.s32 @!p0 s3, s7;
	s7 =	simm.s32 @!p0 $0x108  }
0x21: {  	s3 =	sadd.s32 s3, s9;
	s6 =	sadd.s32 @!p0 $0x88, s6;
	s7 =	simm.s32 @p2 $0x1082  }
0x22: {  	[simem:s7], [sflag:s8] =	dma.local @!p0 [hbm:s6], $0xF7A  }
0x23: {  	s9 =	sor.u32 $0xD0000000, s2;
	s6 =	simm.s32 $0x108;
	_ =	swait.ge @!p0 [sflag:s8], $0x0  }
0x24: {  	s3 =	sadd.s32 $0x88, s3;
	s6 =	simm.s32 @!p1 $0x1082;
	[sflag:s4] =	ssyncset.s32 $0xFFFFF086  }
0x25: {  	[simem:s6], [sflag:s4] =	dma.local [hbm:s3], $0xF7A  }
0x26: {  	[smem:$0x3F93] =	sst s1;
	(tag) =	ssettag s2;
	_ =	strace s9  }
0x27: {  	s1 =	sld [smem:$0x3FA3]  }
0x28: {  	s2 =	sld [smem:$0x3FA4]  }
0x29: {  	s4 =	sld [smem:$0x3FA6]  }
0x2a: {  	p0 =	seq.s32 s5, $0x0;
	s5 =	sld [smem:$0x3FA7]  }
0x2b: {  	s6 =	sld [smem:$0x3FA8]  }
0x2c: {  	s7 =	sld [smem:$0x3FA9]  }
0x2d: {  	s3 =	simm.s32 $0x108;
	s8 =	sld [smem:$0x3FAA]  }
0x2e: {  	s3 =	simm.s32 @!p0 $0x1082;
	s9 =	sld [smem:$0x3FAB]  }
0x2f: {  	lr =	sadd.s32 s0, s3;
	s0 =	sld [smem:$0x3FA2]  }
0x30: {  	s3 =	sld [smem:$0x3FA5]  }
0x31: {  	[smem:$0x3FAE] =	sst s10  }
0x32: {  	s10 =	sld [smem:$0x3FAC];
	_ =	sdelay $0x3  }
0x33: {  	p0 =	seq.s32 s10, $0x1;
	s10 =	sld [smem:$0x3FAE];
	_ =	sdelay $0x3  }
0x34: {  	[smem:$0x3FAE] =	sst s10  }
0x35: {  	s10 =	sld [smem:$0x3FAD];
	_ =	sdelay $0x3  }
0x36: {  	p1 =	seq.s32 s10, $0x1;
	s10 =	sld [smem:$0x3FAE];
	_ =	sdelay $0x3  }
0x37: {  	[smem:$0x3FAE] =	sst s10  }
0x38: {  	s10 =	sld [smem:$0x3FAF]  }
0x39: {  	_ = 	snop;
	(pc) =	sbr.ind lr, $3  }
0x3a: {  	_ = 	snop  }
0x3b: {  	_ = 	snop  }
0x3c: {  	p2 =	seq.s32 s10, $0x1;
	s10 =	sld [smem:$0x3FAE]  }
0x3d: {  	_ =	shalt  }
0x3e: {  	_ =	shalt  }
0x3f: {  	_ =	shalt  }
0x40: {  	_ =	shalt  }
0x41: {  	_ =	shalt  }
0x42: {  	_ =	shalt  }
0x43: {  	_ =	shalt  }
0x44: {  	_ =	shalt  }
0x45: {  	_ =	shalt  }
0x46: {  	_ =	shalt  }
0x47: {  	_ =	shalt  }
0x48: {  	_ =	shalt  }
0x49: {  	_ =	shalt  }
0x4a: {  	_ =	shalt  }
0x4b: {  	_ =	shalt  }
0x4c: {  	_ =	shalt  }
0x4d: {  	_ =	shalt  }
0x4e: {  	_ =	shalt  }
0x4f: {  	_ =	shalt  }
0x50: {  	_ =	shalt  }
0x51: {  	_ =	shalt  }
0x52: {  	_ =	shalt  }
0x53: {  	_ =	shalt  }
0x54: {  	_ =	shalt  }
0x55: {  	_ =	shalt  }
0x56: {  	_ =	shalt  }
0x57: {  	_ =	shalt  }
0x58: {  	_ =	shalt  }
0x59: {  	_ =	shalt  }
0x5a: {  	_ =	shalt  }
0x5b: {  	_ =	shalt  }
0x5c: {  	_ =	shalt  }
0x5d: {  	_ =	shalt  }
0x5e: {  	_ =	shalt  }
0x5f: {  	_ =	shalt  }
0x60: {  	_ =	shalt  }
0x61: {  	_ =	shalt  }
0x62: {  	_ =	shalt  }
0x63: {  	_ =	shalt  }
0x64: {  	_ =	shalt  }
0x65: {  	_ =	shalt  }
0x66: {  	_ =	shalt  }
0x67: {  	_ =	shalt  }
0x68: {  	_ =	shalt  }
0x69: {  	_ =	shalt  }
0x6a: {  	_ =	shalt  }
0x6b: {  	_ =	shalt  }
0x6c: {  	_ =	shalt  }
0x6d: {  	_ =	shalt  }
0x6e: {  	_ =	shalt  }
0x6f: {  	_ =	shalt  }
0x70: {  	_ =	shalt  }
0x71: {  	_ =	shalt  }
0x72: {  	_ =	shalt  }
0x73: {  	_ =	shalt  }
0x74: {  	_ =	shalt  }
0x75: {  	_ =	shalt  }
0x76: {  	_ =	shalt  }
0x77: {  	_ =	shalt  }
0x78: {  	_ =	shalt  }
0x79: {  	_ =	shalt  }
0x7a: {  	_ =	shalt  }
0x7b: {  	_ =	shalt  }
0x7c: {  	_ =	shalt  }
0x7d: {  	_ =	shalt  }
0x7e: {  	_ =	shalt  }
0x7f: {  	_ =	shalt  }
0x80: {  	_ =	shalt  }
0x81: {  	_ =	shalt  }
0x82: {  	_ =	shalt  }
0x83: {  	_ =	shalt  }
0x84: {  	_ =	shalt  }
0x85: {  	_ =	shalt  }
0x86: {  	_ =	shalt  }
0x87: {  	_ =	shalt  }
.Lfunc_end0:
.L_simem_size_0:
called_computation.2_lowered:
.L_overlay_start_0:
0x88: {  	s2 =	sld [smem:$0x3FD9]  }
0x89: {  	s3 =	sld [smem:$0x3FFE];
	_ =	sdelay $0x1  }
0x8a: {  	s1 =	srdreg.scid  }
0x8b: {  	s0 =	sand.u32 $0x1, s1  }
0x8c: {  	s14 =	sshll.u32 s0, $0xA;
	s2 =	sadd.s32 s3, s2  }
0x8d: {  	s2 =	sadd.s32 s2, s14  }
0x8e: {  	[smem:$0x3FBA] =	sst s2  }
0x8f: {  	_ = 	snop  }
0x90: {  	s2 =	sld [smem:$0x3FD0];
	_ =	sdelay $0x2  }
0x91: {  	s15 =	simm.s32 $0xA;
	s4 =	simm.s32 $0x10  }
0x92: {  	[smem:s4], [sflag:s15] =	dma.local [hbm:s2], $0x1  }
0x93: {  	_ =	swait.eq [sflag:s15], $0x1  }
0x94: {  	[sflag:s15] =	ssyncset.done $0x0  }
0x95: {  	[sflag:s15] =	ssyncadd.s32 $0xFFFFFFFF  }
0x96: {  	s16 =	sld [smem:$0x11];
	(tm) =	ssettm $0x1  }
0x97: {  	s17 =	sld [smem:$0x3FFB];
	_ =	sdelay $0x3  }
0x98: {  	_ =	strace s17  }
0x99: {  	s3 =	sld [smem:$0x3FFC];
	_ =	sdelay $0x3  }
0x9a: {  	_ =	strace s3  }
0x9b: {  	s3 =	sld [smem:$0x3FFD];
	_ =	sdelay $0x3  }
0x9c: {  	_ =	strace s3  }
0x9d: {  	_ =	strace $0x8FFFFFFF  }
0x9e: {  	s18 =	sld [smem:$0x3FDB];
	_ =	sdelay $0x1  }
0x9f: {  	s19 =	simm.s32 $_scs_section_size  }
0xa0: {  	s5 =	simm.s32 $_size__tile_overlayer_lowered;
	s6 =	simm.s32 $_tile_overlayer_lowered  }
0xa1: {  	s22 =	simm.s32 $0x1BFF;
	s21 =	sshll.u32 s6, $0x1;
	s3 =	sadd.s32 s19, s18  }
0xa2: {  	s7 =	simm.s32 $0x0;
	s20 =	sshll.u32 s5, $0x1;
	s5 =	sadd.s32 s21, s3  }
0xa3: {  	[timem:s7], [sflag:s22] =	dma.local [hbm:s5], s20  }
0xa4: {  	_ =	swait.ge [sflag:s22], s20  }
0xa5: {  	s4 =	ssub.s32 $0x0, s20;
	[sflag:s22] =	ssyncset.done $0x0  }
0xa6: {  	[sflag:s22] =	ssyncadd.s32 s4;
	_ =	sdelay $0x1  }
0xa7: {  	s23 =	simm.s32 $0x1B8B  }
0xa8: {  	_ =	swait.ge [sflag:s23], $0x1  }
0xa9: {  	[sflag:s23] =	ssyncset.done $0x0  }
0xaa: {  	s25 =	simm.s32 $0x1B8E;
	s24 =	sld [smem:$0x3FFE];
	[sflag:s23] =	ssyncadd.s32 $0xFFFFFFFF  }
0xab: {  	s26 =	simm.s32 $execute0_lowered;
	[smem:$0x3FD2] =	sst s25  }
0xac: {  	s5 =	sshll.u32 s26, $0x1;
	_ =	strace $0x8000004C;
	[dreg:$0x1] =	wrdreg $0xFFFFFFFF  }
0xad: {  	s28 =	simm.s32 $_size_execute0_lowered;
	s3 =	sadd.s32 s3, s5;
	[dreg:$0x0] =	wrdreg $0x0  }
0xae: {  	s5 =	sshll.u32 s28, $0x1;
	[dreg:$0x2] =	wrdreg s3  }
0xaf: {  	[dreg:$0x3] =	wrdreg s5  }
0xb0: {  	[dreg:$0x4] =	wrdreg $0xC0  }
0xb1: {  	_ =	task [dreg:s7], $0x5FFFF  }
0xb2: {  	[dreg:$0x1] =	wrdreg $0xFFFFFFFF  }
0xb3: {  	[dreg:$0x0] =	wrdreg $0x60  }
0xb4: {  	[dreg:$0x2] =	wrdreg s16  }
0xb5: {  	[dreg:$0x3] =	wrdreg s24  }
0xb6: {  	[dreg:$0x4] =	wrdreg $0x9  }
0xb7: {  	_ =	task.clear_ibuf [dreg:s7], $0x5FFFF;
	_ =	strace $0x9000004C  }
0xb8: {  	s29 =	simm.s32 $0x9;
	_ =	strace $0x8000004E  }
0xb9: {  	_ =	swait.ge [sflag:s29], $0x1  }
0xba: {  	[sflag:s29] =	ssyncadd.s32 $0xFFFFFFFF  }
0xbb: {  	_ =	strace $0x9000004E  }
0xbc: {  	_ =	sfence  }
0xbd: {  	s30 =	sld [smem:$0x0];
	_ =	sdelay $0x2  }
0xbe: {  	s31 =	sshll.u32 s1, $0xD;
	s1 =	sshrl.u32 s1, $0x2  }
0xbf: {  	s3 =	sand.u32 $0x4000, s31;
	s1 =	sadd.s32 s1, s30  }
0xc0: {  	s0 =	sor.u32 s3, s0;
	s1 =	sshll.u32 s1, $0x11  }
0xc1: {  	s0 =	sor.u32 s1, s0  }
0xc2: {  	s0 =	sadd.s32 $0x8F2B, s0  }
0xc3: {  	[sflag:s0] =	ssyncadd.remote.s32 $0x1  }
0xc4: {  	_ =	sfence.sel $0xFFFF  }
0xc5: {  	[dreg:$0x0] =	wrdreg $0xFFFFFFFF;
	(pc) =	sbr.abs _section_cstart, $3  }
0xc6: {  	[dreg:$0x1] =	wrdreg $0xFFFFFFFF  }
0xc7: {  	_ =	task.clear_ibuf [dreg:s7], $0x2FFFF;
	_ =	strace $0x9FFFFFFF  }
0xc8: {  	(tm) =	ssettm $0x7FFFFFFF  }
0xc9: {  	_ =	shalt  }
tec
execute0_lowered:
.L_overlay_start_1:
0x0: {  	(tag) =	ssettag $0x1  }
0x1: {  	s1 =	rddreg [dreg:$0x0]  }
0x2: {  	s0 =	rddreg [dreg:$0x1];
	s3 =	simm.s32 $0x0  }
0x3: {  	s2 =	srdreg.scid;
	s5 =	stileid.u32;
	s8 =	simm.s32 $0x2000  }
0x4: {  	s9 =	simm.s32 $0x2800;
	s10 =	simm.s32 $0x3000;
	s11 =	simm.s32 $0x3800  }
0x5: {  	s12 =	simm.s32 $0x4000;
	s13 =	simm.s32 $0x4800;
	s14 =	simm.s32 $0x5000  }
0x6: {  	s15 =	simm.s32 $0x5800;
	s16 =	simm.s32 $0x6000;
	s17 =	simm.s32 $0x6800  }
0x7: {  	s18 =	simm.s32 $0x1;
	s19 =	simm.s32 $0x7000;
	s20 =	simm.s32 $0x7800  }
0x8: {  	s21 =	simm.s32 $0x8000;
	s22 =	simm.s32 $0x8800;
	s23 =	simm.s32 $0x9000  }
0x9: {  	s24 =	simm.s32 $0x9800;
	s28 =	simm.s32 $0xB000;
	s29 =	simm.s32 $0xB800  }
0xa: {  	s30 =	simm.s32 $0x2;
	s31 =	simm.s32 $0x0;
	[smem:$0x7FF] =	sst s3  }
0xb: {  	s2 =	sand.u32 $0x1, s2;
	s4 =	sshll.u32 s5, $0xB;
	s5 =	smul.u32 $0x50000, s5  }
0xc: {  	s6 =	sshll.u32 s2, $0xA;
	s7 =	ssub.s32 $0x2, s2;
	s2 =	smul.u32 $0x28000, s2  }
.Ltmp0:
0xd: {  	_ =	strace $0x8000004D;
	s4 =	sor.u32 s6, s4;
	(pc) =	sbr.rel .LBB2_1-.Ltmp0, $4  }
0xe: {  	s5 =	sadd.s32 s5, s0;
	s25 =	sshrl.u32 s7, $0x1;
	s0 =	sadd.s32 s4, s0  }
0xf: {  	v2 =	vlaneseq.u32;
	s26 =	ssub.s32 s7, s25;
	s2 =	sadd.s32 s2, s5;
	s7 =	simm.s32 $0x3  }
0x10: {  	vm0 =	vmmov $0xffff;
	v1 =	vshrl.u32 v2, $0x3;
	s25 =	simm.s32 $0xA000;
	s0 =	sadd.s32 $0x32E00, s0;
	s5 =	smax.u32 s26, $0x1  }
0x11: {  	v0 =	vand.u32 $0x7, v2;
	v2 =	vor.u32 $0x8, v2;
	v1 =	vmul.u32 $0x8, v1;
	s6 =	sadd.s32 $0x3AE00, s2;
	s26 =	simm.s32 $0xA800;
	[dreg:$0x3] =	wrdreg s0  }
.LBB2_5:
0x12: {  	s31 =	sadd.s32 $0x1, s31  }
0x13: {  	p0 =	sne.s32 s31, s5  }
.Ltmp1:
0x14: {  	_ = 	snop;
	(pc) =	sbr.rel @!p0 .LBB2_6-.Ltmp1, $1  }
0x15: {  	_ =	sdelay $0x3  }
.LBB2_1:
0x16: {  	s0 =	rddreg [dreg:$0x3]  }
0x17: {  	[tilespmem:s3], [sflag:$0x3] =	stream.linear.gather [hbm4b:s0+s3], $0x2000, $0x38;
	[tilespmem:$0xC000] =	vst v63  }
0x18: {  	_ =	swait.ge [sflag:s7], $0x2000  }
0x19: {  	[sflag:s7] =	ssyncset.done $0x0  }
0x1a: {  	[sflag:s7] =	ssyncadd.s32 $0xFFFFE000  }
0x1b: {  	v3 =	vld [tilespmem:$0x0];
	_ =	sdelay $0x4  }
0x1c: {  	v4 =	vshll.u32 v3, $0x1  }
0x1d: {  	v3 =	vand.u32 $0x7, v3;
	v4 =	vand.u32 $0xFFFFFFF0, v4  }
0x1e: {  	v3 =	vor.u32 v3, v4  }
0x1f: {  	v4 =	vperm.xlane v3, v0;
	_ =	sdelay $0x1  }
0x20: {  	v3 =	vperm.xlane v3, v2;
	v4 =	vadd.s32 v1, v4;
	_ =	sdelay $0x1  }
0x21: {  	v3 =	vadd.s32 v1, v3;
	_ =	sdelay $0x2  }
0x22: {  	[tilespmem:s8], [sflag:$0x1] =	stream.indirect_vreg.gather [hbm4b:s1+s3], $0x80, v4, vm0, $0xb8;
	[tilespmem:$0xC000] =	vst v63  }
0x23: {  	_ = 	snop  }
0x24: {  	[tilespmem:s9], [sflag:$0x1] =	stream.indirect_vreg.gather [hbm4b:s1+s3], $0x80, v3, vm0, $0xb8;
	[tilespmem:$0xC000] =	vst v63  }
0x25: {  	v3 =	vld [tilespmem:$0x10];
	_ =	sdelay $0x4  }
0x26: {  	v60 =	vshll.u32 v3, $0x1  }
0x27: {  	v3 =	vand.u32 $0x7, v3;
	v4 =	vand.u32 $0xFFFFFFF0, v60  }
0x28: {  	v3 =	vor.u32 v3, v4  }
0x29: {  	v4 =	vperm.xlane v3, v0;
	_ =	sdelay $0x1  }
0x2a: {  	v3 =	vperm.xlane v3, v2;
	v4 =	vadd.s32 v1, v4;
	_ =	sdelay $0x1  }
0x2b: {  	v3 =	vadd.s32 v1, v3;
	_ =	sdelay $0x2  }
0x2c: {  	[tilespmem:s10], [sflag:$0x1] =	stream.indirect_vreg.gather [hbm4b:s1+s3], $0x80, v4, vm0, $0xb8;
	[tilespmem:$0xC000] =	vst v63  }
0x2d: {  	_ = 	snop  }
0x2e: {  	[tilespmem:s11], [sflag:$0x1] =	stream.indirect_vreg.gather [hbm4b:s1+s3], $0x80, v3, vm0, $0xb8;
	[tilespmem:$0xC000] =	vst v63  }
0x2f: {  	v3 =	vld [tilespmem:$0x20];
	_ =	sdelay $0x4  }
0x30: {  	v61 =	vshll.u32 v3, $0x1  }
0x31: {  	v3 =	vand.u32 $0x7, v3;
	v4 =	vand.u32 $0xFFFFFFF0, v61  }
0x32: {  	v3 =	vor.u32 v3, v4  }
0x33: {  	v4 =	vperm.xlane v3, v0;
	_ =	sdelay $0x1  }
0x34: {  	v3 =	vperm.xlane v3, v2;
	v4 =	vadd.s32 v1, v4;
	_ =	sdelay $0x1  }
0x35: {  	v3 =	vadd.s32 v1, v3;
	_ =	sdelay $0x2  }
0x36: {  	[tilespmem:s12], [sflag:$0x1] =	stream.indirect_vreg.gather [hbm4b:s1+s3], $0x80, v4, vm0, $0xb8;
	[tilespmem:$0xC000] =	vst v63  }
0x37: {  	_ = 	snop  }
0x38: {  	[tilespmem:s13], [sflag:$0x1] =	stream.indirect_vreg.gather [hbm4b:s1+s3], $0x80, v3, vm0, $0xb8;
	[tilespmem:$0xC000] =	vst v63  }
0x39: {  	v3 =	vld [tilespmem:$0x30];
	_ =	sdelay $0x4  }
0x3a: {  	v62 =	vshll.u32 v3, $0x1  }
0x3b: {  	v3 =	vand.u32 $0x7, v3;
	v4 =	vand.u32 $0xFFFFFFF0, v62  }
0x3c: {  	v3 =	vor.u32 v3, v4  }
0x3d: {  	v4 =	vperm.xlane v3, v0;
	_ =	sdelay $0x1  }
0x3e: {  	v3 =	vperm.xlane v3, v2;
	v4 =	vadd.s32 v1, v4;
	_ =	sdelay $0x1  }
0x3f: {  	v3 =	vadd.s32 v1, v3;
	_ =	sdelay $0x2  }
0x40: {  	[tilespmem:s14], [sflag:$0x1] =	stream.indirect_vreg.gather [hbm4b:s1+s3], $0x80, v4, vm0, $0xb8;
	[tilespmem:$0xC000] =	vst v63  }
0x41: {  	_ = 	snop  }
0x42: {  	[tilespmem:s15], [sflag:$0x1] =	stream.indirect_vreg.gather [hbm4b:s1+s3], $0x80, v3, vm0, $0xb8;
	[tilespmem:$0xC000] =	vst v63  }
0x43: {  	v3 =	vld [tilespmem:$0x40];
	_ =	sdelay $0x4  }
0x44: {  	v63 =	vshll.u32 v3, $0x1  }
0x45: {  	v3 =	vand.u32 $0x7, v3;
	v4 =	vand.u32 $0xFFFFFFF0, v63  }
0x46: {  	v3 =	vor.u32 v3, v4  }
0x47: {  	v4 =	vperm.xlane v3, v0;
	_ =	sdelay $0x1  }
0x48: {  	v3 =	vperm.xlane v3, v2;
	v4 =	vadd.s32 v1, v4;
	_ =	sdelay $0x1  }
0x49: {  	v3 =	vadd.s32 v1, v3  }
.Ltmp2:
0x4a: {  	_ = 	snop;
	(pc) =	sbr.rel .LBB2_2-.Ltmp2, $4  }
0x4b: {  	_ = 	snop  }
0x4c: {  	[tilespmem:s16], [sflag:$0x1] =	stream.indirect_vreg.gather [hbm4b:s1+s3], $0x80, v4, vm0, $0xb8;
	[tilespmem:$0xC000] =	vst v63  }
0x4d: {  	s2 =	simm.s32 $0x0;
	s0 =	simm.s32 $0xA0  }
0x4e: {  	[tilespmem:s17], [sflag:$0x1] =	stream.indirect_vreg.gather [hbm4b:s1+s3], $0x80, v3, vm0, $0xb8;
	[tilespmem:$0xC000] =	vst v63  }
.LBB2_4:
0x4f: {  	s2 =	sadd.s32 $0x1400, s2  }
0x50: {  	p0 =	sne.s32 s2, $0x28000  }
.Ltmp3:
0x51: {  	s4 =	sadd.s32 $0xA00, s4;
	(pc) =	sbr.rel @!p0 .LBB2_5-.Ltmp3, $4  }
0x52: {  	[hbm4b:s4+s3] =	stream.linear.scatter [tilespmem:s19], [sflag:$0x3], $0x5000, $0x38;
	[tilespmem:$0xC000] =	vst v63  }
0x53: {  	_ =	swait.ge [sflag:s7], $0x5000  }
0x54: {  	[sflag:s7] =	ssyncset.done $0x0  }
0x55: {  	s0 =	sadd.s32 $0x100, s0;
	[sflag:s7] =	ssyncadd.s32 $0xFFFFB000  }
.LBB2_2:
0x56: {  	_ =	swait.ge [sflag:s18], $0x5000  }
0x57: {  	[sflag:s18] =	ssyncset.done $0x0  }
0x58: {  	[sflag:s18] =	ssyncadd.s32 $0xFFFFB000  }
0x59: {  	v3 =	vld [tilespmem:s0+$0xFFFFFFE0];
	_ =	sdelay $0x4  }
0x5a: {  	v4 =	vshll.u32 v3, $0x1  }
0x5b: {  	v3 =	vand.u32 $0x7, v3;
	v4 =	vand.u32 $0xFFFFFFF0, v4  }
0x5c: {  	v3 =	vor.u32 v3, v4  }
0x5d: {  	v4 =	vperm.xlane v3, v0;
	_ =	sdelay $0x1  }
0x5e: {  	v3 =	vperm.xlane v3, v2;
	v4 =	vadd.s32 v1, v4;
	_ =	sdelay $0x1  }
0x5f: {  	v3 =	vadd.s32 v1, v3;
	_ =	sdelay $0x2  }
0x60: {  	[tilespmem:s19], [sflag:$0x2] =	stream.indirect_vreg.gather [hbm4b:s1+s3], $0x80, v4, vm0, $0xb8;
	[tilespmem:$0xC000] =	vst v63  }
0x61: {  	_ = 	snop  }
0x62: {  	[tilespmem:s20], [sflag:$0x2] =	stream.indirect_vreg.gather [hbm4b:s1+s3], $0x80, v3, vm0, $0xb8;
	[tilespmem:$0xC000] =	vst v63  }
0x63: {  	v3 =	vld [tilespmem:s0+$0xFFFFFFF0];
	_ =	sdelay $0x4  }
0x64: {  	v60 =	vshll.u32 v3, $0x1  }
0x65: {  	v3 =	vand.u32 $0x7, v3;
	v4 =	vand.u32 $0xFFFFFFF0, v60  }
0x66: {  	v3 =	vor.u32 v3, v4  }
0x67: {  	v4 =	vperm.xlane v3, v0;
	_ =	sdelay $0x1  }
0x68: {  	v3 =	vperm.xlane v3, v2;
	v4 =	vadd.s32 v1, v4;
	_ =	sdelay $0x1  }
0x69: {  	v3 =	vadd.s32 v1, v3;
	_ =	sdelay $0x2  }
0x6a: {  	[tilespmem:s21], [sflag:$0x2] =	stream.indirect_vreg.gather [hbm4b:s1+s3], $0x80, v4, vm0, $0xb8;
	[tilespmem:$0xC000] =	vst v63  }
0x6b: {  	_ = 	snop  }
0x6c: {  	[tilespmem:s22], [sflag:$0x2] =	stream.indirect_vreg.gather [hbm4b:s1+s3], $0x80, v3, vm0, $0xb8;
	[tilespmem:$0xC000] =	vst v63  }
0x6d: {  	v3 =	vld [tilespmem:s0+$0x0];
	_ =	sdelay $0x4  }
0x6e: {  	v61 =	vshll.u32 v3, $0x1  }
0x6f: {  	v3 =	vand.u32 $0x7, v3;
	v4 =	vand.u32 $0xFFFFFFF0, v61  }
0x70: {  	v3 =	vor.u32 v3, v4  }
0x71: {  	v4 =	vperm.xlane v3, v0;
	_ =	sdelay $0x1  }
0x72: {  	v3 =	vperm.xlane v3, v2;
	v4 =	vadd.s32 v1, v4;
	_ =	sdelay $0x1  }
0x73: {  	v3 =	vadd.s32 v1, v3;
	_ =	sdelay $0x2  }
0x74: {  	[tilespmem:s23], [sflag:$0x2] =	stream.indirect_vreg.gather [hbm4b:s1+s3], $0x80, v4, vm0, $0xb8;
	[tilespmem:$0xC000] =	vst v63  }
0x75: {  	_ = 	snop  }
0x76: {  	[tilespmem:s24], [sflag:$0x2] =	stream.indirect_vreg.gather [hbm4b:s1+s3], $0x80, v3, vm0, $0xb8;
	[tilespmem:$0xC000] =	vst v63  }
0x77: {  	v3 =	vld [tilespmem:s0+$0x10];
	_ =	sdelay $0x4  }
0x78: {  	v62 =	vshll.u32 v3, $0x1  }
0x79: {  	v3 =	vand.u32 $0x7, v3;
	v4 =	vand.u32 $0xFFFFFFF0, v62  }
0x7a: {  	v3 =	vor.u32 v3, v4  }
0x7b: {  	v4 =	vperm.xlane v3, v0;
	_ =	sdelay $0x1  }
0x7c: {  	v3 =	vperm.xlane v3, v2;
	v4 =	vadd.s32 v1, v4;
	_ =	sdelay $0x1  }
0x7d: {  	v3 =	vadd.s32 v1, v3;
	_ =	sdelay $0x2  }
0x7e: {  	[tilespmem:s25], [sflag:$0x2] =	stream.indirect_vreg.gather [hbm4b:s1+s3], $0x80, v4, vm0, $0xb8;
	[tilespmem:$0xC000] =	vst v63  }
0x7f: {  	_ = 	snop  }
0x80: {  	[tilespmem:s26], [sflag:$0x2] =	stream.indirect_vreg.gather [hbm4b:s1+s3], $0x80, v3, vm0, $0xb8;
	[tilespmem:$0xC000] =	vst v63  }
0x81: {  	v3 =	vld [tilespmem:s0+$0x20];
	_ =	sdelay $0x4  }
0x82: {  	v63 =	vshll.u32 v3, $0x1  }
0x83: {  	v3 =	vand.u32 $0x7, v3;
	v4 =	vand.u32 $0xFFFFFFF0, v63  }
0x84: {  	v3 =	vor.u32 v3, v4  }
0x85: {  	v4 =	vperm.xlane v3, v0;
	_ =	sdelay $0x1  }
0x86: {  	v3 =	vperm.xlane v3, v2;
	v4 =	vadd.s32 v1, v4;
	_ =	sdelay $0x1  }
0x87: {  	v3 =	vadd.s32 v1, v3;
	_ =	sdelay $0x2  }
0x88: {  	[tilespmem:s28], [sflag:$0x2] =	stream.indirect_vreg.gather [hbm4b:s1+s3], $0x80, v4, vm0, $0xb8;
	[tilespmem:$0xC000] =	vst v63  }
0x89: {  	_ = 	snop  }
0x8a: {  	[tilespmem:s29], [sflag:$0x2] =	stream.indirect_vreg.gather [hbm4b:s1+s3], $0x80, v3, vm0, $0xb8;
	[tilespmem:$0xC000] =	vst v63  }
0x8b: {  	s4 =	sadd.s32 s2, s6  }
0x8c: {  	[hbm4b:s4+s3] =	stream.linear.scatter [tilespmem:s8], [sflag:$0x3], $0x5000, $0x38;
	[tilespmem:$0xC000] =	vst v63  }
0x8d: {  	p0 =	seq.s32 s2, $0x26C00;
	_ =	swait.ge [sflag:s7], $0x5000  }
.Ltmp4:
0x8e: {  	[sflag:s7] =	ssyncset.done $0x0;
	(pc) =	sbr.rel @p0 .LBB2_4-.Ltmp4, $4  }
0x8f: {  	[sflag:s7] =	ssyncadd.s32 $0xFFFFB000  }
0x90: {  	_ =	swait.ge [sflag:s30], $0x5000  }
0x91: {  	[sflag:s30] =	ssyncset.done $0x0  }
0x92: {  	[sflag:s30] =	ssyncadd.s32 $0xFFFFB000  }
0x93: {  	v3 =	vld [tilespmem:s0+$0x60];
	_ =	sdelay $0x4  }
0x94: {  	v4 =	vshll.u32 v3, $0x1  }
0x95: {  	v3 =	vand.u32 $0x7, v3;
	v4 =	vand.u32 $0xFFFFFFF0, v4  }
0x96: {  	v3 =	vor.u32 v3, v4  }
0x97: {  	v4 =	vperm.xlane v3, v0;
	_ =	sdelay $0x1  }
0x98: {  	v3 =	vperm.xlane v3, v2;
	v4 =	vadd.s32 v1, v4;
	_ =	sdelay $0x1  }
0x99: {  	v3 =	vadd.s32 v1, v3;
	_ =	sdelay $0x2  }
0x9a: {  	[tilespmem:s8], [sflag:$0x1] =	stream.indirect_vreg.gather [hbm4b:s1+s3], $0x80, v4, vm0, $0xb8;
	[tilespmem:$0xC000] =	vst v63  }
0x9b: {  	_ = 	snop  }
0x9c: {  	[tilespmem:s9], [sflag:$0x1] =	stream.indirect_vreg.gather [hbm4b:s1+s3], $0x80, v3, vm0, $0xb8;
	[tilespmem:$0xC000] =	vst v63  }
0x9d: {  	v3 =	vld [tilespmem:s0+$0x70];
	_ =	sdelay $0x4  }
0x9e: {  	v60 =	vshll.u32 v3, $0x1  }
0x9f: {  	v3 =	vand.u32 $0x7, v3;
	v4 =	vand.u32 $0xFFFFFFF0, v60  }
0xa0: {  	v3 =	vor.u32 v3, v4  }
0xa1: {  	v4 =	vperm.xlane v3, v0;
	_ =	sdelay $0x1  }
0xa2: {  	v3 =	vperm.xlane v3, v2;
	v4 =	vadd.s32 v1, v4;
	_ =	sdelay $0x1  }
0xa3: {  	v3 =	vadd.s32 v1, v3;
	_ =	sdelay $0x2  }
0xa4: {  	[tilespmem:s10], [sflag:$0x1] =	stream.indirect_vreg.gather [hbm4b:s1+s3], $0x80, v4, vm0, $0xb8;
	[tilespmem:$0xC000] =	vst v63  }
0xa5: {  	_ = 	snop  }
0xa6: {  	[tilespmem:s11], [sflag:$0x1] =	stream.indirect_vreg.gather [hbm4b:s1+s3], $0x80, v3, vm0, $0xb8;
	[tilespmem:$0xC000] =	vst v63  }
0xa7: {  	v3 =	vld [tilespmem:s0+$0x80];
	_ =	sdelay $0x4  }
0xa8: {  	v61 =	vshll.u32 v3, $0x1  }
0xa9: {  	v3 =	vand.u32 $0x7, v3;
	v4 =	vand.u32 $0xFFFFFFF0, v61  }
0xaa: {  	v3 =	vor.u32 v3, v4  }
0xab: {  	v4 =	vperm.xlane v3, v0;
	_ =	sdelay $0x1  }
0xac: {  	v3 =	vperm.xlane v3, v2;
	v4 =	vadd.s32 v1, v4;
	_ =	sdelay $0x1  }
0xad: {  	v3 =	vadd.s32 v1, v3;
	_ =	sdelay $0x2  }
0xae: {  	[tilespmem:s12], [sflag:$0x1] =	stream.indirect_vreg.gather [hbm4b:s1+s3], $0x80, v4, vm0, $0xb8;
	[tilespmem:$0xC000] =	vst v63  }
0xaf: {  	_ = 	snop  }
0xb0: {  	[tilespmem:s13], [sflag:$0x1] =	stream.indirect_vreg.gather [hbm4b:s1+s3], $0x80, v3, vm0, $0xb8;
	[tilespmem:$0xC000] =	vst v63  }
0xb1: {  	v3 =	vld [tilespmem:s0+$0x90];
	_ =	sdelay $0x4  }
0xb2: {  	v62 =	vshll.u32 v3, $0x1  }
0xb3: {  	v3 =	vand.u32 $0x7, v3;
	v4 =	vand.u32 $0xFFFFFFF0, v62  }
0xb4: {  	v3 =	vor.u32 v3, v4  }
0xb5: {  	v4 =	vperm.xlane v3, v0;
	_ =	sdelay $0x1  }
0xb6: {  	v3 =	vperm.xlane v3, v2;
	v4 =	vadd.s32 v1, v4;
	_ =	sdelay $0x1  }
0xb7: {  	v3 =	vadd.s32 v1, v3;
	_ =	sdelay $0x2  }
0xb8: {  	[tilespmem:s14], [sflag:$0x1] =	stream.indirect_vreg.gather [hbm4b:s1+s3], $0x80, v4, vm0, $0xb8;
	[tilespmem:$0xC000] =	vst v63  }
0xb9: {  	_ = 	snop  }
0xba: {  	[tilespmem:s15], [sflag:$0x1] =	stream.indirect_vreg.gather [hbm4b:s1+s3], $0x80, v3, vm0, $0xb8;
	[tilespmem:$0xC000] =	vst v63  }
0xbb: {  	v3 =	vld [tilespmem:s0+$0xA0];
	_ =	sdelay $0x4  }
0xbc: {  	v63 =	vshll.u32 v3, $0x1  }
0xbd: {  	v3 =	vand.u32 $0x7, v3;
	v4 =	vand.u32 $0xFFFFFFF0, v63  }
0xbe: {  	v3 =	vor.u32 v3, v4  }
0xbf: {  	v4 =	vperm.xlane v3, v0;
	_ =	sdelay $0x1  }
0xc0: {  	v3 =	vperm.xlane v3, v2;
	v4 =	vadd.s32 v1, v4;
	_ =	sdelay $0x1  }
0xc1: {  	v3 =	vadd.s32 v1, v3  }
.Ltmp5:
0xc2: {  	_ = 	snop;
	(pc) =	sbr.rel .LBB2_4-.Ltmp5, $4  }
0xc3: {  	_ = 	snop  }
0xc4: {  	[tilespmem:s16], [sflag:$0x1] =	stream.indirect_vreg.gather [hbm4b:s1+s3], $0x80, v4, vm0, $0xb8;
	[tilespmem:$0xC000] =	vst v63  }
0xc5: {  	_ = 	snop  }
0xc6: {  	[tilespmem:s17], [sflag:$0x1] =	stream.indirect_vreg.gather [hbm4b:s1+s3], $0x80, v3, vm0, $0xb8;
	[tilespmem:$0xC000] =	vst v63  }
.LBB2_6:
0xc7: {  	_ =	sfence.sel $0x180000  }
0xc8: {  	[bflag:$0x0] =	sbarrier.arrive $0xFFFF  }
0xc9: {  	_ =	strace $0x9000004D  }
0xca: {  	s0 =	stileid.u32;
	[bflag:$0x2] =	sbarrier.arrive $0xFFFF  }
0xcb: {  	p0 =	sne.s32 s0, $0x0;
	s0 =	rddreg [dreg:$0x2]  }
0xcc: {  	s0 =	sadd.s32 @!p0 $0x100000, s0  }
0xcd: {  	[sflag:s0] =	ssyncadd.tile.s32 @!p0 $0x1;
	_ =	shalt  }
.Lfunc_end2:
_tile_overlayer_lowered:
.L_overlay_start_2:
0xce: {  	(tag) =	ssettag $0x2  }
0xcf: {  	s0 =	rddreg [dreg:$0x0];
	s2 =	stileid.u32  }
0xd0: {  	s1 =	rddreg [dreg:$0x1];
	p0 =	sne.s32 s2, $0x0  }
0xd1: {  	s3 =	rddreg [dreg:$0x2];
	[bflag:$0x3] =	sbarrier.arrive $0xFFFF;
	s2 =	simm.s32 @!p0 $0x1C03  }
0xd2: {  	[timem:s3], [sflag:s2] =	dma.local @!p0 [hbm:s0], s1  }
0xd3: {  	s0 =	simm.s32 @!p0 $0x3  }
0xd4: {  	_ =	swait.ge @!p0 [sflag:s0], s1  }
0xd5: {  	s1 =	ssub.s32 @!p0 $0x0, s1;
	[sflag:s0] =	ssyncset.done @!p0 $0x0  }
0xd6: {  	[sflag:s0] =	ssyncadd.s32 @!p0 s1  }
0xd7: {  	[bflag:$0x3] =	sbarrier.arrive $0xFFFF  }
0xd8: {  	_ =	shalt  }

</sc_bundles>
